<compile_context>
chip_gen: v7x
topology: tpu7x:2x2x1
jax: 0.10.2.dev20260603
libtpu: 0.0.44.dev20260713+nightly
codegen_flags: <defaults>
</compile_context>

<pallas_src>
import functools

import jax
import jax.numpy as jnp
from jax import lax
from jax.experimental import pallas as pl
from jax.experimental.pallas import tpu as pltpu
from jax.experimental.pallas import tpu_sc as plsc

L = 16
UPSCALE = 2
H = 2048
W = 2048
NTILES = 32
ROWS_PER_TILE = H // NTILES
CHUNK = 4
NCHUNKS = ROWS_PER_TILE // CHUNK
CBLKS = W // 16
OW = W * UPSCALE
NROW = CHUNK + 2
WROW = 2304
IMG0 = 128
IBSZ = NROW * WROW
ORPC = CHUNK * UPSCALE

_PERMS = ((0, 1, 2, 3), (2, 0, 3, 1), (3, 2, 1, 0), (1, 3, 0, 2))


def _build_table(lsb_weight):
    wt = 0.5 * jnp.trunc(lsb_weight.astype(jnp.float32))
    parts = []
    for t in range(8):
        k, r = (0, t) if t < 4 else (1, t - 4)
        parts.append(wt[k][:, jnp.array(_PERMS[r])])
    tt = jnp.stack(parts).reshape(8, 16, 16, 4)
    comb = tt[0::2][:, :, :, None, :] + tt[1::2][:, :, None, :, :]
    u = lax.bitcast_convert_type(comb.astype(jnp.bfloat16), jnp.uint16).astype(
        jnp.uint32
    )
    pair01 = u[..., 0] | (u[..., 1] << 16)
    pair23 = u[..., 2] | (u[..., 3] << 16)
    packed = jnp.stack([pair01, pair23], axis=-1)
    packed = packed.transpose(0, 2, 3, 4, 1)
    return lax.bitcast_convert_type(packed, jnp.int32).reshape(-1)


def _sc_kernel(img_hbm, t_hbm, out_hbm, tbl, ibuf, obuf, si0, si1, so0, so1):
    nc = 2
    wid = lax.axis_index("s") * nc + lax.axis_index("c")
    row0 = wid * ROWS_PER_TILE
    pltpu.sync_copy(t_hbm, tbl)
    ii = lax.iota(jnp.int32, 16)
    ii2 = ii * 2
    zz = ii * 0

    def in_rows(ck, half, sem):
        r_in = row0 + ck * CHUNK
        for d in range(NROW):
            m = r_in + d - 1
            m = jnp.where(m < 0, 1, jnp.where(m > H - 1, H - 2, m))
            yield pltpu.make_async_copy(
                img_hbm.at[m],
                ibuf.at[pl.ds((half * NROW + d) * WROW + IMG0, W)],
                sem,
            )

    gmask = ii < 2 * NROW
    gd = jnp.minimum(ii >> 1, NROW - 1)
    gs = ii & 1
    gsrc0 = gd * WROW + (IMG0 + 1) + gs * (W - 3)

    def fix_guards(half):
        src = gsrc0 + half * IBSZ
        vals = plsc.load_gather(ibuf, [src], mask=gmask)
        plsc.store_scatter(ibuf, [src - 2 + gs * 4], vals, mask=gmask)

    def out_copy(ck, half, sem):
        r_in = row0 + ck * CHUNK
        return pltpu.make_async_copy(
            obuf.at[pl.ds(half * ORPC, ORPC), :],
            out_hbm.at[pl.ds(r_in * UPSCALE, ORPC), :],
            sem,
        )

    tbl01 = [tbl.at[pl.ds(q * 8192, 8192)] for q in range(4)]
    tbl23 = [tbl.at[pl.ds(q * 8192 + 16, 8176)] for q in range(4)]

    def compute_chunk(half):
        ib_off = half * IBSZ
        obase = [zz + (half * ORPC + rr) for rr in range(ORPC)]

        def cb_body(cb, __):
            j0 = cb * 16
            rows = []
            for d in range(NROW):
                b = ib_off + d * WROW + IMG0 + j0
                rows.append((
                    ibuf[pl.ds(b - 1, 16)],
                    ibuf[pl.ds(b, 16)],
                    ibuf[pl.ds(b + 1, 16)],
                ))
            col0 = ii2 + j0 * 2
            col1 = col0 + 1
            shifted = {}

            def shift(key, v, s):
                k = (key, s)
                if k not in shifted:
                    shifted[k] = v << s
                return shifted[k]

            for r in range(CHUNK):
                upl, upc, upr = rows[r]
                cel, a, cer = rows[r + 1]
                dnl, dnc, dnr = rows[r + 2]
                qs = (
                    ((("r", r + 1), cer), (("c", r + 2), dnc)),
                    ((("l", r + 1), cel), (("c", r), upc)),
                    ((("r", r + 2), dnr), (("l", r + 2), dnl)),
                    ((("l", r), upl), (("r", r), upr)),
                )
                p01 = []
                p23 = []
                for q, ((k1, v1), (k2, v2)) in enumerate(qs):
                    base = a + shift(k1, v1, 9) + shift(k2, v2, 5)
                    g01 = plsc.load_gather(tbl01[q], [base])
                    g23 = plsc.load_gather(tbl23[q], [base])
                    p01.append(plsc.bitcast(g01, jnp.bfloat16))
                    p23.append(plsc.bitcast(g23, jnp.bfloat16))
                ipk = plsc.PackFormat.INTERLEAVED
                acc01 = ((p01[0] + p01[1]) + p01[2]) + p01[3]
                acc23 = ((p23[0] + p23[1]) + p23[2]) + p23[3]
                c0, c1 = plsc.unpack(acc01, format=ipk)
                c2, c3 = plsc.unpack(acc23, format=ipk)
                ra = obase[2 * r]
                rb = obase[2 * r + 1]
                plsc.store_scatter(obuf, [ra, col0], c0)
                plsc.store_scatter(obuf, [ra, col1], c1)
                plsc.store_scatter(obuf, [rb, col0], c2)
                plsc.store_scatter(obuf, [rb, col1], c3)
            return __

        lax.fori_loop(0, CBLKS, cb_body, 0)

    for c in in_rows(0, 0, si0):
        c.start()
    for c in in_rows(1, 1, si1):
        c.start()

    def pair_body(j, _):
        c0 = j * 2
        for c in in_rows(c0, 0, si0):
            c.wait()
        fix_guards(0)

        @pl.when(j > 0)
        def _w0():
            out_copy(c0 - 2, 0, so0).wait()

        compute_chunk(0)
        out_copy(c0, 0, so0).start()

        @pl.when(j < (NCHUNKS // 2 - 1))
        def _p0():
            for c in in_rows(c0 + 2, 0, si0):
                c.start()

        for c in in_rows(c0 + 1, 1, si1):
            c.wait()
        fix_guards(1)

        @pl.when(j > 0)
        def _w1():
            out_copy(c0 - 1, 1, so1).wait()

        compute_chunk(1)
        out_copy(c0 + 1, 1, so1).start()

        @pl.when(j < (NCHUNKS // 2 - 1))
        def _p1():
            for c in in_rows(c0 + 3, 1, si1):
                c.start()

        return _

    lax.fori_loop(0, NCHUNKS // 2, pair_body, 0)
    out_copy(NCHUNKS - 2, 0, so0).wait()
    out_copy(NCHUNKS - 1, 1, so1).wait()


@jax.jit
def kernel(img_lr, lsb_weight):
    img = img_lr.astype(jnp.int32)
    t_flat = _build_table(lsb_weight)

    mesh = plsc.VectorSubcoreMesh(core_axis_name="c", subcore_axis_name="s")
    run = functools.partial(
        pl.kernel,
        mesh=mesh,
        out_type=jax.ShapeDtypeStruct((UPSCALE * H, UPSCALE * W), jnp.float32),
        scratch_types=[
            pltpu.VMEM((4 * 4096 * 2,), jnp.int32),
            pltpu.VMEM((2 * IBSZ,), jnp.int32),
            pltpu.VMEM((2 * ORPC, OW), jnp.float32),
            pltpu.SemaphoreType.DMA,
            pltpu.SemaphoreType.DMA,
            pltpu.SemaphoreType.DMA,
            pltpu.SemaphoreType.DMA,
        ],
        compiler_params=pltpu.CompilerParams(needs_layout_passes=False),
    )(_sc_kernel)
    return run(img, t_flat)

# --- scband reference (transcript-rebuilt; emitter-appended) ---
"""Pipeline reference for scband-hdlut-87454124081250 (READ-ONLY COPY).

The authoritative reference and input builder live on the scoring server;
editing this copy changes nothing except your own understanding.
"""

import jax, jax.numpy as jnp
import numpy as np

L = 16
UPSCALE = 2

def get_slice(img, x, y, rot):
    # faithful port of the numpy get_slice: optional rotation, reflect pad by 2, cast, crop
    if rot == 1:
        img = img[:, ::-1].T
    elif rot == 2:
        img = img[::-1, ::-1]
    elif rot == 3:
        img = img[::-1, :].T
    dx, dy = img.shape
    img = jnp.pad(img, ((0, 2), (0, 2)), mode='reflect')
    # original code does .astype(np.int64); for float inputs that truncates toward zero.
    # jnp.trunc reproduces the same values while keeping a float dtype (autodiff-safe).
    if jnp.issubdtype(img.dtype, jnp.floating):
        img = jnp.trunc(img)
    else:
        img = img.astype(jnp.int64)
    return img[x:x + dx, y:y + dy]

def hdlut_forward(img_lr, lsb_weight):
    H, W = img_lr.shape
    out = jnp.zeros((H * UPSCALE, W * UPSCALE), dtype=jnp.float32)
    for ktype in ['h', 'd']:
        for r in [0, 1, 2, 3]:
            img_a = get_slice(img_lr, 0, 0, r)
            if ktype == 'h':
                weight = lsb_weight[0]
                img_b = get_slice(img_lr, 0, 1, r)
            else:
                weight = lsb_weight[1]
                img_b = get_slice(img_lr, 1, 1, r)
            idx = img_a.reshape(-1) * L + img_b.reshape(-1)
            tmp = jnp.take(weight, idx, axis=0)
            tmp = tmp.reshape(img_a.shape[0], img_a.shape[1], UPSCALE, UPSCALE)
            tmp = tmp.transpose(0, 2, 1, 3).reshape(img_a.shape[0] * UPSCALE, img_a.shape[1] * UPSCALE)
            out = out + get_slice(tmp, 0, 0, 4 - r)
    return out / 2

def setup_inputs(seed: int = 0):
    key = jax.random.key(seed)
    k1, k2 = jax.random.split(key)
    img_lr = jax.random.randint(k1, (2048, 2048), 0, L).astype(jnp.int64)
    # learned LUT parameter sized per init_kwargs: [2, L*L, upscale*upscale]
    # scaled to pixel-like magnitudes so the int64 truncation in get_slice is non-trivial
    lsb_weight = jax.random.normal(k2, (2, L * L, UPSCALE * UPSCALE), dtype=jnp.float32) * 127.0
    return {"img_lr": img_lr, "lsb_weight": lsb_weight}

def reference(img_lr, lsb_weight):
    return hdlut_forward(img_lr, lsb_weight)

if __name__ == "__main__":
    import jax
    _d = setup_inputs()
    print(jax.jit(kernel)(*tuple(_d.values())))

</pallas_src>

<mosaic_0001>
#map = affine_map<(d0, d1) -> (0, 0)>
#map1 = affine_map<(d0, d1) -> (0)>
module attributes {stable_mosaic.version = 14 : i64} {
  func.func @_sc_kernel(%arg0: i32, %arg1: i32, %arg2: memref<2048x2048xi32, #tpu.memory_space<hbm>>, %arg3: memref<32768xi32, #tpu.memory_space<hbm>>, %arg4: memref<4096x4096xf32, #tpu.memory_space<hbm>>, %arg5: memref<32768xi32, #tpu.memory_space<vmem>>, %arg6: memref<27648xi32, #tpu.memory_space<vmem>>, %arg7: memref<16x4096xf32, #tpu.memory_space<vmem>>, %arg8: memref<!tpu.dma_semaphore, #tpu.memory_space<semaphore_mem>>, %arg9: memref<!tpu.dma_semaphore, #tpu.memory_space<semaphore_mem>>, %arg10: memref<!tpu.dma_semaphore, #tpu.memory_space<semaphore_mem>>, %arg11: memref<!tpu.dma_semaphore, #tpu.memory_space<semaphore_mem>>) attributes {dimension_semantics = [#tpu.dimension_semantics<core_parallel>, #tpu.dimension_semantics<subcore_parallel>], iteration_bounds = array<i64: 2, 16>, scalar_prefetch = 0 : i64, scratch_operands = 7 : i64, tpu.core_type = #tpu.core_type<sc_vector_subcore>, window_params = [{transform_indices = #map}, {transform_indices = #map1}, {transform_indices = #map}]} {
    %mul3A = arith.constant 2 : i32
    %mul3A_0 = arith.muli %arg1, %mul3A : i32
    %add3A = arith.addi %mul3A_0, %arg0 : i32
    %mul3A_1 = arith.constant 64 : i32
    %mul3A_2 = arith.muli %add3A, %mul3A_1 : i32
    "tpu.region"() ({
      %run_scoped3A = tpu.sem_alloc : memref<!tpu.dma_semaphore, #tpu.memory_space<semaphore_mem>>
      tpu.enqueue_dma source(%arg3 : memref<32768xi32, #tpu.memory_space<hbm>>) target(%arg5 : memref<32768xi32, #tpu.memory_space<vmem>>) target_semaphore(%run_scoped3A : memref<!tpu.dma_semaphore, #tpu.memory_space<semaphore_mem>>)
      tpu.wait_dma2 semaphore(%run_scoped3A : memref<!tpu.dma_semaphore, #tpu.memory_space<semaphore_mem>>) src(%arg3 : memref<32768xi32, #tpu.memory_space<hbm>>) dst(%arg5 : memref<32768xi32, #tpu.memory_space<vmem>>)
      tpu.yield
    }) : () -> ()
    %iota3A = tpu.iota {dimensions = array<i32: 0>} : vector<16xi32>
    %mul3A_3 = arith.constant 2 : i32
    %mul3A_4 = vector.broadcast %mul3A_3 : i32 to vector<16xi32>
    %mul3A_5 = arith.muli %iota3A, %mul3A_4 : vector<16xi32>
    %mul3A_6 = arith.constant 0 : i32
    %mul3A_7 = vector.broadcast %mul3A_6 : i32 to vector<16xi32>
    %mul3A_8 = arith.muli %iota3A, %mul3A_7 : vector<16xi32>
    %lt3A = arith.constant 12 : i32
    %lt3A_9 = vector.broadcast %lt3A : i32 to vector<16xi32>
    %lt3A_10 = arith.cmpi slt, %iota3A, %lt3A_9 : vector<16xi32>
    %shift_right_arithmetic3A = arith.constant 1 : i32
    %shift_right_arithmetic3A_11 = vector.broadcast %shift_right_arithmetic3A : i32 to vector<16xi32>
    %shift_right_arithmetic3A_12 = arith.shrsi %iota3A, %shift_right_arithmetic3A_11 : vector<16xi32>
    %min3A = arith.constant 5 : i32
    %min3A_13 = vector.broadcast %min3A : i32 to vector<16xi32>
    %min3A_14 = arith.minsi %shift_right_arithmetic3A_12, %min3A_13 : vector<16xi32>
    %and3A = arith.constant 1 : i32
    %and3A_15 = vector.broadcast %and3A : i32 to vector<16xi32>
    %and3A_16 = arith.andi %iota3A, %and3A_15 : vector<16xi32>
    %mul3A_17 = arith.constant 2304 : i32
    %mul3A_18 = vector.broadcast %mul3A_17 : i32 to vector<16xi32>
    %mul3A_19 = arith.muli %min3A_14, %mul3A_18 : vector<16xi32>
    %add3A_20 = arith.constant 129 : i32
    %add3A_21 = vector.broadcast %add3A_20 : i32 to vector<16xi32>
    %add3A_22 = arith.addi %mul3A_19, %add3A_21 : vector<16xi32>
    %mul3A_23 = arith.constant 2045 : i32
    %mul3A_24 = vector.broadcast %mul3A_23 : i32 to vector<16xi32>
    %mul3A_25 = arith.muli %and3A_16, %mul3A_24 : vector<16xi32>
    %add3A_26 = arith.addi %add3A_22, %mul3A_25 : vector<16xi32>
    %add3A_27 = arith.constant 0 : i32
    %add3A_28 = arith.addi %mul3A_2, %add3A_27 : i32
    %add3A_29 = arith.constant 0 : i32
    %add3A_30 = arith.addi %add3A_28, %add3A_29 : i32
    %sub3A = arith.constant 1 : i32
    %sub3A_31 = arith.subi %add3A_30, %sub3A : i32
    %lt3A_32 = arith.constant 0 : i32
    %lt3A_33 = arith.cmpi slt, %sub3A_31, %lt3A_32 : i32
    %gt3A = arith.constant 2047 : i32
    %gt3A_34 = arith.cmpi sgt, %sub3A_31, %gt3A : i32
    %jit3A = arith.constant 2046 : i32
    %select_n3A = arith.select %gt3A_34, %jit3A, %sub3A_31 : i32
    %jit3A_35 = arith.constant 1 : i32
    %select_n3A_36 = arith.select %lt3A_33, %jit3A_35, %select_n3A : i32
    %dma_start3A = arith.constant 128 : i32
    %dma_start3A_37 = tpu.memref_slice %arg6[%dma_start3A] : memref<27648xi32, #tpu.memory_space<vmem>> -> memref<2048xi32, #tpu.memory_space<vmem>>
    %dma_start3A_38 = arith.constant 0 : i32
    %dma_start3A_39 = tpu.memref_slice %arg2[%select_n3A_36, %dma_start3A_38] : memref<2048x2048xi32, #tpu.memory_space<hbm>> -> memref<1x2048xi32, #tpu.memory_space<hbm>>
    %dma_start3A_40 = tpu.memref_squeeze %dma_start3A_39 : memref<1x2048xi32, #tpu.memory_space<hbm>> -> memref<2048xi32, #tpu.memory_space<hbm>>
    %dma_start3A_41 = arith.constant 128 : i32
    %dma_start3A_42 = tpu.memref_slice %arg6[%dma_start3A_41] : memref<27648xi32, #tpu.memory_space<vmem>> -> memref<2048xi32, #tpu.memory_space<vmem>>
    %dma_start3A_43 = arith.constant 0 : i32
    %dma_start3A_44 = tpu.memref_slice %arg2[%select_n3A_36, %dma_start3A_43] : memref<2048x2048xi32, #tpu.memory_space<hbm>> -> memref<1x2048xi32, #tpu.memory_space<hbm>>
    %dma_start3A_45 = tpu.memref_squeeze %dma_start3A_44 : memref<1x2048xi32, #tpu.memory_space<hbm>> -> memref<2048xi32, #tpu.memory_space<hbm>>
    tpu.enqueue_dma source(%dma_start3A_45 : memref<2048xi32, #tpu.memory_space<hbm>>) target(%dma_start3A_42 : memref<2048xi32, #tpu.memory_space<vmem>>) target_semaphore(%arg8 : memref<!tpu.dma_semaphore, #tpu.memory_space<semaphore_mem>>)
    %add3A_46 = arith.constant 1 : i32
    %add3A_47 = arith.addi %add3A_28, %add3A_46 : i32
    %sub3A_48 = arith.constant 1 : i32
    %sub3A_49 = arith.subi %add3A_47, %sub3A_48 : i32
    %lt3A_50 = arith.constant 0 : i32
    %lt3A_51 = arith.cmpi slt, %sub3A_49, %lt3A_50 : i32
    %gt3A_52 = arith.constant 2047 : i32
    %gt3A_53 = arith.cmpi sgt, %sub3A_49, %gt3A_52 : i32
    %jit3A_54 = arith.constant 2046 : i32
    %select_n3A_55 = arith.select %gt3A_53, %jit3A_54, %sub3A_49 : i32
    %jit3A_56 = arith.constant 1 : i32
    %select_n3A_57 = arith.select %lt3A_51, %jit3A_56, %select_n3A_55 : i32
    %dma_start3A_58 = arith.constant 2432 : i32
    %dma_start3A_59 = tpu.memref_slice %arg6[%dma_start3A_58] : memref<27648xi32, #tpu.memory_space<vmem>> -> memref<2048xi32, #tpu.memory_space<vmem>>
    %dma_start3A_60 = arith.constant 0 : i32
    %dma_start3A_61 = tpu.memref_slice %arg2[%select_n3A_57, %dma_start3A_60] : memref<2048x2048xi32, #tpu.memory_space<hbm>> -> memref<1x2048xi32, #tpu.memory_space<hbm>>
    %dma_start3A_62 = tpu.memref_squeeze %dma_start3A_61 : memref<1x2048xi32, #tpu.memory_space<hbm>> -> memref<2048xi32, #tpu.memory_space<hbm>>
    %dma_start3A_63 = arith.constant 2432 : i32
    %dma_start3A_64 = tpu.memref_slice %arg6[%dma_start3A_63] : memref<27648xi32, #tpu.memory_space<vmem>> -> memref<2048xi32, #tpu.memory_space<vmem>>
    %dma_start3A_65 = arith.constant 0 : i32
    %dma_start3A_66 = tpu.memref_slice %arg2[%select_n3A_57, %dma_start3A_65] : memref<2048x2048xi32, #tpu.memory_space<hbm>> -> memref<1x2048xi32, #tpu.memory_space<hbm>>
    %dma_start3A_67 = tpu.memref_squeeze %dma_start3A_66 : memref<1x2048xi32, #tpu.memory_space<hbm>> -> memref<2048xi32, #tpu.memory_space<hbm>>
    tpu.enqueue_dma source(%dma_start3A_67 : memref<2048xi32, #tpu.memory_space<hbm>>) target(%dma_start3A_64 : memref<2048xi32, #tpu.memory_space<vmem>>) target_semaphore(%arg8 : memref<!tpu.dma_semaphore, #tpu.memory_space<semaphore_mem>>)
    %add3A_68 = arith.constant 2 : i32
    %add3A_69 = arith.addi %add3A_28, %add3A_68 : i32
    %sub3A_70 = arith.constant 1 : i32
    %sub3A_71 = arith.subi %add3A_69, %sub3A_70 : i32
    %lt3A_72 = arith.constant 0 : i32
    %lt3A_73 = arith.cmpi slt, %sub3A_71, %lt3A_72 : i32
    %gt3A_74 = arith.constant 2047 : i32
    %gt3A_75 = arith.cmpi sgt, %sub3A_71, %gt3A_74 : i32
    %jit3A_76 = arith.constant 2046 : i32
    %select_n3A_77 = arith.select %gt3A_75, %jit3A_76, %sub3A_71 : i32
    %jit3A_78 = arith.constant 1 : i32
    %select_n3A_79 = arith.select %lt3A_73, %jit3A_78, %select_n3A_77 : i32
    %dma_start3A_80 = arith.constant 4736 : i32
    %dma_start3A_81 = tpu.memref_slice %arg6[%dma_start3A_80] : memref<27648xi32, #tpu.memory_space<vmem>> -> memref<2048xi32, #tpu.memory_space<vmem>>
    %dma_start3A_82 = arith.constant 0 : i32
    %dma_start3A_83 = tpu.memref_slice %arg2[%select_n3A_79, %dma_start3A_82] : memref<2048x2048xi32, #tpu.memory_space<hbm>> -> memref<1x2048xi32, #tpu.memory_space<hbm>>
    %dma_start3A_84 = tpu.memref_squeeze %dma_start3A_83 : memref<1x2048xi32, #tpu.memory_space<hbm>> -> memref<2048xi32, #tpu.memory_space<hbm>>
    %dma_start3A_85 = arith.constant 4736 : i32
    %dma_start3A_86 = tpu.memref_slice %arg6[%dma_start3A_85] : memref<27648xi32, #tpu.memory_space<vmem>> -> memref<2048xi32, #tpu.memory_space<vmem>>
    %dma_start3A_87 = arith.constant 0 : i32
    %dma_start3A_88 = tpu.memref_slice %arg2[%select_n3A_79, %dma_start3A_87] : memref<2048x2048xi32, #tpu.memory_space<hbm>> -> memref<1x2048xi32, #tpu.memory_space<hbm>>
    %dma_start3A_89 = tpu.memref_squeeze %dma_start3A_88 : memref<1x2048xi32, #tpu.memory_space<hbm>> -> memref<2048xi32, #tpu.memory_space<hbm>>
    tpu.enqueue_dma source(%dma_start3A_89 : memref<2048xi32, #tpu.memory_space<hbm>>) target(%dma_start3A_86 : memref<2048xi32, #tpu.memory_space<vmem>>) target_semaphore(%arg8 : memref<!tpu.dma_semaphore, #tpu.memory_space<semaphore_mem>>)
    %add3A_90 = arith.constant 3 : i32
    %add3A_91 = arith.addi %add3A_28, %add3A_90 : i32
    %sub3A_92 = arith.constant 1 : i32
    %sub3A_93 = arith.subi %add3A_91, %sub3A_92 : i32
    %lt3A_94 = arith.constant 0 : i32
    %lt3A_95 = arith.cmpi slt, %sub3A_93, %lt3A_94 : i32
    %gt3A_96 = arith.constant 2047 : i32
    %gt3A_97 = arith.cmpi sgt, %sub3A_93, %gt3A_96 : i32
    %jit3A_98 = arith.constant 2046 : i32
    %select_n3A_99 = arith.select %gt3A_97, %jit3A_98, %sub3A_93 : i32
    %jit3A_100 = arith.constant 1 : i32
    %select_n3A_101 = arith.select %lt3A_95, %jit3A_100, %select_n3A_99 : i32
    %dma_start3A_102 = arith.constant 7040 : i32
    %dma_start3A_103 = tpu.memref_slice %arg6[%dma_start3A_102] : memref<27648xi32, #tpu.memory_space<vmem>> -> memref<2048xi32, #tpu.memory_space<vmem>>
    %dma_start3A_104 = arith.constant 0 : i32
    %dma_start3A_105 = tpu.memref_slice %arg2[%select_n3A_101, %dma_start3A_104] : memref<2048x2048xi32, #tpu.memory_space<hbm>> -> memref<1x2048xi32, #tpu.memory_space<hbm>>
    %dma_start3A_106 = tpu.memref_squeeze %dma_start3A_105 : memref<1x2048xi32, #tpu.memory_space<hbm>> -> memref<2048xi32, #tpu.memory_space<hbm>>
    %dma_start3A_107 = arith.constant 7040 : i32
    %dma_start3A_108 = tpu.memref_slice %arg6[%dma_start3A_107] : memref<27648xi32, #tpu.memory_space<vmem>> -> memref<2048xi32, #tpu.memory_space<vmem>>
    %dma_start3A_109 = arith.constant 0 : i32
    %dma_start3A_110 = tpu.memref_slice %arg2[%select_n3A_101, %dma_start3A_109] : memref<2048x2048xi32, #tpu.memory_space<hbm>> -> memref<1x2048xi32, #tpu.memory_space<hbm>>
    %dma_start3A_111 = tpu.memref_squeeze %dma_start3A_110 : memref<1x2048xi32, #tpu.memory_space<hbm>> -> memref<2048xi32, #tpu.memory_space<hbm>>
    tpu.enqueue_dma source(%dma_start3A_111 : memref<2048xi32, #tpu.memory_space<hbm>>) target(%dma_start3A_108 : memref<2048xi32, #tpu.memory_space<vmem>>) target_semaphore(%arg8 : memref<!tpu.dma_semaphore, #tpu.memory_space<semaphore_mem>>)
    %add3A_112 = arith.constant 4 : i32
    %add3A_113 = arith.addi %add3A_28, %add3A_112 : i32
    %sub3A_114 = arith.constant 1 : i32
    %sub3A_115 = arith.subi %add3A_113, %sub3A_114 : i32
    %lt3A_116 = arith.constant 0 : i32
    %lt3A_117 = arith.cmpi slt, %sub3A_115, %lt3A_116 : i32
    %gt3A_118 = arith.constant 2047 : i32
    %gt3A_119 = arith.cmpi sgt, %sub3A_115, %gt3A_118 : i32
    %jit3A_120 = arith.constant 2046 : i32
    %select_n3A_121 = arith.select %gt3A_119, %jit3A_120, %sub3A_115 : i32
    %jit3A_122 = arith.constant 1 : i32
    %select_n3A_123 = arith.select %lt3A_117, %jit3A_122, %select_n3A_121 : i32
    %dma_start3A_124 = arith.constant 9344 : i32
    %dma_start3A_125 = tpu.memref_slice %arg6[%dma_start3A_124] : memref<27648xi32, #tpu.memory_space<vmem>> -> memref<2048xi32, #tpu.memory_space<vmem>>
    %dma_start3A_126 = arith.constant 0 : i32
    %dma_start3A_127 = tpu.memref_slice %arg2[%select_n3A_123, %dma_start3A_126] : memref<2048x2048xi32, #tpu.memory_space<hbm>> -> memref<1x2048xi32, #tpu.memory_space<hbm>>
    %dma_start3A_128 = tpu.memref_squeeze %dma_start3A_127 : memref<1x2048xi32, #tpu.memory_space<hbm>> -> memref<2048xi32, #tpu.memory_space<hbm>>
    %dma_start3A_129 = arith.constant 9344 : i32
    %dma_start3A_130 = tpu.memref_slice %arg6[%dma_start3A_129] : memref<27648xi32, #tpu.memory_space<vmem>> -> memref<2048xi32, #tpu.memory_space<vmem>>
    %dma_start3A_131 = arith.constant 0 : i32
    %dma_start3A_132 = tpu.memref_slice %arg2[%select_n3A_123, %dma_start3A_131] : memref<2048x2048xi32, #tpu.memory_space<hbm>> -> memref<1x2048xi32, #tpu.memory_space<hbm>>
    %dma_start3A_133 = tpu.memref_squeeze %dma_start3A_132 : memref<1x2048xi32, #tpu.memory_space<hbm>> -> memref<2048xi32, #tpu.memory_space<hbm>>
    tpu.enqueue_dma source(%dma_start3A_133 : memref<2048xi32, #tpu.memory_space<hbm>>) target(%dma_start3A_130 : memref<2048xi32, #tpu.memory_space<vmem>>) target_semaphore(%arg8 : memref<!tpu.dma_semaphore, #tpu.memory_space<semaphore_mem>>)
    %add3A_134 = arith.constant 5 : i32
    %add3A_135 = arith.addi %add3A_28, %add3A_134 : i32
    %sub3A_136 = arith.constant 1 : i32
    %sub3A_137 = arith.subi %add3A_135, %sub3A_136 : i32
    %lt3A_138 = arith.constant 0 : i32
    %lt3A_139 = arith.cmpi slt, %sub3A_137, %lt3A_138 : i32
    %gt3A_140 = arith.constant 2047 : i32
    %gt3A_141 = arith.cmpi sgt, %sub3A_137, %gt3A_140 : i32
    %jit3A_142 = arith.constant 2046 : i32
    %select_n3A_143 = arith.select %gt3A_141, %jit3A_142, %sub3A_137 : i32
    %jit3A_144 = arith.constant 1 : i32
    %select_n3A_145 = arith.select %lt3A_139, %jit3A_144, %select_n3A_143 : i32
    %dma_start3A_146 = arith.constant 11648 : i32
    %dma_start3A_147 = tpu.memref_slice %arg6[%dma_start3A_146] : memref<27648xi32, #tpu.memory_space<vmem>> -> memref<2048xi32, #tpu.memory_space<vmem>>
    %dma_start3A_148 = arith.constant 0 : i32
    %dma_start3A_149 = tpu.memref_slice %arg2[%select_n3A_145, %dma_start3A_148] : memref<2048x2048xi32, #tpu.memory_space<hbm>> -> memref<1x2048xi32, #tpu.memory_space<hbm>>
    %dma_start3A_150 = tpu.memref_squeeze %dma_start3A_149 : memref<1x2048xi32, #tpu.memory_space<hbm>> -> memref<2048xi32, #tpu.memory_space<hbm>>
    %dma_start3A_151 = arith.constant 11648 : i32
    %dma_start3A_152 = tpu.memref_slice %arg6[%dma_start3A_151] : memref<27648xi32, #tpu.memory_space<vmem>> -> memref<2048xi32, #tpu.memory_space<vmem>>
    %dma_start3A_153 = arith.constant 0 : i32
    %dma_start3A_154 = tpu.memref_slice %arg2[%select_n3A_145, %dma_start3A_153] : memref<2048x2048xi32, #tpu.memory_space<hbm>> -> memref<1x2048xi32, #tpu.memory_space<hbm>>
    %dma_start3A_155 = tpu.memref_squeeze %dma_start3A_154 : memref<1x2048xi32, #tpu.memory_space<hbm>> -> memref<2048xi32, #tpu.memory_space<hbm>>
    tpu.enqueue_dma source(%dma_start3A_155 : memref<2048xi32, #tpu.memory_space<hbm>>) target(%dma_start3A_152 : memref<2048xi32, #tpu.memory_space<vmem>>) target_semaphore(%arg8 : memref<!tpu.dma_semaphore, #tpu.memory_space<semaphore_mem>>)
    %add3A_156 = arith.constant 4 : i32
    %add3A_157 = arith.addi %mul3A_2, %add3A_156 : i32
    %add3A_158 = arith.constant 0 : i32
    %add3A_159 = arith.addi %add3A_157, %add3A_158 : i32
    %sub3A_160 = arith.constant 1 : i32
    %sub3A_161 = arith.subi %add3A_159, %sub3A_160 : i32
    %lt3A_162 = arith.constant 0 : i32
    %lt3A_163 = arith.cmpi slt, %sub3A_161, %lt3A_162 : i32
    %gt3A_164 = arith.constant 2047 : i32
    %gt3A_165 = arith.cmpi sgt, %sub3A_161, %gt3A_164 : i32
    %jit3A_166 = arith.constant 2046 : i32
    %select_n3A_167 = arith.select %gt3A_165, %jit3A_166, %sub3A_161 : i32
    %jit3A_168 = arith.constant 1 : i32
    %select_n3A_169 = arith.select %lt3A_163, %jit3A_168, %select_n3A_167 : i32
    %dma_start3A_170 = arith.constant 13952 : i32
    %dma_start3A_171 = tpu.memref_slice %arg6[%dma_start3A_170] : memref<27648xi32, #tpu.memory_space<vmem>> -> memref<2048xi32, #tpu.memory_space<vmem>>
    %dma_start3A_172 = arith.constant 0 : i32
    %dma_start3A_173 = tpu.memref_slice %arg2[%select_n3A_169, %dma_start3A_172] : memref<2048x2048xi32, #tpu.memory_space<hbm>> -> memref<1x2048xi32, #tpu.memory_space<hbm>>
    %dma_start3A_174 = tpu.memref_squeeze %dma_start3A_173 : memref<1x2048xi32, #tpu.memory_space<hbm>> -> memref<2048xi32, #tpu.memory_space<hbm>>
    %dma_start3A_175 = arith.constant 13952 : i32
    %dma_start3A_176 = tpu.memref_slice %arg6[%dma_start3A_175] : memref<27648xi32, #tpu.memory_space<vmem>> -> memref<2048xi32, #tpu.memory_space<vmem>>
    %dma_start3A_177 = arith.constant 0 : i32
    %dma_start3A_178 = tpu.memref_slice %arg2[%select_n3A_169, %dma_start3A_177] : memref<2048x2048xi32, #tpu.memory_space<hbm>> -> memref<1x2048xi32, #tpu.memory_space<hbm>>
    %dma_start3A_179 = tpu.memref_squeeze %dma_start3A_178 : memref<1x2048xi32, #tpu.memory_space<hbm>> -> memref<2048xi32, #tpu.memory_space<hbm>>
    tpu.enqueue_dma source(%dma_start3A_179 : memref<2048xi32, #tpu.memory_space<hbm>>) target(%dma_start3A_176 : memref<2048xi32, #tpu.memory_space<vmem>>) target_semaphore(%arg9 : memref<!tpu.dma_semaphore, #tpu.memory_space<semaphore_mem>>)
    %add3A_180 = arith.constant 1 : i32
    %add3A_181 = arith.addi %add3A_157, %add3A_180 : i32
    %sub3A_182 = arith.constant 1 : i32
    %sub3A_183 = arith.subi %add3A_181, %sub3A_182 : i32
    %lt3A_184 = arith.constant 0 : i32
    %lt3A_185 = arith.cmpi slt, %sub3A_183, %lt3A_184 : i32
    %gt3A_186 = arith.constant 2047 : i32
    %gt3A_187 = arith.cmpi sgt, %sub3A_183, %gt3A_186 : i32
    %jit3A_188 = arith.constant 2046 : i32
    %select_n3A_189 = arith.select %gt3A_187, %jit3A_188, %sub3A_183 : i32
    %jit3A_190 = arith.constant 1 : i32
    %select_n3A_191 = arith.select %lt3A_185, %jit3A_190, %select_n3A_189 : i32
    %dma_start3A_192 = arith.constant 16256 : i32
    %dma_start3A_193 = tpu.memref_slice %arg6[%dma_start3A_192] : memref<27648xi32, #tpu.memory_space<vmem>> -> memref<2048xi32, #tpu.memory_space<vmem>>
    %dma_start3A_194 = arith.constant 0 : i32
    %dma_start3A_195 = tpu.memref_slice %arg2[%select_n3A_191, %dma_start3A_194] : memref<2048x2048xi32, #tpu.memory_space<hbm>> -> memref<1x2048xi32, #tpu.memory_space<hbm>>
    %dma_start3A_196 = tpu.memref_squeeze %dma_start3A_195 : memref<1x2048xi32, #tpu.memory_space<hbm>> -> memref<2048xi32, #tpu.memory_space<hbm>>
    %dma_start3A_197 = arith.constant 16256 : i32
    %dma_start3A_198 = tpu.memref_slice %arg6[%dma_start3A_197] : memref<27648xi32, #tpu.memory_space<vmem>> -> memref<2048xi32, #tpu.memory_space<vmem>>
    %dma_start3A_199 = arith.constant 0 : i32
    %dma_start3A_200 = tpu.memref_slice %arg2[%select_n3A_191, %dma_start3A_199] : memref<2048x2048xi32, #tpu.memory_space<hbm>> -> memref<1x2048xi32, #tpu.memory_space<hbm>>
    %dma_start3A_201 = tpu.memref_squeeze %dma_start3A_200 : memref<1x2048xi32, #tpu.memory_space<hbm>> -> memref<2048xi32, #tpu.memory_space<hbm>>
    tpu.enqueue_dma source(%dma_start3A_201 : memref<2048xi32, #tpu.memory_space<hbm>>) target(%dma_start3A_198 : memref<2048xi32, #tpu.memory_space<vmem>>) target_semaphore(%arg9 : memref<!tpu.dma_semaphore, #tpu.memory_space<semaphore_mem>>)
    %add3A_202 = arith.constant 2 : i32
    %add3A_203 = arith.addi %add3A_157, %add3A_202 : i32
    %sub3A_204 = arith.constant 1 : i32
    %sub3A_205 = arith.subi %add3A_203, %sub3A_204 : i32
    %lt3A_206 = arith.constant 0 : i32
    %lt3A_207 = arith.cmpi slt, %sub3A_205, %lt3A_206 : i32
    %gt3A_208 = arith.constant 2047 : i32
    %gt3A_209 = arith.cmpi sgt, %sub3A_205, %gt3A_208 : i32
    %jit3A_210 = arith.constant 2046 : i32
    %select_n3A_211 = arith.select %gt3A_209, %jit3A_210, %sub3A_205 : i32
    %jit3A_212 = arith.constant 1 : i32
    %select_n3A_213 = arith.select %lt3A_207, %jit3A_212, %select_n3A_211 : i32
    %dma_start3A_214 = arith.constant 18560 : i32
    %dma_start3A_215 = tpu.memref_slice %arg6[%dma_start3A_214] : memref<27648xi32, #tpu.memory_space<vmem>> -> memref<2048xi32, #tpu.memory_space<vmem>>
    %dma_start3A_216 = arith.constant 0 : i32
    %dma_start3A_217 = tpu.memref_slice %arg2[%select_n3A_213, %dma_start3A_216] : memref<2048x2048xi32, #tpu.memory_space<hbm>> -> memref<1x2048xi32, #tpu.memory_space<hbm>>
    %dma_start3A_218 = tpu.memref_squeeze %dma_start3A_217 : memref<1x2048xi32, #tpu.memory_space<hbm>> -> memref<2048xi32, #tpu.memory_space<hbm>>
    %dma_start3A_219 = arith.constant 18560 : i32
    %dma_start3A_220 = tpu.memref_slice %arg6[%dma_start3A_219] : memref<27648xi32, #tpu.memory_space<vmem>> -> memref<2048xi32, #tpu.memory_space<vmem>>
    %dma_start3A_221 = arith.constant 0 : i32
    %dma_start3A_222 = tpu.memref_slice %arg2[%select_n3A_213, %dma_start3A_221] : memref<2048x2048xi32, #tpu.memory_space<hbm>> -> memref<1x2048xi32, #tpu.memory_space<hbm>>
    %dma_start3A_223 = tpu.memref_squeeze %dma_start3A_222 : memref<1x2048xi32, #tpu.memory_space<hbm>> -> memref<2048xi32, #tpu.memory_space<hbm>>
    tpu.enqueue_dma source(%dma_start3A_223 : memref<2048xi32, #tpu.memory_space<hbm>>) target(%dma_start3A_220 : memref<2048xi32, #tpu.memory_space<vmem>>) target_semaphore(%arg9 : memref<!tpu.dma_semaphore, #tpu.memory_space<semaphore_mem>>)
    %add3A_224 = arith.constant 3 : i32
    %add3A_225 = arith.addi %add3A_157, %add3A_224 : i32
    %sub3A_226 = arith.constant 1 : i32
    %sub3A_227 = arith.subi %add3A_225, %sub3A_226 : i32
    %lt3A_228 = arith.constant 0 : i32
    %lt3A_229 = arith.cmpi slt, %sub3A_227, %lt3A_228 : i32
    %gt3A_230 = arith.constant 2047 : i32
    %gt3A_231 = arith.cmpi sgt, %sub3A_227, %gt3A_230 : i32
    %jit3A_232 = arith.constant 2046 : i32
    %select_n3A_233 = arith.select %gt3A_231, %jit3A_232, %sub3A_227 : i32
    %jit3A_234 = arith.constant 1 : i32
    %select_n3A_235 = arith.select %lt3A_229, %jit3A_234, %select_n3A_233 : i32
    %dma_start3A_236 = arith.constant 20864 : i32
    %dma_start3A_237 = tpu.memref_slice %arg6[%dma_start3A_236] : memref<27648xi32, #tpu.memory_space<vmem>> -> memref<2048xi32, #tpu.memory_space<vmem>>
    %dma_start3A_238 = arith.constant 0 : i32
    %dma_start3A_239 = tpu.memref_slice %arg2[%select_n3A_235, %dma_start3A_238] : memref<2048x2048xi32, #tpu.memory_space<hbm>> -> memref<1x2048xi32, #tpu.memory_space<hbm>>
    %dma_start3A_240 = tpu.memref_squeeze %dma_start3A_239 : memref<1x2048xi32, #tpu.memory_space<hbm>> -> memref<2048xi32, #tpu.memory_space<hbm>>
    %dma_start3A_241 = arith.constant 20864 : i32
    %dma_start3A_242 = tpu.memref_slice %arg6[%dma_start3A_241] : memref<27648xi32, #tpu.memory_space<vmem>> -> memref<2048xi32, #tpu.memory_space<vmem>>
    %dma_start3A_243 = arith.constant 0 : i32
    %dma_start3A_244 = tpu.memref_slice %arg2[%select_n3A_235, %dma_start3A_243] : memref<2048x2048xi32, #tpu.memory_space<hbm>> -> memref<1x2048xi32, #tpu.memory_space<hbm>>
    %dma_start3A_245 = tpu.memref_squeeze %dma_start3A_244 : memref<1x2048xi32, #tpu.memory_space<hbm>> -> memref<2048xi32, #tpu.memory_space<hbm>>
    tpu.enqueue_dma source(%dma_start3A_245 : memref<2048xi32, #tpu.memory_space<hbm>>) target(%dma_start3A_242 : memref<2048xi32, #tpu.memory_space<vmem>>) target_semaphore(%arg9 : memref<!tpu.dma_semaphore, #tpu.memory_space<semaphore_mem>>)
    %add3A_246 = arith.constant 4 : i32
    %add3A_247 = arith.addi %add3A_157, %add3A_246 : i32
    %sub3A_248 = arith.constant 1 : i32
    %sub3A_249 = arith.subi %add3A_247, %sub3A_248 : i32
    %lt3A_250 = arith.constant 0 : i32
    %lt3A_251 = arith.cmpi slt, %sub3A_249, %lt3A_250 : i32
    %gt3A_252 = arith.constant 2047 : i32
    %gt3A_253 = arith.cmpi sgt, %sub3A_249, %gt3A_252 : i32
    %jit3A_254 = arith.constant 2046 : i32
    %select_n3A_255 = arith.select %gt3A_253, %jit3A_254, %sub3A_249 : i32
    %jit3A_256 = arith.constant 1 : i32
    %select_n3A_257 = arith.select %lt3A_251, %jit3A_256, %select_n3A_255 : i32
    %dma_start3A_258 = arith.constant 23168 : i32
    %dma_start3A_259 = tpu.memref_slice %arg6[%dma_start3A_258] : memref<27648xi32, #tpu.memory_space<vmem>> -> memref<2048xi32, #tpu.memory_space<vmem>>
    %dma_start3A_260 = arith.constant 0 : i32
    %dma_start3A_261 = tpu.memref_slice %arg2[%select_n3A_257, %dma_start3A_260] : memref<2048x2048xi32, #tpu.memory_space<hbm>> -> memref<1x2048xi32, #tpu.memory_space<hbm>>
    %dma_start3A_262 = tpu.memref_squeeze %dma_start3A_261 : memref<1x2048xi32, #tpu.memory_space<hbm>> -> memref<2048xi32, #tpu.memory_space<hbm>>
    %dma_start3A_263 = arith.constant 23168 : i32
    %dma_start3A_264 = tpu.memref_slice %arg6[%dma_start3A_263] : memref<27648xi32, #tpu.memory_space<vmem>> -> memref<2048xi32, #tpu.memory_space<vmem>>
    %dma_start3A_265 = arith.constant 0 : i32
    %dma_start3A_266 = tpu.memref_slice %arg2[%select_n3A_257, %dma_start3A_265] : memref<2048x2048xi32, #tpu.memory_space<hbm>> -> memref<1x2048xi32, #tpu.memory_space<hbm>>
    %dma_start3A_267 = tpu.memref_squeeze %dma_start3A_266 : memref<1x2048xi32, #tpu.memory_space<hbm>> -> memref<2048xi32, #tpu.memory_space<hbm>>
    tpu.enqueue_dma source(%dma_start3A_267 : memref<2048xi32, #tpu.memory_space<hbm>>) target(%dma_start3A_264 : memref<2048xi32, #tpu.memory_space<vmem>>) target_semaphore(%arg9 : memref<!tpu.dma_semaphore, #tpu.memory_space<semaphore_mem>>)
    %add3A_268 = arith.constant 5 : i32
    %add3A_269 = arith.addi %add3A_157, %add3A_268 : i32
    %sub3A_270 = arith.constant 1 : i32
    %sub3A_271 = arith.subi %add3A_269, %sub3A_270 : i32
    %lt3A_272 = arith.constant 0 : i32
    %lt3A_273 = arith.cmpi slt, %sub3A_271, %lt3A_272 : i32
    %gt3A_274 = arith.constant 2047 : i32
    %gt3A_275 = arith.cmpi sgt, %sub3A_271, %gt3A_274 : i32
    %jit3A_276 = arith.constant 2046 : i32
    %select_n3A_277 = arith.select %gt3A_275, %jit3A_276, %sub3A_271 : i32
    %jit3A_278 = arith.constant 1 : i32
    %select_n3A_279 = arith.select %lt3A_273, %jit3A_278, %select_n3A_277 : i32
    %dma_start3A_280 = arith.constant 25472 : i32
    %dma_start3A_281 = tpu.memref_slice %arg6[%dma_start3A_280] : memref<27648xi32, #tpu.memory_space<vmem>> -> memref<2048xi32, #tpu.memory_space<vmem>>
    %dma_start3A_282 = arith.constant 0 : i32
    %dma_start3A_283 = tpu.memref_slice %arg2[%select_n3A_279, %dma_start3A_282] : memref<2048x2048xi32, #tpu.memory_space<hbm>> -> memref<1x2048xi32, #tpu.memory_space<hbm>>
    %dma_start3A_284 = tpu.memref_squeeze %dma_start3A_283 : memref<1x2048xi32, #tpu.memory_space<hbm>> -> memref<2048xi32, #tpu.memory_space<hbm>>
    %dma_start3A_285 = arith.constant 25472 : i32
    %dma_start3A_286 = tpu.memref_slice %arg6[%dma_start3A_285] : memref<27648xi32, #tpu.memory_space<vmem>> -> memref<2048xi32, #tpu.memory_space<vmem>>
    %dma_start3A_287 = arith.constant 0 : i32
    %dma_start3A_288 = tpu.memref_slice %arg2[%select_n3A_279, %dma_start3A_287] : memref<2048x2048xi32, #tpu.memory_space<hbm>> -> memref<1x2048xi32, #tpu.memory_space<hbm>>
    %dma_start3A_289 = tpu.memref_squeeze %dma_start3A_288 : memref<1x2048xi32, #tpu.memory_space<hbm>> -> memref<2048xi32, #tpu.memory_space<hbm>>
    tpu.enqueue_dma source(%dma_start3A_289 : memref<2048xi32, #tpu.memory_space<hbm>>) target(%dma_start3A_286 : memref<2048xi32, #tpu.memory_space<vmem>>) target_semaphore(%arg9 : memref<!tpu.dma_semaphore, #tpu.memory_space<semaphore_mem>>)
    %scan3A = arith.constant 0 : i32
    %scan3A_290 = arith.constant 0 : i32
    %scan3A_291 = arith.constant 8 : i32
    %scan3A_292 = arith.addi %scan3A_290, %scan3A_291 : i32
    %scan3A_293 = arith.constant 1 : i32
    scf.for %scan3A_322 = %scan3A_290 to %scan3A_292 step %scan3A_293  : i32 {
      %mul3A_323 = arith.constant 2 : i32
      %mul3A_324 = arith.muli %scan3A_322, %mul3A_323 : i32
      %mul3A_325 = arith.constant 4 : i32
      %mul3A_326 = arith.muli %mul3A_324, %mul3A_325 : i32
      %add3A_327 = arith.addi %mul3A_2, %mul3A_326 : i32
      %add3A_328 = arith.constant 0 : i32
      %add3A_329 = arith.addi %add3A_327, %add3A_328 : i32
      %sub3A_330 = arith.constant 1 : i32
      %sub3A_331 = arith.subi %add3A_329, %sub3A_330 : i32
      %lt3A_332 = arith.constant 0 : i32
      %lt3A_333 = arith.cmpi slt, %sub3A_331, %lt3A_332 : i32
      %gt3A_334 = arith.constant 2047 : i32
      %gt3A_335 = arith.cmpi sgt, %sub3A_331, %gt3A_334 : i32
      %jit3A_336 = arith.constant 2046 : i32
      %select_n3A_337 = arith.select %gt3A_335, %jit3A_336, %sub3A_331 : i32
      %jit3A_338 = arith.constant 1 : i32
      %select_n3A_339 = arith.select %lt3A_333, %jit3A_338, %select_n3A_337 : i32
      %dma_wait3A_340 = arith.constant 128 : i32
      %dma_wait3A_341 = tpu.memref_slice %arg6[%dma_wait3A_340] : memref<27648xi32, #tpu.memory_space<vmem>> -> memref<2048xi32, #tpu.memory_space<vmem>>
      %dma_wait3A_342 = arith.constant 0 : i32
      %dma_wait3A_343 = tpu.memref_slice %arg2[%select_n3A_339, %dma_wait3A_342] : memref<2048x2048xi32, #tpu.memory_space<hbm>> -> memref<1x2048xi32, #tpu.memory_space<hbm>>
      %dma_wait3A_344 = tpu.memref_squeeze %dma_wait3A_343 : memref<1x2048xi32, #tpu.memory_space<hbm>> -> memref<2048xi32, #tpu.memory_space<hbm>>
      %dma_wait3A_345 = arith.constant 128 : i32
      %dma_wait3A_346 = tpu.memref_slice %arg6[%dma_wait3A_345] : memref<27648xi32, #tpu.memory_space<vmem>> -> memref<2048xi32, #tpu.memory_space<vmem>>
      %dma_wait3A_347 = arith.constant 0 : i32
      %dma_wait3A_348 = tpu.memref_slice %arg2[%select_n3A_339, %dma_wait3A_347] : memref<2048x2048xi32, #tpu.memory_space<hbm>> -> memref<1x2048xi32, #tpu.memory_space<hbm>>
      %dma_wait3A_349 = tpu.memref_squeeze %dma_wait3A_348 : memref<1x2048xi32, #tpu.memory_space<hbm>> -> memref<2048xi32, #tpu.memory_space<hbm>>
      tpu.wait_dma2 semaphore(%arg8 : memref<!tpu.dma_semaphore, #tpu.memory_space<semaphore_mem>>) src(%dma_wait3A_349 : memref<2048xi32, #tpu.memory_space<hbm>>) dst(%dma_wait3A_346 : memref<2048xi32, #tpu.memory_space<vmem>>)
      %add3A_350 = arith.constant 1 : i32
      %add3A_351 = arith.addi %add3A_327, %add3A_350 : i32
      %sub3A_352 = arith.constant 1 : i32
      %sub3A_353 = arith.subi %add3A_351, %sub3A_352 : i32
      %lt3A_354 = arith.constant 0 : i32
      %lt3A_355 = arith.cmpi slt, %sub3A_353, %lt3A_354 : i32
      %gt3A_356 = arith.constant 2047 : i32
      %gt3A_357 = arith.cmpi sgt, %sub3A_353, %gt3A_356 : i32
      %jit3A_358 = arith.constant 2046 : i32
      %select_n3A_359 = arith.select %gt3A_357, %jit3A_358, %sub3A_353 : i32
      %jit3A_360 = arith.constant 1 : i32
      %select_n3A_361 = arith.select %lt3A_355, %jit3A_360, %select_n3A_359 : i32
      %dma_wait3A_362 = arith.constant 2432 : i32
      %dma_wait3A_363 = tpu.memref_slice %arg6[%dma_wait3A_362] : memref<27648xi32, #tpu.memory_space<vmem>> -> memref<2048xi32, #tpu.memory_space<vmem>>
      %dma_wait3A_364 = arith.constant 0 : i32
      %dma_wait3A_365 = tpu.memref_slice %arg2[%select_n3A_361, %dma_wait3A_364] : memref<2048x2048xi32, #tpu.memory_space<hbm>> -> memref<1x2048xi32, #tpu.memory_space<hbm>>
      %dma_wait3A_366 = tpu.memref_squeeze %dma_wait3A_365 : memref<1x2048xi32, #tpu.memory_space<hbm>> -> memref<2048xi32, #tpu.memory_space<hbm>>
      %dma_wait3A_367 = arith.constant 2432 : i32
      %dma_wait3A_368 = tpu.memref_slice %arg6[%dma_wait3A_367] : memref<27648xi32, #tpu.memory_space<vmem>> -> memref<2048xi32, #tpu.memory_space<vmem>>
      %dma_wait3A_369 = arith.constant 0 : i32
      %dma_wait3A_370 = tpu.memref_slice %arg2[%select_n3A_361, %dma_wait3A_369] : memref<2048x2048xi32, #tpu.memory_space<hbm>> -> memref<1x2048xi32, #tpu.memory_space<hbm>>
      %dma_wait3A_371 = tpu.memref_squeeze %dma_wait3A_370 : memref<1x2048xi32, #tpu.memory_space<hbm>> -> memref<2048xi32, #tpu.memory_space<hbm>>
      tpu.wait_dma2 semaphore(%arg8 : memref<!tpu.dma_semaphore, #tpu.memory_space<semaphore_mem>>) src(%dma_wait3A_371 : memref<2048xi32, #tpu.memory_space<hbm>>) dst(%dma_wait3A_368 : memref<2048xi32, #tpu.memory_space<vmem>>)
      %add3A_372 = arith.constant 2 : i32
      %add3A_373 = arith.addi %add3A_327, %add3A_372 : i32
      %sub3A_374 = arith.constant 1 : i32
      %sub3A_375 = arith.subi %add3A_373, %sub3A_374 : i32
      %lt3A_376 = arith.constant 0 : i32
      %lt3A_377 = arith.cmpi slt, %sub3A_375, %lt3A_376 : i32
      %gt3A_378 = arith.constant 2047 : i32
      %gt3A_379 = arith.cmpi sgt, %sub3A_375, %gt3A_378 : i32
      %jit3A_380 = arith.constant 2046 : i32
      %select_n3A_381 = arith.select %gt3A_379, %jit3A_380, %sub3A_375 : i32
      %jit3A_382 = arith.constant 1 : i32
      %select_n3A_383 = arith.select %lt3A_377, %jit3A_382, %select_n3A_381 : i32
      %dma_wait3A_384 = arith.constant 4736 : i32
      %dma_wait3A_385 = tpu.memref_slice %arg6[%dma_wait3A_384] : memref<27648xi32, #tpu.memory_space<vmem>> -> memref<2048xi32, #tpu.memory_space<vmem>>
      %dma_wait3A_386 = arith.constant 0 : i32
      %dma_wait3A_387 = tpu.memref_slice %arg2[%select_n3A_383, %dma_wait3A_386] : memref<2048x2048xi32, #tpu.memory_space<hbm>> -> memref<1x2048xi32, #tpu.memory_space<hbm>>
      %dma_wait3A_388 = tpu.memref_squeeze %dma_wait3A_387 : memref<1x2048xi32, #tpu.memory_space<hbm>> -> memref<2048xi32, #tpu.memory_space<hbm>>
      %dma_wait3A_389 = arith.constant 4736 : i32
      %dma_wait3A_390 = tpu.memref_slice %arg6[%dma_wait3A_389] : memref<27648xi32, #tpu.memory_space<vmem>> -> memref<2048xi32, #tpu.memory_space<vmem>>
      %dma_wait3A_391 = arith.constant 0 : i32
      %dma_wait3A_392 = tpu.memref_slice %arg2[%select_n3A_383, %dma_wait3A_391] : memref<2048x2048xi32, #tpu.memory_space<hbm>> -> memref<1x2048xi32, #tpu.memory_space<hbm>>
      %dma_wait3A_393 = tpu.memref_squeeze %dma_wait3A_392 : memref<1x2048xi32, #tpu.memory_space<hbm>> -> memref<2048xi32, #tpu.memory_space<hbm>>
      tpu.wait_dma2 semaphore(%arg8 : memref<!tpu.dma_semaphore, #tpu.memory_space<semaphore_mem>>) src(%dma_wait3A_393 : memref<2048xi32, #tpu.memory_space<hbm>>) dst(%dma_wait3A_390 : memref<2048xi32, #tpu.memory_space<vmem>>)
      %add3A_394 = arith.constant 3 : i32
      %add3A_395 = arith.addi %add3A_327, %add3A_394 : i32
      %sub3A_396 = arith.constant 1 : i32
      %sub3A_397 = arith.subi %add3A_395, %sub3A_396 : i32
      %lt3A_398 = arith.constant 0 : i32
      %lt3A_399 = arith.cmpi slt, %sub3A_397, %lt3A_398 : i32
      %gt3A_400 = arith.constant 2047 : i32
      %gt3A_401 = arith.cmpi sgt, %sub3A_397, %gt3A_400 : i32
      %jit3A_402 = arith.constant 2046 : i32
      %select_n3A_403 = arith.select %gt3A_401, %jit3A_402, %sub3A_397 : i32
      %jit3A_404 = arith.constant 1 : i32
      %select_n3A_405 = arith.select %lt3A_399, %jit3A_404, %select_n3A_403 : i32
      %dma_wait3A_406 = arith.constant 7040 : i32
      %dma_wait3A_407 = tpu.memref_slice %arg6[%dma_wait3A_406] : memref<27648xi32, #tpu.memory_space<vmem>> -> memref<2048xi32, #tpu.memory_space<vmem>>
      %dma_wait3A_408 = arith.constant 0 : i32
      %dma_wait3A_409 = tpu.memref_slice %arg2[%select_n3A_405, %dma_wait3A_408] : memref<2048x2048xi32, #tpu.memory_space<hbm>> -> memref<1x2048xi32, #tpu.memory_space<hbm>>
      %dma_wait3A_410 = tpu.memref_squeeze %dma_wait3A_409 : memref<1x2048xi32, #tpu.memory_space<hbm>> -> memref<2048xi32, #tpu.memory_space<hbm>>
      %dma_wait3A_411 = arith.constant 7040 : i32
      %dma_wait3A_412 = tpu.memref_slice %arg6[%dma_wait3A_411] : memref<27648xi32, #tpu.memory_space<vmem>> -> memref<2048xi32, #tpu.memory_space<vmem>>
      %dma_wait3A_413 = arith.constant 0 : i32
      %dma_wait3A_414 = tpu.memref_slice %arg2[%select_n3A_405, %dma_wait3A_413] : memref<2048x2048xi32, #tpu.memory_space<hbm>> -> memref<1x2048xi32, #tpu.memory_space<hbm>>
      %dma_wait3A_415 = tpu.memref_squeeze %dma_wait3A_414 : memref<1x2048xi32, #tpu.memory_space<hbm>> -> memref<2048xi32, #tpu.memory_space<hbm>>
      tpu.wait_dma2 semaphore(%arg8 : memref<!tpu.dma_semaphore, #tpu.memory_space<semaphore_mem>>) src(%dma_wait3A_415 : memref<2048xi32, #tpu.memory_space<hbm>>) dst(%dma_wait3A_412 : memref<2048xi32, #tpu.memory_space<vmem>>)
      %add3A_416 = arith.constant 4 : i32
      %add3A_417 = arith.addi %add3A_327, %add3A_416 : i32
      %sub3A_418 = arith.constant 1 : i32
      %sub3A_419 = arith.subi %add3A_417, %sub3A_418 : i32
      %lt3A_420 = arith.constant 0 : i32
      %lt3A_421 = arith.cmpi slt, %sub3A_419, %lt3A_420 : i32
      %gt3A_422 = arith.constant 2047 : i32
      %gt3A_423 = arith.cmpi sgt, %sub3A_419, %gt3A_422 : i32
      %jit3A_424 = arith.constant 2046 : i32
      %select_n3A_425 = arith.select %gt3A_423, %jit3A_424, %sub3A_419 : i32
      %jit3A_426 = arith.constant 1 : i32
      %select_n3A_427 = arith.select %lt3A_421, %jit3A_426, %select_n3A_425 : i32
      %dma_wait3A_428 = arith.constant 9344 : i32
      %dma_wait3A_429 = tpu.memref_slice %arg6[%dma_wait3A_428] : memref<27648xi32, #tpu.memory_space<vmem>> -> memref<2048xi32, #tpu.memory_space<vmem>>
      %dma_wait3A_430 = arith.constant 0 : i32
      %dma_wait3A_431 = tpu.memref_slice %arg2[%select_n3A_427, %dma_wait3A_430] : memref<2048x2048xi32, #tpu.memory_space<hbm>> -> memref<1x2048xi32, #tpu.memory_space<hbm>>
      %dma_wait3A_432 = tpu.memref_squeeze %dma_wait3A_431 : memref<1x2048xi32, #tpu.memory_space<hbm>> -> memref<2048xi32, #tpu.memory_space<hbm>>
      %dma_wait3A_433 = arith.constant 9344 : i32
      %dma_wait3A_434 = tpu.memref_slice %arg6[%dma_wait3A_433] : memref<27648xi32, #tpu.memory_space<vmem>> -> memref<2048xi32, #tpu.memory_space<vmem>>
      %dma_wait3A_435 = arith.constant 0 : i32
      %dma_wait3A_436 = tpu.memref_slice %arg2[%select_n3A_427, %dma_wait3A_435] : memref<2048x2048xi32, #tpu.memory_space<hbm>> -> memref<1x2048xi32, #tpu.memory_space<hbm>>
      %dma_wait3A_437 = tpu.memref_squeeze %dma_wait3A_436 : memref<1x2048xi32, #tpu.memory_space<hbm>> -> memref<2048xi32, #tpu.memory_space<hbm>>
      tpu.wait_dma2 semaphore(%arg8 : memref<!tpu.dma_semaphore, #tpu.memory_space<semaphore_mem>>) src(%dma_wait3A_437 : memref<2048xi32, #tpu.memory_space<hbm>>) dst(%dma_wait3A_434 : memref<2048xi32, #tpu.memory_space<vmem>>)
      %add3A_438 = arith.constant 5 : i32
      %add3A_439 = arith.addi %add3A_327, %add3A_438 : i32
      %sub3A_440 = arith.constant 1 : i32
      %sub3A_441 = arith.subi %add3A_439, %sub3A_440 : i32
      %lt3A_442 = arith.constant 0 : i32
      %lt3A_443 = arith.cmpi slt, %sub3A_441, %lt3A_442 : i32
      %gt3A_444 = arith.constant 2047 : i32
      %gt3A_445 = arith.cmpi sgt, %sub3A_441, %gt3A_444 : i32
      %jit3A_446 = arith.constant 2046 : i32
      %select_n3A_447 = arith.select %gt3A_445, %jit3A_446, %sub3A_441 : i32
      %jit3A_448 = arith.constant 1 : i32
      %select_n3A_449 = arith.select %lt3A_443, %jit3A_448, %select_n3A_447 : i32
      %dma_wait3A_450 = arith.constant 11648 : i32
      %dma_wait3A_451 = tpu.memref_slice %arg6[%dma_wait3A_450] : memref<27648xi32, #tpu.memory_space<vmem>> -> memref<2048xi32, #tpu.memory_space<vmem>>
      %dma_wait3A_452 = arith.constant 0 : i32
      %dma_wait3A_453 = tpu.memref_slice %arg2[%select_n3A_449, %dma_wait3A_452] : memref<2048x2048xi32, #tpu.memory_space<hbm>> -> memref<1x2048xi32, #tpu.memory_space<hbm>>
      %dma_wait3A_454 = tpu.memref_squeeze %dma_wait3A_453 : memref<1x2048xi32, #tpu.memory_space<hbm>> -> memref<2048xi32, #tpu.memory_space<hbm>>
      %dma_wait3A_455 = arith.constant 11648 : i32
      %dma_wait3A_456 = tpu.memref_slice %arg6[%dma_wait3A_455] : memref<27648xi32, #tpu.memory_space<vmem>> -> memref<2048xi32, #tpu.memory_space<vmem>>
      %dma_wait3A_457 = arith.constant 0 : i32
      %dma_wait3A_458 = tpu.memref_slice %arg2[%select_n3A_449, %dma_wait3A_457] : memref<2048x2048xi32, #tpu.memory_space<hbm>> -> memref<1x2048xi32, #tpu.memory_space<hbm>>
      %dma_wait3A_459 = tpu.memref_squeeze %dma_wait3A_458 : memref<1x2048xi32, #tpu.memory_space<hbm>> -> memref<2048xi32, #tpu.memory_space<hbm>>
      tpu.wait_dma2 semaphore(%arg8 : memref<!tpu.dma_semaphore, #tpu.memory_space<semaphore_mem>>) src(%dma_wait3A_459 : memref<2048xi32, #tpu.memory_space<hbm>>) dst(%dma_wait3A_456 : memref<2048xi32, #tpu.memory_space<vmem>>)
      %add3A_460 = arith.constant 0 : i32
      %add3A_461 = vector.broadcast %add3A_460 : i32 to vector<16xi32>
      %add3A_462 = arith.addi %add3A_26, %add3A_461 : vector<16xi32>
      %gather3A = tpu.vector_load_idx %arg6[%add3A_462] masked %lt3A_10 : memref<27648xi32, #tpu.memory_space<vmem>>[vector<16xi32>], vector<16xi32>, vector<16xi1>
      %sub3A_463 = arith.constant 2 : i32
      %sub3A_464 = vector.broadcast %sub3A_463 : i32 to vector<16xi32>
      %sub3A_465 = arith.subi %add3A_462, %sub3A_464 : vector<16xi32>
      %mul3A_466 = arith.constant 4 : i32
      %mul3A_467 = vector.broadcast %mul3A_466 : i32 to vector<16xi32>
      %mul3A_468 = arith.muli %and3A_16, %mul3A_467 : vector<16xi32>
      %add3A_469 = arith.addi %sub3A_465, %mul3A_468 : vector<16xi32>
      tpu.vector_store_idx %arg6[%add3A_469], %gather3A masked %lt3A_10 : memref<27648xi32, #tpu.memory_space<vmem>>[vector<16xi32>], vector<16xi32>, vector<16xi1>
      %gt3A_470 = arith.constant 0 : i32
      %gt3A_471 = arith.cmpi sgt, %scan3A_322, %gt3A_470 : i32
      %convert_element_type3A = arith.extui %gt3A_471 : i1 to i32
      %cond3A = arith.constant 0 : i32
      %cond3A_472 = arith.cmpi ne, %convert_element_type3A, %cond3A : i32
      scf.if %cond3A_472 {
        %sub3A_728 = arith.constant 2 : i32
        %sub3A_729 = arith.subi %mul3A_324, %sub3A_728 : i32
        %mul3A_730 = arith.constant 4 : i32
        %mul3A_731 = arith.muli %sub3A_729, %mul3A_730 : i32
        %add3A_732 = arith.addi %mul3A_2, %mul3A_731 : i32
        %mul3A_733 = arith.constant 2 : i32
        %mul3A_734 = arith.muli %add3A_732, %mul3A_733 : i32
        %dma_wait3A_735 = arith.constant 0 : i32
        %dma_wait3A_736 = arith.constant 0 : i32
        %dma_wait3A_737 = tpu.memref_slice %arg7[%dma_wait3A_735, %dma_wait3A_736] : memref<16x4096xf32, #tpu.memory_space<vmem>> -> memref<8x4096xf32, #tpu.memory_space<vmem>>
        %dma_wait3A_738 = arith.constant 0 : i32
        %dma_wait3A_739 = tpu.memref_slice %arg4[%mul3A_734, %dma_wait3A_738] : memref<4096x4096xf32, #tpu.memory_space<hbm>> -> memref<8x4096xf32, #tpu.memory_space<hbm>>
        %dma_wait3A_740 = arith.constant 0 : i32
        %dma_wait3A_741 = tpu.memref_slice %arg4[%mul3A_734, %dma_wait3A_740] : memref<4096x4096xf32, #tpu.memory_space<hbm>> -> memref<8x4096xf32, #tpu.memory_space<hbm>>
        %dma_wait3A_742 = arith.constant 0 : i32
        %dma_wait3A_743 = arith.constant 0 : i32
        %dma_wait3A_744 = tpu.memref_slice %arg7[%dma_wait3A_742, %dma_wait3A_743] : memref<16x4096xf32, #tpu.memory_space<vmem>> -> memref<8x4096xf32, #tpu.memory_space<vmem>>
        tpu.wait_dma2 semaphore(%arg10 : memref<!tpu.dma_semaphore, #tpu.memory_space<semaphore_mem>>) src(%dma_wait3A_744 : memref<8x4096xf32, #tpu.memory_space<vmem>>) dst(%dma_wait3A_741 : memref<8x4096xf32, #tpu.memory_space<hbm>>)
      } else {
      }
      %add3A_473 = arith.constant 0 : i32
      %add3A_474 = vector.broadcast %add3A_473 : i32 to vector<16xi32>
      %add3A_475 = arith.addi %mul3A_8, %add3A_474 : vector<16xi32>
      %add3A_476 = arith.constant 1 : i32
      %add3A_477 = vector.broadcast %add3A_476 : i32 to vector<16xi32>
      %add3A_478 = arith.addi %mul3A_8, %add3A_477 : vector<16xi32>
      %add3A_479 = arith.constant 2 : i32
      %add3A_480 = vector.broadcast %add3A_479 : i32 to vector<16xi32>
      %add3A_481 = arith.addi %mul3A_8, %add3A_480 : vector<16xi32>
      %add3A_482 = arith.constant 3 : i32
      %add3A_483 = vector.broadcast %add3A_482 : i32 to vector<16xi32>
      %add3A_484 = arith.addi %mul3A_8, %add3A_483 : vector<16xi32>
      %add3A_485 = arith.constant 4 : i32
      %add3A_486 = vector.broadcast %add3A_485 : i32 to vector<16xi32>
      %add3A_487 = arith.addi %mul3A_8, %add3A_486 : vector<16xi32>
      %add3A_488 = arith.constant 5 : i32
      %add3A_489 = vector.broadcast %add3A_488 : i32 to vector<16xi32>
      %add3A_490 = arith.addi %mul3A_8, %add3A_489 : vector<16xi32>
      %add3A_491 = arith.constant 6 : i32
      %add3A_492 = vector.broadcast %add3A_491 : i32 to vector<16xi32>
      %add3A_493 = arith.addi %mul3A_8, %add3A_492 : vector<16xi32>
      %add3A_494 = arith.constant 7 : i32
      %add3A_495 = vector.broadcast %add3A_494 : i32 to vector<16xi32>
      %add3A_496 = arith.addi %mul3A_8, %add3A_495 : vector<16xi32>
      %scan3A_497 = arith.constant 0 : i32
      %scan3A_498 = arith.constant 0 : i32
      %scan3A_499 = arith.constant 128 : i32
      %scan3A_500 = arith.addi %scan3A_498, %scan3A_499 : i32
      %scan3A_501 = arith.constant 1 : i32
      scf.for %scan3A_728 = %scan3A_498 to %scan3A_500 step %scan3A_501  : i32 {
        %mul3A_729 = arith.constant 16 : i32
        %mul3A_730 = arith.muli %scan3A_728, %mul3A_729 : i32
        %add3A_731 = arith.constant 128 : i32
        %add3A_732 = arith.addi %add3A_731, %mul3A_730 : i32
        %sub3A_733 = arith.constant 1 : i32
        %sub3A_734 = arith.subi %add3A_732, %sub3A_733 : i32
        %get3A = arith.index_cast %sub3A_734 : i32 to index
        %get3A_735 = tpu.vector_load %arg6[%get3A] {strides = array<i32>} : memref<27648xi32, #tpu.memory_space<vmem>>, vector<16xi32>,
        %get3A_736 = arith.index_cast %add3A_732 : i32 to index
        %get3A_737 = tpu.vector_load %arg6[%get3A_736] {strides = array<i32>} : memref<27648xi32, #tpu.memory_space<vmem>>, vector<16xi32>,
        %add3A_738 = arith.constant 1 : i32
        %add3A_739 = arith.addi %add3A_732, %add3A_738 : i32
        %get3A_740 = arith.index_cast %add3A_739 : i32 to index
        %get3A_741 = tpu.vector_load %arg6[%get3A_740] {strides = array<i32>} : memref<27648xi32, #tpu.memory_space<vmem>>, vector<16xi32>,
        %add3A_742 = arith.constant 2432 : i32
        %add3A_743 = arith.addi %add3A_742, %mul3A_730 : i32
        %sub3A_744 = arith.constant 1 : i32
        %sub3A_745 = arith.subi %add3A_743, %sub3A_744 : i32
        %get3A_746 = arith.index_cast %sub3A_745 : i32 to index
        %get3A_747 = tpu.vector_load %arg6[%get3A_746] {strides = array<i32>} : memref<27648xi32, #tpu.memory_space<vmem>>, vector<16xi32>,
        %get3A_748 = arith.index_cast %add3A_743 : i32 to index
        %get3A_749 = tpu.vector_load %arg6[%get3A_748] {strides = array<i32>} : memref<27648xi32, #tpu.memory_space<vmem>>, vector<16xi32>,
        %add3A_750 = arith.constant 1 : i32
        %add3A_751 = arith.addi %add3A_743, %add3A_750 : i32
        %get3A_752 = arith.index_cast %add3A_751 : i32 to index
        %get3A_753 = tpu.vector_load %arg6[%get3A_752] {strides = array<i32>} : memref<27648xi32, #tpu.memory_space<vmem>>, vector<16xi32>,
        %add3A_754 = arith.constant 4736 : i32
        %add3A_755 = arith.addi %add3A_754, %mul3A_730 : i32
        %sub3A_756 = arith.constant 1 : i32
        %sub3A_757 = arith.subi %add3A_755, %sub3A_756 : i32
        %get3A_758 = arith.index_cast %sub3A_757 : i32 to index
        %get3A_759 = tpu.vector_load %arg6[%get3A_758] {strides = array<i32>} : memref<27648xi32, #tpu.memory_space<vmem>>, vector<16xi32>,
        %get3A_760 = arith.index_cast %add3A_755 : i32 to index
        %get3A_761 = tpu.vector_load %arg6[%get3A_760] {strides = array<i32>} : memref<27648xi32, #tpu.memory_space<vmem>>, vector<16xi32>,
        %add3A_762 = arith.constant 1 : i32
        %add3A_763 = arith.addi %add3A_755, %add3A_762 : i32
        %get3A_764 = arith.index_cast %add3A_763 : i32 to index
        %get3A_765 = tpu.vector_load %arg6[%get3A_764] {strides = array<i32>} : memref<27648xi32, #tpu.memory_space<vmem>>, vector<16xi32>,
        %add3A_766 = arith.constant 7040 : i32
        %add3A_767 = arith.addi %add3A_766, %mul3A_730 : i32
        %sub3A_768 = arith.constant 1 : i32
        %sub3A_769 = arith.subi %add3A_767, %sub3A_768 : i32
        %get3A_770 = arith.index_cast %sub3A_769 : i32 to index
        %get3A_771 = tpu.vector_load %arg6[%get3A_770] {strides = array<i32>} : memref<27648xi32, #tpu.memory_space<vmem>>, vector<16xi32>,
        %get3A_772 = arith.index_cast %add3A_767 : i32 to index
        %get3A_773 = tpu.vector_load %arg6[%get3A_772] {strides = array<i32>} : memref<27648xi32, #tpu.memory_space<vmem>>, vector<16xi32>,
        %add3A_774 = arith.constant 1 : i32
        %add3A_775 = arith.addi %add3A_767, %add3A_774 : i32
        %get3A_776 = arith.index_cast %add3A_775 : i32 to index
        %get3A_777 = tpu.vector_load %arg6[%get3A_776] {strides = array<i32>} : memref<27648xi32, #tpu.memory_space<vmem>>, vector<16xi32>,
        %add3A_778 = arith.constant 9344 : i32
        %add3A_779 = arith.addi %add3A_778, %mul3A_730 : i32
        %sub3A_780 = arith.constant 1 : i32
        %sub3A_781 = arith.subi %add3A_779, %sub3A_780 : i32
        %get3A_782 = arith.index_cast %sub3A_781 : i32 to index
        %get3A_783 = tpu.vector_load %arg6[%get3A_782] {strides = array<i32>} : memref<27648xi32, #tpu.memory_space<vmem>>, vector<16xi32>,
        %get3A_784 = arith.index_cast %add3A_779 : i32 to index
        %get3A_785 = tpu.vector_load %arg6[%get3A_784] {strides = array<i32>} : memref<27648xi32, #tpu.memory_space<vmem>>, vector<16xi32>,
        %add3A_786 = arith.constant 1 : i32
        %add3A_787 = arith.addi %add3A_779, %add3A_786 : i32
        %get3A_788 = arith.index_cast %add3A_787 : i32 to index
        %get3A_789 = tpu.vector_load %arg6[%get3A_788] {strides = array<i32>} : memref<27648xi32, #tpu.memory_space<vmem>>, vector<16xi32>,
        %add3A_790 = arith.constant 11648 : i32
        %add3A_791 = arith.addi %add3A_790, %mul3A_730 : i32
        %sub3A_792 = arith.constant 1 : i32
        %sub3A_793 = arith.subi %add3A_791, %sub3A_792 : i32
        %get3A_794 = arith.index_cast %sub3A_793 : i32 to index
        %get3A_795 = tpu.vector_load %arg6[%get3A_794] {strides = array<i32>} : memref<27648xi32, #tpu.memory_space<vmem>>, vector<16xi32>,
        %get3A_796 = arith.index_cast %add3A_791 : i32 to index
        %get3A_797 = tpu.vector_load %arg6[%get3A_796] {strides = array<i32>} : memref<27648xi32, #tpu.memory_space<vmem>>, vector<16xi32>,
        %add3A_798 = arith.constant 1 : i32
        %add3A_799 = arith.addi %add3A_791, %add3A_798 : i32
        %get3A_800 = arith.index_cast %add3A_799 : i32 to index
        %get3A_801 = tpu.vector_load %arg6[%get3A_800] {strides = array<i32>} : memref<27648xi32, #tpu.memory_space<vmem>>, vector<16xi32>,
        %mul3A_802 = arith.constant 2 : i32
        %mul3A_803 = arith.muli %mul3A_730, %mul3A_802 : i32
        %add3A_804 = vector.broadcast %mul3A_803 : i32 to vector<16xi32>
        %add3A_805 = arith.addi %mul3A_5, %add3A_804 : vector<16xi32>
        %add3A_806 = arith.constant 1 : i32
        %add3A_807 = vector.broadcast %add3A_806 : i32 to vector<16xi32>
        %add3A_808 = arith.addi %add3A_805, %add3A_807 : vector<16xi32>
        %shift_left3A = arith.constant 9 : i32
        %shift_left3A_809 = vector.broadcast %shift_left3A : i32 to vector<16xi32>
        %shift_left3A_810 = arith.shli %get3A_753, %shift_left3A_809 : vector<16xi32>
        %add3A_811 = arith.addi %get3A_749, %shift_left3A_810 : vector<16xi32>
        %shift_left3A_812 = arith.constant 5 : i32
        %shift_left3A_813 = vector.broadcast %shift_left3A_812 : i32 to vector<16xi32>
        %shift_left3A_814 = arith.shli %get3A_761, %shift_left3A_813 : vector<16xi32>
        %add3A_815 = arith.addi %add3A_811, %shift_left3A_814 : vector<16xi32>
        %gather3A_816 = arith.constant 0 : i32
        %gather3A_817 = tpu.memref_slice %arg5[%gather3A_816] : memref<32768xi32, #tpu.memory_space<vmem>> -> memref<8192xi32, #tpu.memory_space<vmem>>
        %gather3A_818 = tpu.vector_load_idx %gather3A_817[%add3A_815] : memref<8192xi32, #tpu.memory_space<vmem>>[vector<16xi32>], vector<16xi32>,
        %gather3A_819 = arith.constant 16 : i32
        %gather3A_820 = tpu.memref_slice %arg5[%gather3A_819] : memref<32768xi32, #tpu.memory_space<vmem>> -> memref<8176xi32, #tpu.memory_space<vmem>>
        %gather3A_821 = tpu.vector_load_idx %gather3A_820[%add3A_815] : memref<8176xi32, #tpu.memory_space<vmem>>[vector<16xi32>], vector<16xi32>,
        %bitcast3A = vector.bitcast %gather3A_818 : vector<16xi32> to vector<32xbf16>
        %bitcast3A_822 = vector.bitcast %gather3A_821 : vector<16xi32> to vector<32xbf16>
        %shift_left3A_823 = arith.constant 9 : i32
        %shift_left3A_824 = vector.broadcast %shift_left3A_823 : i32 to vector<16xi32>
        %shift_left3A_825 = arith.shli %get3A_747, %shift_left3A_824 : vector<16xi32>
        %add3A_826 = arith.addi %get3A_749, %shift_left3A_825 : vector<16xi32>
        %shift_left3A_827 = arith.constant 5 : i32
        %shift_left3A_828 = vector.broadcast %shift_left3A_827 : i32 to vector<16xi32>
        %shift_left3A_829 = arith.shli %get3A_737, %shift_left3A_828 : vector<16xi32>
        %add3A_830 = arith.addi %add3A_826, %shift_left3A_829 : vector<16xi32>
        %gather3A_831 = arith.constant 8192 : i32
        %gather3A_832 = tpu.memref_slice %arg5[%gather3A_831] : memref<32768xi32, #tpu.memory_space<vmem>> -> memref<8192xi32, #tpu.memory_space<vmem>>
        %gather3A_833 = tpu.vector_load_idx %gather3A_832[%add3A_830] : memref<8192xi32, #tpu.memory_space<vmem>>[vector<16xi32>], vector<16xi32>,
        %gather3A_834 = arith.constant 8208 : i32
        %gather3A_835 = tpu.memref_slice %arg5[%gather3A_834] : memref<32768xi32, #tpu.memory_space<vmem>> -> memref<8176xi32, #tpu.memory_space<vmem>>
        %gather3A_836 = tpu.vector_load_idx %gather3A_835[%add3A_830] : memref<8176xi32, #tpu.memory_space<vmem>>[vector<16xi32>], vector<16xi32>,
        %bitcast3A_837 = vector.bitcast %gather3A_833 : vector<16xi32> to vector<32xbf16>
        %bitcast3A_838 = vector.bitcast %gather3A_836 : vector<16xi32> to vector<32xbf16>
        %shift_left3A_839 = arith.constant 9 : i32
        %shift_left3A_840 = vector.broadcast %shift_left3A_839 : i32 to vector<16xi32>
        %shift_left3A_841 = arith.shli %get3A_765, %shift_left3A_840 : vector<16xi32>
        %add3A_842 = arith.addi %get3A_749, %shift_left3A_841 : vector<16xi32>
        %shift_left3A_843 = arith.constant 5 : i32
        %shift_left3A_844 = vector.broadcast %shift_left3A_843 : i32 to vector<16xi32>
        %shift_left3A_845 = arith.shli %get3A_759, %shift_left3A_844 : vector<16xi32>
        %add3A_846 = arith.addi %add3A_842, %shift_left3A_845 : vector<16xi32>
        %gather3A_847 = arith.constant 16384 : i32
        %gather3A_848 = tpu.memref_slice %arg5[%gather3A_847] : memref<32768xi32, #tpu.memory_space<vmem>> -> memref<8192xi32, #tpu.memory_space<vmem>>
        %gather3A_849 = tpu.vector_load_idx %gather3A_848[%add3A_846] : memref<8192xi32, #tpu.memory_space<vmem>>[vector<16xi32>], vector<16xi32>,
        %gather3A_850 = arith.constant 16400 : i32
        %gather3A_851 = tpu.memref_slice %arg5[%gather3A_850] : memref<32768xi32, #tpu.memory_space<vmem>> -> memref<8176xi32, #tpu.memory_space<vmem>>
        %gather3A_852 = tpu.vector_load_idx %gather3A_851[%add3A_846] : memref<8176xi32, #tpu.memory_space<vmem>>[vector<16xi32>], vector<16xi32>,
        %bitcast3A_853 = vector.bitcast %gather3A_849 : vector<16xi32> to vector<32xbf16>
        %bitcast3A_854 = vector.bitcast %gather3A_852 : vector<16xi32> to vector<32xbf16>
        %shift_left3A_855 = arith.constant 9 : i32
        %shift_left3A_856 = vector.broadcast %shift_left3A_855 : i32 to vector<16xi32>
        %shift_left3A_857 = arith.shli %get3A_735, %shift_left3A_856 : vector<16xi32>
        %add3A_858 = arith.addi %get3A_749, %shift_left3A_857 : vector<16xi32>
        %shift_left3A_859 = arith.constant 5 : i32
        %shift_left3A_860 = vector.broadcast %shift_left3A_859 : i32 to vector<16xi32>
        %shift_left3A_861 = arith.shli %get3A_741, %shift_left3A_860 : vector<16xi32>
        %add3A_862 = arith.addi %add3A_858, %shift_left3A_861 : vector<16xi32>
        %gather3A_863 = arith.constant 24576 : i32
        %gather3A_864 = tpu.memref_slice %arg5[%gather3A_863] : memref<32768xi32, #tpu.memory_space<vmem>> -> memref<8192xi32, #tpu.memory_space<vmem>>
        %gather3A_865 = tpu.vector_load_idx %gather3A_864[%add3A_862] : memref<8192xi32, #tpu.memory_space<vmem>>[vector<16xi32>], vector<16xi32>,
        %gather3A_866 = arith.constant 24592 : i32
        %gather3A_867 = tpu.memref_slice %arg5[%gather3A_866] : memref<32768xi32, #tpu.memory_space<vmem>> -> memref<8176xi32, #tpu.memory_space<vmem>>
        %gather3A_868 = tpu.vector_load_idx %gather3A_867[%add3A_862] : memref<8176xi32, #tpu.memory_space<vmem>>[vector<16xi32>], vector<16xi32>,
        %bitcast3A_869 = vector.bitcast %gather3A_865 : vector<16xi32> to vector<32xbf16>
        %bitcast3A_870 = vector.bitcast %gather3A_868 : vector<16xi32> to vector<32xbf16>
        %add3A_871 = arith.addf %bitcast3A, %bitcast3A_837 : vector<32xbf16>
        %add3A_872 = arith.addf %add3A_871, %bitcast3A_853 : vector<32xbf16>
        %add3A_873 = arith.addf %add3A_872, %bitcast3A_869 : vector<32xbf16>
        %add3A_874 = arith.addf %bitcast3A_822, %bitcast3A_838 : vector<32xbf16>
        %add3A_875 = arith.addf %add3A_874, %bitcast3A_854 : vector<32xbf16>
        %add3A_876 = arith.addf %add3A_875, %bitcast3A_870 : vector<32xbf16>
        %unpack3A = tpu.unpack_subelements %add3A_873, 0 {pack_format = #tpu.pack_format<interleaved>} : vector<32xbf16> -> vector<16xf32>
        %unpack3A_877 = tpu.unpack_subelements %add3A_873, 1 {pack_format = #tpu.pack_format<interleaved>} : vector<32xbf16> -> vector<16xf32>
        %unpack3A_878 = tpu.unpack_subelements %add3A_876, 0 {pack_format = #tpu.pack_format<interleaved>} : vector<32xbf16> -> vector<16xf32>
        %unpack3A_879 = tpu.unpack_subelements %add3A_876, 1 {pack_format = #tpu.pack_format<interleaved>} : vector<32xbf16> -> vector<16xf32>
        tpu.vector_store_idx %arg7[%add3A_475, %add3A_805], %unpack3A : memref<16x4096xf32, #tpu.memory_space<vmem>>[vector<16xi32>, vector<16xi32>], vector<16xf32>,
        tpu.vector_store_idx %arg7[%add3A_475, %add3A_808], %unpack3A_877 : memref<16x4096xf32, #tpu.memory_space<vmem>>[vector<16xi32>, vector<16xi32>], vector<16xf32>,
        tpu.vector_store_idx %arg7[%add3A_478, %add3A_805], %unpack3A_878 : memref<16x4096xf32, #tpu.memory_space<vmem>>[vector<16xi32>, vector<16xi32>], vector<16xf32>,
        tpu.vector_store_idx %arg7[%add3A_478, %add3A_808], %unpack3A_879 : memref<16x4096xf32, #tpu.memory_space<vmem>>[vector<16xi32>, vector<16xi32>], vector<16xf32>,
        %add3A_880 = arith.addi %get3A_761, %shift_left3A_841 : vector<16xi32>
        %shift_left3A_881 = arith.constant 5 : i32
        %shift_left3A_882 = vector.broadcast %shift_left3A_881 : i32 to vector<16xi32>
        %shift_left3A_883 = arith.shli %get3A_773, %shift_left3A_882 : vector<16xi32>
        %add3A_884 = arith.addi %add3A_880, %shift_left3A_883 : vector<16xi32>
        %gather3A_885 = arith.constant 0 : i32
        %gather3A_886 = tpu.memref_slice %arg5[%gather3A_885] : memref<32768xi32, #tpu.memory_space<vmem>> -> memref<8192xi32, #tpu.memory_space<vmem>>
        %gather3A_887 = tpu.vector_load_idx %gather3A_886[%add3A_884] : memref<8192xi32, #tpu.memory_space<vmem>>[vector<16xi32>], vector<16xi32>,
        %gather3A_888 = arith.constant 16 : i32
        %gather3A_889 = tpu.memref_slice %arg5[%gather3A_888] : memref<32768xi32, #tpu.memory_space<vmem>> -> memref<8176xi32, #tpu.memory_space<vmem>>
        %gather3A_890 = tpu.vector_load_idx %gather3A_889[%add3A_884] : memref<8176xi32, #tpu.memory_space<vmem>>[vector<16xi32>], vector<16xi32>,
        %bitcast3A_891 = vector.bitcast %gather3A_887 : vector<16xi32> to vector<32xbf16>
        %bitcast3A_892 = vector.bitcast %gather3A_890 : vector<16xi32> to vector<32xbf16>
        %shift_left3A_893 = arith.constant 9 : i32
        %shift_left3A_894 = vector.broadcast %shift_left3A_893 : i32 to vector<16xi32>
        %shift_left3A_895 = arith.shli %get3A_759, %shift_left3A_894 : vector<16xi32>
        %add3A_896 = arith.addi %get3A_761, %shift_left3A_895 : vector<16xi32>
        %shift_left3A_897 = arith.constant 5 : i32
        %shift_left3A_898 = vector.broadcast %shift_left3A_897 : i32 to vector<16xi32>
        %shift_left3A_899 = arith.shli %get3A_749, %shift_left3A_898 : vector<16xi32>
        %add3A_900 = arith.addi %add3A_896, %shift_left3A_899 : vector<16xi32>
        %gather3A_901 = arith.constant 8192 : i32
        %gather3A_902 = tpu.memref_slice %arg5[%gather3A_901] : memref<32768xi32, #tpu.memory_space<vmem>> -> memref<8192xi32, #tpu.memory_space<vmem>>
        %gather3A_903 = tpu.vector_load_idx %gather3A_902[%add3A_900] : memref<8192xi32, #tpu.memory_space<vmem>>[vector<16xi32>], vector<16xi32>,
        %gather3A_904 = arith.constant 8208 : i32
        %gather3A_905 = tpu.memref_slice %arg5[%gather3A_904] : memref<32768xi32, #tpu.memory_space<vmem>> -> memref<8176xi32, #tpu.memory_space<vmem>>
        %gather3A_906 = tpu.vector_load_idx %gather3A_905[%add3A_900] : memref<8176xi32, #tpu.memory_space<vmem>>[vector<16xi32>], vector<16xi32>,
        %bitcast3A_907 = vector.bitcast %gather3A_903 : vector<16xi32> to vector<32xbf16>
        %bitcast3A_908 = vector.bitcast %gather3A_906 : vector<16xi32> to vector<32xbf16>
        %shift_left3A_909 = arith.constant 9 : i32
        %shift_left3A_910 = vector.broadcast %shift_left3A_909 : i32 to vector<16xi32>
        %shift_left3A_911 = arith.shli %get3A_777, %shift_left3A_910 : vector<16xi32>
        %add3A_912 = arith.addi %get3A_761, %shift_left3A_911 : vector<16xi32>
        %shift_left3A_913 = arith.constant 5 : i32
        %shift_left3A_914 = vector.broadcast %shift_left3A_913 : i32 to vector<16xi32>
        %shift_left3A_915 = arith.shli %get3A_771, %shift_left3A_914 : vector<16xi32>
        %add3A_916 = arith.addi %add3A_912, %shift_left3A_915 : vector<16xi32>
        %gather3A_917 = arith.constant 16384 : i32
        %gather3A_918 = tpu.memref_slice %arg5[%gather3A_917] : memref<32768xi32, #tpu.memory_space<vmem>> -> memref<8192xi32, #tpu.memory_space<vmem>>
        %gather3A_919 = tpu.vector_load_idx %gather3A_918[%add3A_916] : memref<8192xi32, #tpu.memory_space<vmem>>[vector<16xi32>], vector<16xi32>,
        %gather3A_920 = arith.constant 16400 : i32
        %gather3A_921 = tpu.memref_slice %arg5[%gather3A_920] : memref<32768xi32, #tpu.memory_space<vmem>> -> memref<8176xi32, #tpu.memory_space<vmem>>
        %gather3A_922 = tpu.vector_load_idx %gather3A_921[%add3A_916] : memref<8176xi32, #tpu.memory_space<vmem>>[vector<16xi32>], vector<16xi32>,
        %bitcast3A_923 = vector.bitcast %gather3A_919 : vector<16xi32> to vector<32xbf16>
        %bitcast3A_924 = vector.bitcast %gather3A_922 : vector<16xi32> to vector<32xbf16>
        %add3A_925 = arith.addi %get3A_761, %shift_left3A_825 : vector<16xi32>
        %shift_left3A_926 = arith.constant 5 : i32
        %shift_left3A_927 = vector.broadcast %shift_left3A_926 : i32 to vector<16xi32>
        %shift_left3A_928 = arith.shli %get3A_753, %shift_left3A_927 : vector<16xi32>
        %add3A_929 = arith.addi %add3A_925, %shift_left3A_928 : vector<16xi32>
        %gather3A_930 = arith.constant 24576 : i32
        %gather3A_931 = tpu.memref_slice %arg5[%gather3A_930] : memref<32768xi32, #tpu.memory_space<vmem>> -> memref<8192xi32, #tpu.memory_space<vmem>>
        %gather3A_932 = tpu.vector_load_idx %gather3A_931[%add3A_929] : memref<8192xi32, #tpu.memory_space<vmem>>[vector<16xi32>], vector<16xi32>,
        %gather3A_933 = arith.constant 24592 : i32
        %gather3A_934 = tpu.memref_slice %arg5[%gather3A_933] : memref<32768xi32, #tpu.memory_space<vmem>> -> memref<8176xi32, #tpu.memory_space<vmem>>
        %gather3A_935 = tpu.vector_load_idx %gather3A_934[%add3A_929] : memref<8176xi32, #tpu.memory_space<vmem>>[vector<16xi32>], vector<16xi32>,
        %bitcast3A_936 = vector.bitcast %gather3A_932 : vector<16xi32> to vector<32xbf16>
        %bitcast3A_937 = vector.bitcast %gather3A_935 : vector<16xi32> to vector<32xbf16>
        %add3A_938 = arith.addf %bitcast3A_891, %bitcast3A_907 : vector<32xbf16>
        %add3A_939 = arith.addf %add3A_938, %bitcast3A_923 : vector<32xbf16>
        %add3A_940 = arith.addf %add3A_939, %bitcast3A_936 : vector<32xbf16>
        %add3A_941 = arith.addf %bitcast3A_892, %bitcast3A_908 : vector<32xbf16>
        %add3A_942 = arith.addf %add3A_941, %bitcast3A_924 : vector<32xbf16>
        %add3A_943 = arith.addf %add3A_942, %bitcast3A_937 : vector<32xbf16>
        %unpack3A_944 = tpu.unpack_subelements %add3A_940, 0 {pack_format = #tpu.pack_format<interleaved>} : vector<32xbf16> -> vector<16xf32>
        %unpack3A_945 = tpu.unpack_subelements %add3A_940, 1 {pack_format = #tpu.pack_format<interleaved>} : vector<32xbf16> -> vector<16xf32>
        %unpack3A_946 = tpu.unpack_subelements %add3A_943, 0 {pack_format = #tpu.pack_format<interleaved>} : vector<32xbf16> -> vector<16xf32>
        %unpack3A_947 = tpu.unpack_subelements %add3A_943, 1 {pack_format = #tpu.pack_format<interleaved>} : vector<32xbf16> -> vector<16xf32>
        tpu.vector_store_idx %arg7[%add3A_481, %add3A_805], %unpack3A_944 : memref<16x4096xf32, #tpu.memory_space<vmem>>[vector<16xi32>, vector<16xi32>], vector<16xf32>,
        tpu.vector_store_idx %arg7[%add3A_481, %add3A_808], %unpack3A_945 : memref<16x4096xf32, #tpu.memory_space<vmem>>[vector<16xi32>, vector<16xi32>], vector<16xf32>,
        tpu.vector_store_idx %arg7[%add3A_484, %add3A_805], %unpack3A_946 : memref<16x4096xf32, #tpu.memory_space<vmem>>[vector<16xi32>, vector<16xi32>], vector<16xf32>,
        tpu.vector_store_idx %arg7[%add3A_484, %add3A_808], %unpack3A_947 : memref<16x4096xf32, #tpu.memory_space<vmem>>[vector<16xi32>, vector<16xi32>], vector<16xf32>,
        %add3A_948 = arith.addi %get3A_773, %shift_left3A_911 : vector<16xi32>
        %shift_left3A_949 = arith.constant 5 : i32
        %shift_left3A_950 = vector.broadcast %shift_left3A_949 : i32 to vector<16xi32>
        %shift_left3A_951 = arith.shli %get3A_785, %shift_left3A_950 : vector<16xi32>
        %add3A_952 = arith.addi %add3A_948, %shift_left3A_951 : vector<16xi32>
        %gather3A_953 = arith.constant 0 : i32
        %gather3A_954 = tpu.memref_slice %arg5[%gather3A_953] : memref<32768xi32, #tpu.memory_space<vmem>> -> memref<8192xi32, #tpu.memory_space<vmem>>
        %gather3A_955 = tpu.vector_load_idx %gather3A_954[%add3A_952] : memref<8192xi32, #tpu.memory_space<vmem>>[vector<16xi32>], vector<16xi32>,
        %gather3A_956 = arith.constant 16 : i32
        %gather3A_957 = tpu.memref_slice %arg5[%gather3A_956] : memref<32768xi32, #tpu.memory_space<vmem>> -> memref<8176xi32, #tpu.memory_space<vmem>>
        %gather3A_958 = tpu.vector_load_idx %gather3A_957[%add3A_952] : memref<8176xi32, #tpu.memory_space<vmem>>[vector<16xi32>], vector<16xi32>,
        %bitcast3A_959 = vector.bitcast %gather3A_955 : vector<16xi32> to vector<32xbf16>
        %bitcast3A_960 = vector.bitcast %gather3A_958 : vector<16xi32> to vector<32xbf16>
        %shift_left3A_961 = arith.constant 9 : i32
        %shift_left3A_962 = vector.broadcast %shift_left3A_961 : i32 to vector<16xi32>
        %shift_left3A_963 = arith.shli %get3A_771, %shift_left3A_962 : vector<16xi32>
        %add3A_964 = arith.addi %get3A_773, %shift_left3A_963 : vector<16xi32>
        %add3A_965 = arith.addi %add3A_964, %shift_left3A_814 : vector<16xi32>
        %gather3A_966 = arith.constant 8192 : i32
        %gather3A_967 = tpu.memref_slice %arg5[%gather3A_966] : memref<32768xi32, #tpu.memory_space<vmem>> -> memref<8192xi32, #tpu.memory_space<vmem>>
        %gather3A_968 = tpu.vector_load_idx %gather3A_967[%add3A_965] : memref<8192xi32, #tpu.memory_space<vmem>>[vector<16xi32>], vector<16xi32>,
        %gather3A_969 = arith.constant 8208 : i32
        %gather3A_970 = tpu.memref_slice %arg5[%gather3A_969] : memref<32768xi32, #tpu.memory_space<vmem>> -> memref<8176xi32, #tpu.memory_space<vmem>>
        %gather3A_971 = tpu.vector_load_idx %gather3A_970[%add3A_965] : memref<8176xi32, #tpu.memory_space<vmem>>[vector<16xi32>], vector<16xi32>,
        %bitcast3A_972 = vector.bitcast %gather3A_968 : vector<16xi32> to vector<32xbf16>
        %bitcast3A_973 = vector.bitcast %gather3A_971 : vector<16xi32> to vector<32xbf16>
        %shift_left3A_974 = arith.constant 9 : i32
        %shift_left3A_975 = vector.broadcast %shift_left3A_974 : i32 to vector<16xi32>
        %shift_left3A_976 = arith.shli %get3A_789, %shift_left3A_975 : vector<16xi32>
        %add3A_977 = arith.addi %get3A_773, %shift_left3A_976 : vector<16xi32>
        %shift_left3A_978 = arith.constant 5 : i32
        %shift_left3A_979 = vector.broadcast %shift_left3A_978 : i32 to vector<16xi32>
        %shift_left3A_980 = arith.shli %get3A_783, %shift_left3A_979 : vector<16xi32>
        %add3A_981 = arith.addi %add3A_977, %shift_left3A_980 : vector<16xi32>
        %gather3A_982 = arith.constant 16384 : i32
        %gather3A_983 = tpu.memref_slice %arg5[%gather3A_982] : memref<32768xi32, #tpu.memory_space<vmem>> -> memref<8192xi32, #tpu.memory_space<vmem>>
        %gather3A_984 = tpu.vector_load_idx %gather3A_983[%add3A_981] : memref<8192xi32, #tpu.memory_space<vmem>>[vector<16xi32>], vector<16xi32>,
        %gather3A_985 = arith.constant 16400 : i32
        %gather3A_986 = tpu.memref_slice %arg5[%gather3A_985] : memref<32768xi32, #tpu.memory_space<vmem>> -> memref<8176xi32, #tpu.memory_space<vmem>>
        %gather3A_987 = tpu.vector_load_idx %gather3A_986[%add3A_981] : memref<8176xi32, #tpu.memory_space<vmem>>[vector<16xi32>], vector<16xi32>,
        %bitcast3A_988 = vector.bitcast %gather3A_984 : vector<16xi32> to vector<32xbf16>
        %bitcast3A_989 = vector.bitcast %gather3A_987 : vector<16xi32> to vector<32xbf16>
        %add3A_990 = arith.addi %get3A_773, %shift_left3A_895 : vector<16xi32>
        %shift_left3A_991 = arith.constant 5 : i32
        %shift_left3A_992 = vector.broadcast %shift_left3A_991 : i32 to vector<16xi32>
        %shift_left3A_993 = arith.shli %get3A_765, %shift_left3A_992 : vector<16xi32>
        %add3A_994 = arith.addi %add3A_990, %shift_left3A_993 : vector<16xi32>
        %gather3A_995 = arith.constant 24576 : i32
        %gather3A_996 = tpu.memref_slice %arg5[%gather3A_995] : memref<32768xi32, #tpu.memory_space<vmem>> -> memref<8192xi32, #tpu.memory_space<vmem>>
        %gather3A_997 = tpu.vector_load_idx %gather3A_996[%add3A_994] : memref<8192xi32, #tpu.memory_space<vmem>>[vector<16xi32>], vector<16xi32>,
        %gather3A_998 = arith.constant 24592 : i32
        %gather3A_999 = tpu.memref_slice %arg5[%gather3A_998] : memref<32768xi32, #tpu.memory_space<vmem>> -> memref<8176xi32, #tpu.memory_space<vmem>>
        %gather3A_1000 = tpu.vector_load_idx %gather3A_999[%add3A_994] : memref<8176xi32, #tpu.memory_space<vmem>>[vector<16xi32>], vector<16xi32>,
        %bitcast3A_1001 = vector.bitcast %gather3A_997 : vector<16xi32> to vector<32xbf16>
        %bitcast3A_1002 = vector.bitcast %gather3A_1000 : vector<16xi32> to vector<32xbf16>
        %add3A_1003 = arith.addf %bitcast3A_959, %bitcast3A_972 : vector<32xbf16>
        %add3A_1004 = arith.addf %add3A_1003, %bitcast3A_988 : vector<32xbf16>
        %add3A_1005 = arith.addf %add3A_1004, %bitcast3A_1001 : vector<32xbf16>
        %add3A_1006 = arith.addf %bitcast3A_960, %bitcast3A_973 : vector<32xbf16>
        %add3A_1007 = arith.addf %add3A_1006, %bitcast3A_989 : vector<32xbf16>
        %add3A_1008 = arith.addf %add3A_1007, %bitcast3A_1002 : vector<32xbf16>
        %unpack3A_1009 = tpu.unpack_subelements %add3A_1005, 0 {pack_format = #tpu.pack_format<interleaved>} : vector<32xbf16> -> vector<16xf32>
        %unpack3A_1010 = tpu.unpack_subelements %add3A_1005, 1 {pack_format = #tpu.pack_format<interleaved>} : vector<32xbf16> -> vector<16xf32>
        %unpack3A_1011 = tpu.unpack_subelements %add3A_1008, 0 {pack_format = #tpu.pack_format<interleaved>} : vector<32xbf16> -> vector<16xf32>
        %unpack3A_1012 = tpu.unpack_subelements %add3A_1008, 1 {pack_format = #tpu.pack_format<interleaved>} : vector<32xbf16> -> vector<16xf32>
        tpu.vector_store_idx %arg7[%add3A_487, %add3A_805], %unpack3A_1009 : memref<16x4096xf32, #tpu.memory_space<vmem>>[vector<16xi32>, vector<16xi32>], vector<16xf32>,
        tpu.vector_store_idx %arg7[%add3A_487, %add3A_808], %unpack3A_1010 : memref<16x4096xf32, #tpu.memory_space<vmem>>[vector<16xi32>, vector<16xi32>], vector<16xf32>,
        tpu.vector_store_idx %arg7[%add3A_490, %add3A_805], %unpack3A_1011 : memref<16x4096xf32, #tpu.memory_space<vmem>>[vector<16xi32>, vector<16xi32>], vector<16xf32>,
        tpu.vector_store_idx %arg7[%add3A_490, %add3A_808], %unpack3A_1012 : memref<16x4096xf32, #tpu.memory_space<vmem>>[vector<16xi32>, vector<16xi32>], vector<16xf32>,
        %add3A_1013 = arith.addi %get3A_785, %shift_left3A_976 : vector<16xi32>
        %shift_left3A_1014 = arith.constant 5 : i32
        %shift_left3A_1015 = vector.broadcast %shift_left3A_1014 : i32 to vector<16xi32>
        %shift_left3A_1016 = arith.shli %get3A_797, %shift_left3A_1015 : vector<16xi32>
        %add3A_1017 = arith.addi %add3A_1013, %shift_left3A_1016 : vector<16xi32>
        %gather3A_1018 = arith.constant 0 : i32
        %gather3A_1019 = tpu.memref_slice %arg5[%gather3A_1018] : memref<32768xi32, #tpu.memory_space<vmem>> -> memref<8192xi32, #tpu.memory_space<vmem>>
        %gather3A_1020 = tpu.vector_load_idx %gather3A_1019[%add3A_1017] : memref<8192xi32, #tpu.memory_space<vmem>>[vector<16xi32>], vector<16xi32>,
        %gather3A_1021 = arith.constant 16 : i32
        %gather3A_1022 = tpu.memref_slice %arg5[%gather3A_1021] : memref<32768xi32, #tpu.memory_space<vmem>> -> memref<8176xi32, #tpu.memory_space<vmem>>
        %gather3A_1023 = tpu.vector_load_idx %gather3A_1022[%add3A_1017] : memref<8176xi32, #tpu.memory_space<vmem>>[vector<16xi32>], vector<16xi32>,
        %bitcast3A_1024 = vector.bitcast %gather3A_1020 : vector<16xi32> to vector<32xbf16>
        %bitcast3A_1025 = vector.bitcast %gather3A_1023 : vector<16xi32> to vector<32xbf16>
        %shift_left3A_1026 = arith.constant 9 : i32
        %shift_left3A_1027 = vector.broadcast %shift_left3A_1026 : i32 to vector<16xi32>
        %shift_left3A_1028 = arith.shli %get3A_783, %shift_left3A_1027 : vector<16xi32>
        %add3A_1029 = arith.addi %get3A_785, %shift_left3A_1028 : vector<16xi32>
        %add3A_1030 = arith.addi %add3A_1029, %shift_left3A_883 : vector<16xi32>
        %gather3A_1031 = arith.constant 8192 : i32
        %gather3A_1032 = tpu.memref_slice %arg5[%gather3A_1031] : memref<32768xi32, #tpu.memory_space<vmem>> -> memref<8192xi32, #tpu.memory_space<vmem>>
        %gather3A_1033 = tpu.vector_load_idx %gather3A_1032[%add3A_1030] : memref<8192xi32, #tpu.memory_space<vmem>>[vector<16xi32>], vector<16xi32>,
        %gather3A_1034 = arith.constant 8208 : i32
        %gather3A_1035 = tpu.memref_slice %arg5[%gather3A_1034] : memref<32768xi32, #tpu.memory_space<vmem>> -> memref<8176xi32, #tpu.memory_space<vmem>>
        %gather3A_1036 = tpu.vector_load_idx %gather3A_1035[%add3A_1030] : memref<8176xi32, #tpu.memory_space<vmem>>[vector<16xi32>], vector<16xi32>,
        %bitcast3A_1037 = vector.bitcast %gather3A_1033 : vector<16xi32> to vector<32xbf16>
        %bitcast3A_1038 = vector.bitcast %gather3A_1036 : vector<16xi32> to vector<32xbf16>
        %shift_left3A_1039 = arith.constant 9 : i32
        %shift_left3A_1040 = vector.broadcast %shift_left3A_1039 : i32 to vector<16xi32>
        %shift_left3A_1041 = arith.shli %get3A_801, %shift_left3A_1040 : vector<16xi32>
        %add3A_1042 = arith.addi %get3A_785, %shift_left3A_1041 : vector<16xi32>
        %shift_left3A_1043 = arith.constant 5 : i32
        %shift_left3A_1044 = vector.broadcast %shift_left3A_1043 : i32 to vector<16xi32>
        %shift_left3A_1045 = arith.shli %get3A_795, %shift_left3A_1044 : vector<16xi32>
        %add3A_1046 = arith.addi %add3A_1042, %shift_left3A_1045 : vector<16xi32>
        %gather3A_1047 = arith.constant 16384 : i32
        %gather3A_1048 = tpu.memref_slice %arg5[%gather3A_1047] : memref<32768xi32, #tpu.memory_space<vmem>> -> memref<8192xi32, #tpu.memory_space<vmem>>
        %gather3A_1049 = tpu.vector_load_idx %gather3A_1048[%add3A_1046] : memref<8192xi32, #tpu.memory_space<vmem>>[vector<16xi32>], vector<16xi32>,
        %gather3A_1050 = arith.constant 16400 : i32
        %gather3A_1051 = tpu.memref_slice %arg5[%gather3A_1050] : memref<32768xi32, #tpu.memory_space<vmem>> -> memref<8176xi32, #tpu.memory_space<vmem>>
        %gather3A_1052 = tpu.vector_load_idx %gather3A_1051[%add3A_1046] : memref<8176xi32, #tpu.memory_space<vmem>>[vector<16xi32>], vector<16xi32>,
        %bitcast3A_1053 = vector.bitcast %gather3A_1049 : vector<16xi32> to vector<32xbf16>
        %bitcast3A_1054 = vector.bitcast %gather3A_1052 : vector<16xi32> to vector<32xbf16>
        %add3A_1055 = arith.addi %get3A_785, %shift_left3A_963 : vector<16xi32>
        %shift_left3A_1056 = arith.constant 5 : i32
        %shift_left3A_1057 = vector.broadcast %shift_left3A_1056 : i32 to vector<16xi32>
        %shift_left3A_1058 = arith.shli %get3A_777, %shift_left3A_1057 : vector<16xi32>
        %add3A_1059 = arith.addi %add3A_1055, %shift_left3A_1058 : vector<16xi32>
        %gather3A_1060 = arith.constant 24576 : i32
        %gather3A_1061 = tpu.memref_slice %arg5[%gather3A_1060] : memref<32768xi32, #tpu.memory_space<vmem>> -> memref<8192xi32, #tpu.memory_space<vmem>>
        %gather3A_1062 = tpu.vector_load_idx %gather3A_1061[%add3A_1059] : memref<8192xi32, #tpu.memory_space<vmem>>[vector<16xi32>], vector<16xi32>,
        %gather3A_1063 = arith.constant 24592 : i32
        %gather3A_1064 = tpu.memref_slice %arg5[%gather3A_1063] : memref<32768xi32, #tpu.memory_space<vmem>> -> memref<8176xi32, #tpu.memory_space<vmem>>
        %gather3A_1065 = tpu.vector_load_idx %gather3A_1064[%add3A_1059] : memref<8176xi32, #tpu.memory_space<vmem>>[vector<16xi32>], vector<16xi32>,
        %bitcast3A_1066 = vector.bitcast %gather3A_1062 : vector<16xi32> to vector<32xbf16>
        %bitcast3A_1067 = vector.bitcast %gather3A_1065 : vector<16xi32> to vector<32xbf16>
        %add3A_1068 = arith.addf %bitcast3A_1024, %bitcast3A_1037 : vector<32xbf16>
        %add3A_1069 = arith.addf %add3A_1068, %bitcast3A_1053 : vector<32xbf16>
        %add3A_1070 = arith.addf %add3A_1069, %bitcast3A_1066 : vector<32xbf16>
        %add3A_1071 = arith.addf %bitcast3A_1025, %bitcast3A_1038 : vector<32xbf16>
        %add3A_1072 = arith.addf %add3A_1071, %bitcast3A_1054 : vector<32xbf16>
        %add3A_1073 = arith.addf %add3A_1072, %bitcast3A_1067 : vector<32xbf16>
        %unpack3A_1074 = tpu.unpack_subelements %add3A_1070, 0 {pack_format = #tpu.pack_format<interleaved>} : vector<32xbf16> -> vector<16xf32>
        %unpack3A_1075 = tpu.unpack_subelements %add3A_1070, 1 {pack_format = #tpu.pack_format<interleaved>} : vector<32xbf16> -> vector<16xf32>
        %unpack3A_1076 = tpu.unpack_subelements %add3A_1073, 0 {pack_format = #tpu.pack_format<interleaved>} : vector<32xbf16> -> vector<16xf32>
        %unpack3A_1077 = tpu.unpack_subelements %add3A_1073, 1 {pack_format = #tpu.pack_format<interleaved>} : vector<32xbf16> -> vector<16xf32>
        tpu.vector_store_idx %arg7[%add3A_493, %add3A_805], %unpack3A_1074 : memref<16x4096xf32, #tpu.memory_space<vmem>>[vector<16xi32>, vector<16xi32>], vector<16xf32>,
        tpu.vector_store_idx %arg7[%add3A_493, %add3A_808], %unpack3A_1075 : memref<16x4096xf32, #tpu.memory_space<vmem>>[vector<16xi32>, vector<16xi32>], vector<16xf32>,
        tpu.vector_store_idx %arg7[%add3A_496, %add3A_805], %unpack3A_1076 : memref<16x4096xf32, #tpu.memory_space<vmem>>[vector<16xi32>, vector<16xi32>], vector<16xf32>,
        tpu.vector_store_idx %arg7[%add3A_496, %add3A_808], %unpack3A_1077 : memref<16x4096xf32, #tpu.memory_space<vmem>>[vector<16xi32>, vector<16xi32>], vector<16xf32>,
      }
      %scan3A_502 = arith.constant 128 : i32
      %mul3A_503 = arith.constant 4 : i32
      %mul3A_504 = arith.muli %mul3A_324, %mul3A_503 : i32
      %add3A_505 = arith.addi %mul3A_2, %mul3A_504 : i32
      %mul3A_506 = arith.constant 2 : i32
      %mul3A_507 = arith.muli %add3A_505, %mul3A_506 : i32
      %dma_start3A_508 = arith.constant 0 : i32
      %dma_start3A_509 = arith.constant 0 : i32
      %dma_start3A_510 = tpu.memref_slice %arg7[%dma_start3A_508, %dma_start3A_509] : memref<16x4096xf32, #tpu.memory_space<vmem>> -> memref<8x4096xf32, #tpu.memory_space<vmem>>
      %dma_start3A_511 = arith.constant 0 : i32
      %dma_start3A_512 = tpu.memref_slice %arg4[%mul3A_507, %dma_start3A_511] : memref<4096x4096xf32, #tpu.memory_space<hbm>> -> memref<8x4096xf32, #tpu.memory_space<hbm>>
      %dma_start3A_513 = arith.constant 0 : i32
      %dma_start3A_514 = tpu.memref_slice %arg4[%mul3A_507, %dma_start3A_513] : memref<4096x4096xf32, #tpu.memory_space<hbm>> -> memref<8x4096xf32, #tpu.memory_space<hbm>>
      %dma_start3A_515 = arith.constant 0 : i32
      %dma_start3A_516 = arith.constant 0 : i32
      %dma_start3A_517 = tpu.memref_slice %arg7[%dma_start3A_515, %dma_start3A_516] : memref<16x4096xf32, #tpu.memory_space<vmem>> -> memref<8x4096xf32, #tpu.memory_space<vmem>>
      tpu.enqueue_dma source(%dma_start3A_517 : memref<8x4096xf32, #tpu.memory_space<vmem>>) target(%dma_start3A_514 : memref<8x4096xf32, #tpu.memory_space<hbm>>) target_semaphore(%arg10 : memref<!tpu.dma_semaphore, #tpu.memory_space<semaphore_mem>>)
      %lt3A_518 = arith.constant 7 : i32
      %lt3A_519 = arith.cmpi slt, %scan3A_322, %lt3A_518 : i32
      %convert_element_type3A_520 = arith.extui %lt3A_519 : i1 to i32
      %cond3A_521 = arith.constant 0 : i32
      %cond3A_522 = arith.cmpi ne, %convert_element_type3A_520, %cond3A_521 : i32
      scf.if %cond3A_522 {
        %add3A_728 = arith.constant 2 : i32
        %add3A_729 = arith.addi %mul3A_324, %add3A_728 : i32
        %mul3A_730 = arith.constant 4 : i32
        %mul3A_731 = arith.muli %add3A_729, %mul3A_730 : i32
        %add3A_732 = arith.addi %mul3A_2, %mul3A_731 : i32
        %add3A_733 = arith.constant 0 : i32
        %add3A_734 = arith.addi %add3A_732, %add3A_733 : i32
        %sub3A_735 = arith.constant 1 : i32
        %sub3A_736 = arith.subi %add3A_734, %sub3A_735 : i32
        %lt3A_737 = arith.constant 0 : i32
        %lt3A_738 = arith.cmpi slt, %sub3A_736, %lt3A_737 : i32
        %gt3A_739 = arith.constant 2047 : i32
        %gt3A_740 = arith.cmpi sgt, %sub3A_736, %gt3A_739 : i32
        %jit3A_741 = arith.constant 2046 : i32
        %select_n3A_742 = arith.select %gt3A_740, %jit3A_741, %sub3A_736 : i32
        %jit3A_743 = arith.constant 1 : i32
        %select_n3A_744 = arith.select %lt3A_738, %jit3A_743, %select_n3A_742 : i32
        %dma_start3A_745 = arith.constant 128 : i32
        %dma_start3A_746 = tpu.memref_slice %arg6[%dma_start3A_745] : memref<27648xi32, #tpu.memory_space<vmem>> -> memref<2048xi32, #tpu.memory_space<vmem>>
        %dma_start3A_747 = arith.constant 0 : i32
        %dma_start3A_748 = tpu.memref_slice %arg2[%select_n3A_744, %dma_start3A_747] : memref<2048x2048xi32, #tpu.memory_space<hbm>> -> memref<1x2048xi32, #tpu.memory_space<hbm>>
        %dma_start3A_749 = tpu.memref_squeeze %dma_start3A_748 : memref<1x2048xi32, #tpu.memory_space<hbm>> -> memref<2048xi32, #tpu.memory_space<hbm>>
        %dma_start3A_750 = arith.constant 128 : i32
        %dma_start3A_751 = tpu.memref_slice %arg6[%dma_start3A_750] : memref<27648xi32, #tpu.memory_space<vmem>> -> memref<2048xi32, #tpu.memory_space<vmem>>
        %dma_start3A_752 = arith.constant 0 : i32
        %dma_start3A_753 = tpu.memref_slice %arg2[%select_n3A_744, %dma_start3A_752] : memref<2048x2048xi32, #tpu.memory_space<hbm>> -> memref<1x2048xi32, #tpu.memory_space<hbm>>
        %dma_start3A_754 = tpu.memref_squeeze %dma_start3A_753 : memref<1x2048xi32, #tpu.memory_space<hbm>> -> memref<2048xi32, #tpu.memory_space<hbm>>
        tpu.enqueue_dma source(%dma_start3A_754 : memref<2048xi32, #tpu.memory_space<hbm>>) target(%dma_start3A_751 : memref<2048xi32, #tpu.memory_space<vmem>>) target_semaphore(%arg8 : memref<!tpu.dma_semaphore, #tpu.memory_space<semaphore_mem>>)
        %add3A_755 = arith.constant 1 : i32
        %add3A_756 = arith.addi %add3A_732, %add3A_755 : i32
        %sub3A_757 = arith.constant 1 : i32
        %sub3A_758 = arith.subi %add3A_756, %sub3A_757 : i32
        %lt3A_759 = arith.constant 0 : i32
        %lt3A_760 = arith.cmpi slt, %sub3A_758, %lt3A_759 : i32
        %gt3A_761 = arith.constant 2047 : i32
        %gt3A_762 = arith.cmpi sgt, %sub3A_758, %gt3A_761 : i32
        %jit3A_763 = arith.constant 2046 : i32
        %select_n3A_764 = arith.select %gt3A_762, %jit3A_763, %sub3A_758 : i32
        %jit3A_765 = arith.constant 1 : i32
        %select_n3A_766 = arith.select %lt3A_760, %jit3A_765, %select_n3A_764 : i32
        %dma_start3A_767 = arith.constant 2432 : i32
        %dma_start3A_768 = tpu.memref_slice %arg6[%dma_start3A_767] : memref<27648xi32, #tpu.memory_space<vmem>> -> memref<2048xi32, #tpu.memory_space<vmem>>
        %dma_start3A_769 = arith.constant 0 : i32
        %dma_start3A_770 = tpu.memref_slice %arg2[%select_n3A_766, %dma_start3A_769] : memref<2048x2048xi32, #tpu.memory_space<hbm>> -> memref<1x2048xi32, #tpu.memory_space<hbm>>
        %dma_start3A_771 = tpu.memref_squeeze %dma_start3A_770 : memref<1x2048xi32, #tpu.memory_space<hbm>> -> memref<2048xi32, #tpu.memory_space<hbm>>
        %dma_start3A_772 = arith.constant 2432 : i32
        %dma_start3A_773 = tpu.memref_slice %arg6[%dma_start3A_772] : memref<27648xi32, #tpu.memory_space<vmem>> -> memref<2048xi32, #tpu.memory_space<vmem>>
        %dma_start3A_774 = arith.constant 0 : i32
        %dma_start3A_775 = tpu.memref_slice %arg2[%select_n3A_766, %dma_start3A_774] : memref<2048x2048xi32, #tpu.memory_space<hbm>> -> memref<1x2048xi32, #tpu.memory_space<hbm>>
        %dma_start3A_776 = tpu.memref_squeeze %dma_start3A_775 : memref<1x2048xi32, #tpu.memory_space<hbm>> -> memref<2048xi32, #tpu.memory_space<hbm>>
        tpu.enqueue_dma source(%dma_start3A_776 : memref<2048xi32, #tpu.memory_space<hbm>>) target(%dma_start3A_773 : memref<2048xi32, #tpu.memory_space<vmem>>) target_semaphore(%arg8 : memref<!tpu.dma_semaphore, #tpu.memory_space<semaphore_mem>>)
        %add3A_777 = arith.constant 2 : i32
        %add3A_778 = arith.addi %add3A_732, %add3A_777 : i32
        %sub3A_779 = arith.constant 1 : i32
        %sub3A_780 = arith.subi %add3A_778, %sub3A_779 : i32
        %lt3A_781 = arith.constant 0 : i32
        %lt3A_782 = arith.cmpi slt, %sub3A_780, %lt3A_781 : i32
        %gt3A_783 = arith.constant 2047 : i32
        %gt3A_784 = arith.cmpi sgt, %sub3A_780, %gt3A_783 : i32
        %jit3A_785 = arith.constant 2046 : i32
        %select_n3A_786 = arith.select %gt3A_784, %jit3A_785, %sub3A_780 : i32
        %jit3A_787 = arith.constant 1 : i32
        %select_n3A_788 = arith.select %lt3A_782, %jit3A_787, %select_n3A_786 : i32
        %dma_start3A_789 = arith.constant 4736 : i32
        %dma_start3A_790 = tpu.memref_slice %arg6[%dma_start3A_789] : memref<27648xi32, #tpu.memory_space<vmem>> -> memref<2048xi32, #tpu.memory_space<vmem>>
        %dma_start3A_791 = arith.constant 0 : i32
        %dma_start3A_792 = tpu.memref_slice %arg2[%select_n3A_788, %dma_start3A_791] : memref<2048x2048xi32, #tpu.memory_space<hbm>> -> memref<1x2048xi32, #tpu.memory_space<hbm>>
        %dma_start3A_793 = tpu.memref_squeeze %dma_start3A_792 : memref<1x2048xi32, #tpu.memory_space<hbm>> -> memref<2048xi32, #tpu.memory_space<hbm>>
        %dma_start3A_794 = arith.constant 4736 : i32
        %dma_start3A_795 = tpu.memref_slice %arg6[%dma_start3A_794] : memref<27648xi32, #tpu.memory_space<vmem>> -> memref<2048xi32, #tpu.memory_space<vmem>>
        %dma_start3A_796 = arith.constant 0 : i32
        %dma_start3A_797 = tpu.memref_slice %arg2[%select_n3A_788, %dma_start3A_796] : memref<2048x2048xi32, #tpu.memory_space<hbm>> -> memref<1x2048xi32, #tpu.memory_space<hbm>>
        %dma_start3A_798 = tpu.memref_squeeze %dma_start3A_797 : memref<1x2048xi32, #tpu.memory_space<hbm>> -> memref<2048xi32, #tpu.memory_space<hbm>>
        tpu.enqueue_dma source(%dma_start3A_798 : memref<2048xi32, #tpu.memory_space<hbm>>) target(%dma_start3A_795 : memref<2048xi32, #tpu.memory_space<vmem>>) target_semaphore(%arg8 : memref<!tpu.dma_semaphore, #tpu.memory_space<semaphore_mem>>)
        %add3A_799 = arith.constant 3 : i32
        %add3A_800 = arith.addi %add3A_732, %add3A_799 : i32
        %sub3A_801 = arith.constant 1 : i32
        %sub3A_802 = arith.subi %add3A_800, %sub3A_801 : i32
        %lt3A_803 = arith.constant 0 : i32
        %lt3A_804 = arith.cmpi slt, %sub3A_802, %lt3A_803 : i32
        %gt3A_805 = arith.constant 2047 : i32
        %gt3A_806 = arith.cmpi sgt, %sub3A_802, %gt3A_805 : i32
        %jit3A_807 = arith.constant 2046 : i32
        %select_n3A_808 = arith.select %gt3A_806, %jit3A_807, %sub3A_802 : i32
        %jit3A_809 = arith.constant 1 : i32
        %select_n3A_810 = arith.select %lt3A_804, %jit3A_809, %select_n3A_808 : i32
        %dma_start3A_811 = arith.constant 7040 : i32
        %dma_start3A_812 = tpu.memref_slice %arg6[%dma_start3A_811] : memref<27648xi32, #tpu.memory_space<vmem>> -> memref<2048xi32, #tpu.memory_space<vmem>>
        %dma_start3A_813 = arith.constant 0 : i32
        %dma_start3A_814 = tpu.memref_slice %arg2[%select_n3A_810, %dma_start3A_813] : memref<2048x2048xi32, #tpu.memory_space<hbm>> -> memref<1x2048xi32, #tpu.memory_space<hbm>>
        %dma_start3A_815 = tpu.memref_squeeze %dma_start3A_814 : memref<1x2048xi32, #tpu.memory_space<hbm>> -> memref<2048xi32, #tpu.memory_space<hbm>>
        %dma_start3A_816 = arith.constant 7040 : i32
        %dma_start3A_817 = tpu.memref_slice %arg6[%dma_start3A_816] : memref<27648xi32, #tpu.memory_space<vmem>> -> memref<2048xi32, #tpu.memory_space<vmem>>
        %dma_start3A_818 = arith.constant 0 : i32
        %dma_start3A_819 = tpu.memref_slice %arg2[%select_n3A_810, %dma_start3A_818] : memref<2048x2048xi32, #tpu.memory_space<hbm>> -> memref<1x2048xi32, #tpu.memory_space<hbm>>
        %dma_start3A_820 = tpu.memref_squeeze %dma_start3A_819 : memref<1x2048xi32, #tpu.memory_space<hbm>> -> memref<2048xi32, #tpu.memory_space<hbm>>
        tpu.enqueue_dma source(%dma_start3A_820 : memref<2048xi32, #tpu.memory_space<hbm>>) target(%dma_start3A_817 : memref<2048xi32, #tpu.memory_space<vmem>>) target_semaphore(%arg8 : memref<!tpu.dma_semaphore, #tpu.memory_space<semaphore_mem>>)
        %add3A_821 = arith.constant 4 : i32
        %add3A_822 = arith.addi %add3A_732, %add3A_821 : i32
        %sub3A_823 = arith.constant 1 : i32
        %sub3A_824 = arith.subi %add3A_822, %sub3A_823 : i32
        %lt3A_825 = arith.constant 0 : i32
        %lt3A_826 = arith.cmpi slt, %sub3A_824, %lt3A_825 : i32
        %gt3A_827 = arith.constant 2047 : i32
        %gt3A_828 = arith.cmpi sgt, %sub3A_824, %gt3A_827 : i32
        %jit3A_829 = arith.constant 2046 : i32
        %select_n3A_830 = arith.select %gt3A_828, %jit3A_829, %sub3A_824 : i32
        %jit3A_831 = arith.constant 1 : i32
        %select_n3A_832 = arith.select %lt3A_826, %jit3A_831, %select_n3A_830 : i32
        %dma_start3A_833 = arith.constant 9344 : i32
        %dma_start3A_834 = tpu.memref_slice %arg6[%dma_start3A_833] : memref<27648xi32, #tpu.memory_space<vmem>> -> memref<2048xi32, #tpu.memory_space<vmem>>
        %dma_start3A_835 = arith.constant 0 : i32
        %dma_start3A_836 = tpu.memref_slice %arg2[%select_n3A_832, %dma_start3A_835] : memref<2048x2048xi32, #tpu.memory_space<hbm>> -> memref<1x2048xi32, #tpu.memory_space<hbm>>
        %dma_start3A_837 = tpu.memref_squeeze %dma_start3A_836 : memref<1x2048xi32, #tpu.memory_space<hbm>> -> memref<2048xi32, #tpu.memory_space<hbm>>
        %dma_start3A_838 = arith.constant 9344 : i32
        %dma_start3A_839 = tpu.memref_slice %arg6[%dma_start3A_838] : memref<27648xi32, #tpu.memory_space<vmem>> -> memref<2048xi32, #tpu.memory_space<vmem>>
        %dma_start3A_840 = arith.constant 0 : i32
        %dma_start3A_841 = tpu.memref_slice %arg2[%select_n3A_832, %dma_start3A_840] : memref<2048x2048xi32, #tpu.memory_space<hbm>> -> memref<1x2048xi32, #tpu.memory_space<hbm>>
        %dma_start3A_842 = tpu.memref_squeeze %dma_start3A_841 : memref<1x2048xi32, #tpu.memory_space<hbm>> -> memref<2048xi32, #tpu.memory_space<hbm>>
        tpu.enqueue_dma source(%dma_start3A_842 : memref<2048xi32, #tpu.memory_space<hbm>>) target(%dma_start3A_839 : memref<2048xi32, #tpu.memory_space<vmem>>) target_semaphore(%arg8 : memref<!tpu.dma_semaphore, #tpu.memory_space<semaphore_mem>>)
        %add3A_843 = arith.constant 5 : i32
        %add3A_844 = arith.addi %add3A_732, %add3A_843 : i32
        %sub3A_845 = arith.constant 1 : i32
        %sub3A_846 = arith.subi %add3A_844, %sub3A_845 : i32
        %lt3A_847 = arith.constant 0 : i32
        %lt3A_848 = arith.cmpi slt, %sub3A_846, %lt3A_847 : i32
        %gt3A_849 = arith.constant 2047 : i32
        %gt3A_850 = arith.cmpi sgt, %sub3A_846, %gt3A_849 : i32
        %jit3A_851 = arith.constant 2046 : i32
        %select_n3A_852 = arith.select %gt3A_850, %jit3A_851, %sub3A_846 : i32
        %jit3A_853 = arith.constant 1 : i32
        %select_n3A_854 = arith.select %lt3A_848, %jit3A_853, %select_n3A_852 : i32
        %dma_start3A_855 = arith.constant 11648 : i32
        %dma_start3A_856 = tpu.memref_slice %arg6[%dma_start3A_855] : memref<27648xi32, #tpu.memory_space<vmem>> -> memref<2048xi32, #tpu.memory_space<vmem>>
        %dma_start3A_857 = arith.constant 0 : i32
        %dma_start3A_858 = tpu.memref_slice %arg2[%select_n3A_854, %dma_start3A_857] : memref<2048x2048xi32, #tpu.memory_space<hbm>> -> memref<1x2048xi32, #tpu.memory_space<hbm>>
        %dma_start3A_859 = tpu.memref_squeeze %dma_start3A_858 : memref<1x2048xi32, #tpu.memory_space<hbm>> -> memref<2048xi32, #tpu.memory_space<hbm>>
        %dma_start3A_860 = arith.constant 11648 : i32
        %dma_start3A_861 = tpu.memref_slice %arg6[%dma_start3A_860] : memref<27648xi32, #tpu.memory_space<vmem>> -> memref<2048xi32, #tpu.memory_space<vmem>>
        %dma_start3A_862 = arith.constant 0 : i32
        %dma_start3A_863 = tpu.memref_slice %arg2[%select_n3A_854, %dma_start3A_862] : memref<2048x2048xi32, #tpu.memory_space<hbm>> -> memref<1x2048xi32, #tpu.memory_space<hbm>>
        %dma_start3A_864 = tpu.memref_squeeze %dma_start3A_863 : memref<1x2048xi32, #tpu.memory_space<hbm>> -> memref<2048xi32, #tpu.memory_space<hbm>>
        tpu.enqueue_dma source(%dma_start3A_864 : memref<2048xi32, #tpu.memory_space<hbm>>) target(%dma_start3A_861 : memref<2048xi32, #tpu.memory_space<vmem>>) target_semaphore(%arg8 : memref<!tpu.dma_semaphore, #tpu.memory_space<semaphore_mem>>)
      } else {
      }
      %add3A_523 = arith.constant 1 : i32
      %add3A_524 = arith.addi %mul3A_324, %add3A_523 : i32
      %mul3A_525 = arith.constant 4 : i32
      %mul3A_526 = arith.muli %add3A_524, %mul3A_525 : i32
      %add3A_527 = arith.addi %mul3A_2, %mul3A_526 : i32
      %add3A_528 = arith.constant 0 : i32
      %add3A_529 = arith.addi %add3A_527, %add3A_528 : i32
      %sub3A_530 = arith.constant 1 : i32
      %sub3A_531 = arith.subi %add3A_529, %sub3A_530 : i32
      %lt3A_532 = arith.constant 0 : i32
      %lt3A_533 = arith.cmpi slt, %sub3A_531, %lt3A_532 : i32
      %gt3A_534 = arith.constant 2047 : i32
      %gt3A_535 = arith.cmpi sgt, %sub3A_531, %gt3A_534 : i32
      %jit3A_536 = arith.constant 2046 : i32
      %select_n3A_537 = arith.select %gt3A_535, %jit3A_536, %sub3A_531 : i32
      %jit3A_538 = arith.constant 1 : i32
      %select_n3A_539 = arith.select %lt3A_533, %jit3A_538, %select_n3A_537 : i32
      %dma_wait3A_540 = arith.constant 13952 : i32
      %dma_wait3A_541 = tpu.memref_slice %arg6[%dma_wait3A_540] : memref<27648xi32, #tpu.memory_space<vmem>> -> memref<2048xi32, #tpu.memory_space<vmem>>
      %dma_wait3A_542 = arith.constant 0 : i32
      %dma_wait3A_543 = tpu.memref_slice %arg2[%select_n3A_539, %dma_wait3A_542] : memref<2048x2048xi32, #tpu.memory_space<hbm>> -> memref<1x2048xi32, #tpu.memory_space<hbm>>
      %dma_wait3A_544 = tpu.memref_squeeze %dma_wait3A_543 : memref<1x2048xi32, #tpu.memory_space<hbm>> -> memref<2048xi32, #tpu.memory_space<hbm>>
      %dma_wait3A_545 = arith.constant 13952 : i32
      %dma_wait3A_546 = tpu.memref_slice %arg6[%dma_wait3A_545] : memref<27648xi32, #tpu.memory_space<vmem>> -> memref<2048xi32, #tpu.memory_space<vmem>>
      %dma_wait3A_547 = arith.constant 0 : i32
      %dma_wait3A_548 = tpu.memref_slice %arg2[%select_n3A_539, %dma_wait3A_547] : memref<2048x2048xi32, #tpu.memory_space<hbm>> -> memref<1x2048xi32, #tpu.memory_space<hbm>>
      %dma_wait3A_549 = tpu.memref_squeeze %dma_wait3A_548 : memref<1x2048xi32, #tpu.memory_space<hbm>> -> memref<2048xi32, #tpu.memory_space<hbm>>
      tpu.wait_dma2 semaphore(%arg9 : memref<!tpu.dma_semaphore, #tpu.memory_space<semaphore_mem>>) src(%dma_wait3A_549 : memref<2048xi32, #tpu.memory_space<hbm>>) dst(%dma_wait3A_546 : memref<2048xi32, #tpu.memory_space<vmem>>)
      %add3A_550 = arith.constant 1 : i32
      %add3A_551 = arith.addi %add3A_527, %add3A_550 : i32
      %sub3A_552 = arith.constant 1 : i32
      %sub3A_553 = arith.subi %add3A_551, %sub3A_552 : i32
      %lt3A_554 = arith.constant 0 : i32
      %lt3A_555 = arith.cmpi slt, %sub3A_553, %lt3A_554 : i32
      %gt3A_556 = arith.constant 2047 : i32
      %gt3A_557 = arith.cmpi sgt, %sub3A_553, %gt3A_556 : i32
      %jit3A_558 = arith.constant 2046 : i32
      %select_n3A_559 = arith.select %gt3A_557, %jit3A_558, %sub3A_553 : i32
      %jit3A_560 = arith.constant 1 : i32
      %select_n3A_561 = arith.select %lt3A_555, %jit3A_560, %select_n3A_559 : i32
      %dma_wait3A_562 = arith.constant 16256 : i32
      %dma_wait3A_563 = tpu.memref_slice %arg6[%dma_wait3A_562] : memref<27648xi32, #tpu.memory_space<vmem>> -> memref<2048xi32, #tpu.memory_space<vmem>>
      %dma_wait3A_564 = arith.constant 0 : i32
      %dma_wait3A_565 = tpu.memref_slice %arg2[%select_n3A_561, %dma_wait3A_564] : memref<2048x2048xi32, #tpu.memory_space<hbm>> -> memref<1x2048xi32, #tpu.memory_space<hbm>>
      %dma_wait3A_566 = tpu.memref_squeeze %dma_wait3A_565 : memref<1x2048xi32, #tpu.memory_space<hbm>> -> memref<2048xi32, #tpu.memory_space<hbm>>
      %dma_wait3A_567 = arith.constant 16256 : i32
      %dma_wait3A_568 = tpu.memref_slice %arg6[%dma_wait3A_567] : memref<27648xi32, #tpu.memory_space<vmem>> -> memref<2048xi32, #tpu.memory_space<vmem>>
      %dma_wait3A_569 = arith.constant 0 : i32
      %dma_wait3A_570 = tpu.memref_slice %arg2[%select_n3A_561, %dma_wait3A_569] : memref<2048x2048xi32, #tpu.memory_space<hbm>> -> memref<1x2048xi32, #tpu.memory_space<hbm>>
      %dma_wait3A_571 = tpu.memref_squeeze %dma_wait3A_570 : memref<1x2048xi32, #tpu.memory_space<hbm>> -> memref<2048xi32, #tpu.memory_space<hbm>>
      tpu.wait_dma2 semaphore(%arg9 : memref<!tpu.dma_semaphore, #tpu.memory_space<semaphore_mem>>) src(%dma_wait3A_571 : memref<2048xi32, #tpu.memory_space<hbm>>) dst(%dma_wait3A_568 : memref<2048xi32, #tpu.memory_space<vmem>>)
      %add3A_572 = arith.constant 2 : i32
      %add3A_573 = arith.addi %add3A_527, %add3A_572 : i32
      %sub3A_574 = arith.constant 1 : i32
      %sub3A_575 = arith.subi %add3A_573, %sub3A_574 : i32
      %lt3A_576 = arith.constant 0 : i32
      %lt3A_577 = arith.cmpi slt, %sub3A_575, %lt3A_576 : i32
      %gt3A_578 = arith.constant 2047 : i32
      %gt3A_579 = arith.cmpi sgt, %sub3A_575, %gt3A_578 : i32
      %jit3A_580 = arith.constant 2046 : i32
      %select_n3A_581 = arith.select %gt3A_579, %jit3A_580, %sub3A_575 : i32
      %jit3A_582 = arith.constant 1 : i32
      %select_n3A_583 = arith.select %lt3A_577, %jit3A_582, %select_n3A_581 : i32
      %dma_wait3A_584 = arith.constant 18560 : i32
      %dma_wait3A_585 = tpu.memref_slice %arg6[%dma_wait3A_584] : memref<27648xi32, #tpu.memory_space<vmem>> -> memref<2048xi32, #tpu.memory_space<vmem>>
      %dma_wait3A_586 = arith.constant 0 : i32
      %dma_wait3A_587 = tpu.memref_slice %arg2[%select_n3A_583, %dma_wait3A_586] : memref<2048x2048xi32, #tpu.memory_space<hbm>> -> memref<1x2048xi32, #tpu.memory_space<hbm>>
      %dma_wait3A_588 = tpu.memref_squeeze %dma_wait3A_587 : memref<1x2048xi32, #tpu.memory_space<hbm>> -> memref<2048xi32, #tpu.memory_space<hbm>>
      %dma_wait3A_589 = arith.constant 18560 : i32
      %dma_wait3A_590 = tpu.memref_slice %arg6[%dma_wait3A_589] : memref<27648xi32, #tpu.memory_space<vmem>> -> memref<2048xi32, #tpu.memory_space<vmem>>
      %dma_wait3A_591 = arith.constant 0 : i32
      %dma_wait3A_592 = tpu.memref_slice %arg2[%select_n3A_583, %dma_wait3A_591] : memref<2048x2048xi32, #tpu.memory_space<hbm>> -> memref<1x2048xi32, #tpu.memory_space<hbm>>
      %dma_wait3A_593 = tpu.memref_squeeze %dma_wait3A_592 : memref<1x2048xi32, #tpu.memory_space<hbm>> -> memref<2048xi32, #tpu.memory_space<hbm>>
      tpu.wait_dma2 semaphore(%arg9 : memref<!tpu.dma_semaphore, #tpu.memory_space<semaphore_mem>>) src(%dma_wait3A_593 : memref<2048xi32, #tpu.memory_space<hbm>>) dst(%dma_wait3A_590 : memref<2048xi32, #tpu.memory_space<vmem>>)
      %add3A_594 = arith.constant 3 : i32
      %add3A_595 = arith.addi %add3A_527, %add3A_594 : i32
      %sub3A_596 = arith.constant 1 : i32
      %sub3A_597 = arith.subi %add3A_595, %sub3A_596 : i32
      %lt3A_598 = arith.constant 0 : i32
      %lt3A_599 = arith.cmpi slt, %sub3A_597, %lt3A_598 : i32
      %gt3A_600 = arith.constant 2047 : i32
      %gt3A_601 = arith.cmpi sgt, %sub3A_597, %gt3A_600 : i32
      %jit3A_602 = arith.constant 2046 : i32
      %select_n3A_603 = arith.select %gt3A_601, %jit3A_602, %sub3A_597 : i32
      %jit3A_604 = arith.constant 1 : i32
      %select_n3A_605 = arith.select %lt3A_599, %jit3A_604, %select_n3A_603 : i32
      %dma_wait3A_606 = arith.constant 20864 : i32
      %dma_wait3A_607 = tpu.memref_slice %arg6[%dma_wait3A_606] : memref<27648xi32, #tpu.memory_space<vmem>> -> memref<2048xi32, #tpu.memory_space<vmem>>
      %dma_wait3A_608 = arith.constant 0 : i32
      %dma_wait3A_609 = tpu.memref_slice %arg2[%select_n3A_605, %dma_wait3A_608] : memref<2048x2048xi32, #tpu.memory_space<hbm>> -> memref<1x2048xi32, #tpu.memory_space<hbm>>
      %dma_wait3A_610 = tpu.memref_squeeze %dma_wait3A_609 : memref<1x2048xi32, #tpu.memory_space<hbm>> -> memref<2048xi32, #tpu.memory_space<hbm>>
      %dma_wait3A_611 = arith.constant 20864 : i32
      %dma_wait3A_612 = tpu.memref_slice %arg6[%dma_wait3A_611] : memref<27648xi32, #tpu.memory_space<vmem>> -> memref<2048xi32, #tpu.memory_space<vmem>>
      %dma_wait3A_613 = arith.constant 0 : i32
      %dma_wait3A_614 = tpu.memref_slice %arg2[%select_n3A_605, %dma_wait3A_613] : memref<2048x2048xi32, #tpu.memory_space<hbm>> -> memref<1x2048xi32, #tpu.memory_space<hbm>>
      %dma_wait3A_615 = tpu.memref_squeeze %dma_wait3A_614 : memref<1x2048xi32, #tpu.memory_space<hbm>> -> memref<2048xi32, #tpu.memory_space<hbm>>
      tpu.wait_dma2 semaphore(%arg9 : memref<!tpu.dma_semaphore, #tpu.memory_space<semaphore_mem>>) src(%dma_wait3A_615 : memref<2048xi32, #tpu.memory_space<hbm>>) dst(%dma_wait3A_612 : memref<2048xi32, #tpu.memory_space<vmem>>)
      %add3A_616 = arith.constant 4 : i32
      %add3A_617 = arith.addi %add3A_527, %add3A_616 : i32
      %sub3A_618 = arith.constant 1 : i32
      %sub3A_619 = arith.subi %add3A_617, %sub3A_618 : i32
      %lt3A_620 = arith.constant 0 : i32
      %lt3A_621 = arith.cmpi slt, %sub3A_619, %lt3A_620 : i32
      %gt3A_622 = arith.constant 2047 : i32
      %gt3A_623 = arith.cmpi sgt, %sub3A_619, %gt3A_622 : i32
      %jit3A_624 = arith.constant 2046 : i32
      %select_n3A_625 = arith.select %gt3A_623, %jit3A_624, %sub3A_619 : i32
      %jit3A_626 = arith.constant 1 : i32
      %select_n3A_627 = arith.select %lt3A_621, %jit3A_626, %select_n3A_625 : i32
      %dma_wait3A_628 = arith.constant 23168 : i32
      %dma_wait3A_629 = tpu.memref_slice %arg6[%dma_wait3A_628] : memref<27648xi32, #tpu.memory_space<vmem>> -> memref<2048xi32, #tpu.memory_space<vmem>>
      %dma_wait3A_630 = arith.constant 0 : i32
      %dma_wait3A_631 = tpu.memref_slice %arg2[%select_n3A_627, %dma_wait3A_630] : memref<2048x2048xi32, #tpu.memory_space<hbm>> -> memref<1x2048xi32, #tpu.memory_space<hbm>>
      %dma_wait3A_632 = tpu.memref_squeeze %dma_wait3A_631 : memref<1x2048xi32, #tpu.memory_space<hbm>> -> memref<2048xi32, #tpu.memory_space<hbm>>
      %dma_wait3A_633 = arith.constant 23168 : i32
      %dma_wait3A_634 = tpu.memref_slice %arg6[%dma_wait3A_633] : memref<27648xi32, #tpu.memory_space<vmem>> -> memref<2048xi32, #tpu.memory_space<vmem>>
      %dma_wait3A_635 = arith.constant 0 : i32
      %dma_wait3A_636 = tpu.memref_slice %arg2[%select_n3A_627, %dma_wait3A_635] : memref<2048x2048xi32, #tpu.memory_space<hbm>> -> memref<1x2048xi32, #tpu.memory_space<hbm>>
      %dma_wait3A_637 = tpu.memref_squeeze %dma_wait3A_636 : memref<1x2048xi32, #tpu.memory_space<hbm>> -> memref<2048xi32, #tpu.memory_space<hbm>>
      tpu.wait_dma2 semaphore(%arg9 : memref<!tpu.dma_semaphore, #tpu.memory_space<semaphore_mem>>) src(%dma_wait3A_637 : memref<2048xi32, #tpu.memory_space<hbm>>) dst(%dma_wait3A_634 : memref<2048xi32, #tpu.memory_space<vmem>>)
      %add3A_638 = arith.constant 5 : i32
      %add3A_639 = arith.addi %add3A_527, %add3A_638 : i32
      %sub3A_640 = arith.constant 1 : i32
      %sub3A_641 = arith.subi %add3A_639, %sub3A_640 : i32
      %lt3A_642 = arith.constant 0 : i32
      %lt3A_643 = arith.cmpi slt, %sub3A_641, %lt3A_642 : i32
      %gt3A_644 = arith.constant 2047 : i32
      %gt3A_645 = arith.cmpi sgt, %sub3A_641, %gt3A_644 : i32
      %jit3A_646 = arith.constant 2046 : i32
      %select_n3A_647 = arith.select %gt3A_645, %jit3A_646, %sub3A_641 : i32
      %jit3A_648 = arith.constant 1 : i32
      %select_n3A_649 = arith.select %lt3A_643, %jit3A_648, %select_n3A_647 : i32
      %dma_wait3A_650 = arith.constant 25472 : i32
      %dma_wait3A_651 = tpu.memref_slice %arg6[%dma_wait3A_650] : memref<27648xi32, #tpu.memory_space<vmem>> -> memref<2048xi32, #tpu.memory_space<vmem>>
      %dma_wait3A_652 = arith.constant 0 : i32
      %dma_wait3A_653 = tpu.memref_slice %arg2[%select_n3A_649, %dma_wait3A_652] : memref<2048x2048xi32, #tpu.memory_space<hbm>> -> memref<1x2048xi32, #tpu.memory_space<hbm>>
      %dma_wait3A_654 = tpu.memref_squeeze %dma_wait3A_653 : memref<1x2048xi32, #tpu.memory_space<hbm>> -> memref<2048xi32, #tpu.memory_space<hbm>>
      %dma_wait3A_655 = arith.constant 25472 : i32
      %dma_wait3A_656 = tpu.memref_slice %arg6[%dma_wait3A_655] : memref<27648xi32, #tpu.memory_space<vmem>> -> memref<2048xi32, #tpu.memory_space<vmem>>
      %dma_wait3A_657 = arith.constant 0 : i32
      %dma_wait3A_658 = tpu.memref_slice %arg2[%select_n3A_649, %dma_wait3A_657] : memref<2048x2048xi32, #tpu.memory_space<hbm>> -> memref<1x2048xi32, #tpu.memory_space<hbm>>
      %dma_wait3A_659 = tpu.memref_squeeze %dma_wait3A_658 : memref<1x2048xi32, #tpu.memory_space<hbm>> -> memref<2048xi32, #tpu.memory_space<hbm>>
      tpu.wait_dma2 semaphore(%arg9 : memref<!tpu.dma_semaphore, #tpu.memory_space<semaphore_mem>>) src(%dma_wait3A_659 : memref<2048xi32, #tpu.memory_space<hbm>>) dst(%dma_wait3A_656 : memref<2048xi32, #tpu.memory_space<vmem>>)
      %add3A_660 = arith.constant 13824 : i32
      %add3A_661 = vector.broadcast %add3A_660 : i32 to vector<16xi32>
      %add3A_662 = arith.addi %add3A_26, %add3A_661 : vector<16xi32>
      %gather3A_663 = tpu.vector_load_idx %arg6[%add3A_662] masked %lt3A_10 : memref<27648xi32, #tpu.memory_space<vmem>>[vector<16xi32>], vector<16xi32>, vector<16xi1>
      %sub3A_664 = arith.constant 2 : i32
      %sub3A_665 = vector.broadcast %sub3A_664 : i32 to vector<16xi32>
      %sub3A_666 = arith.subi %add3A_662, %sub3A_665 : vector<16xi32>
      %mul3A_667 = arith.constant 4 : i32
      %mul3A_668 = vector.broadcast %mul3A_667 : i32 to vector<16xi32>
      %mul3A_669 = arith.muli %and3A_16, %mul3A_668 : vector<16xi32>
      %add3A_670 = arith.addi %sub3A_666, %mul3A_669 : vector<16xi32>
      tpu.vector_store_idx %arg6[%add3A_670], %gather3A_663 masked %lt3A_10 : memref<27648xi32, #tpu.memory_space<vmem>>[vector<16xi32>], vector<16xi32>, vector<16xi1>
      %gt3A_671 = arith.constant 0 : i32
      %gt3A_672 = arith.cmpi sgt, %scan3A_322, %gt3A_671 : i32
      %convert_element_type3A_673 = arith.extui %gt3A_672 : i1 to i32
      %cond3A_674 = arith.constant 0 : i32
      %cond3A_675 = arith.cmpi ne, %convert_element_type3A_673, %cond3A_674 : i32
      scf.if %cond3A_675 {
        %sub3A_728 = arith.constant 1 : i32
        %sub3A_729 = arith.subi %mul3A_324, %sub3A_728 : i32
        %mul3A_730 = arith.constant 4 : i32
        %mul3A_731 = arith.muli %sub3A_729, %mul3A_730 : i32
        %add3A_732 = arith.addi %mul3A_2, %mul3A_731 : i32
        %mul3A_733 = arith.constant 2 : i32
        %mul3A_734 = arith.muli %add3A_732, %mul3A_733 : i32
        %dma_wait3A_735 = arith.constant 8 : i32
        %dma_wait3A_736 = arith.constant 0 : i32
        %dma_wait3A_737 = tpu.memref_slice %arg7[%dma_wait3A_735, %dma_wait3A_736] : memref<16x4096xf32, #tpu.memory_space<vmem>> -> memref<8x4096xf32, #tpu.memory_space<vmem>>
        %dma_wait3A_738 = arith.constant 0 : i32
        %dma_wait3A_739 = tpu.memref_slice %arg4[%mul3A_734, %dma_wait3A_738] : memref<4096x4096xf32, #tpu.memory_space<hbm>> -> memref<8x4096xf32, #tpu.memory_space<hbm>>
        %dma_wait3A_740 = arith.constant 0 : i32
        %dma_wait3A_741 = tpu.memref_slice %arg4[%mul3A_734, %dma_wait3A_740] : memref<4096x4096xf32, #tpu.memory_space<hbm>> -> memref<8x4096xf32, #tpu.memory_space<hbm>>
        %dma_wait3A_742 = arith.constant 8 : i32
        %dma_wait3A_743 = arith.constant 0 : i32
        %dma_wait3A_744 = tpu.memref_slice %arg7[%dma_wait3A_742, %dma_wait3A_743] : memref<16x4096xf32, #tpu.memory_space<vmem>> -> memref<8x4096xf32, #tpu.memory_space<vmem>>
        tpu.wait_dma2 semaphore(%arg11 : memref<!tpu.dma_semaphore, #tpu.memory_space<semaphore_mem>>) src(%dma_wait3A_744 : memref<8x4096xf32, #tpu.memory_space<vmem>>) dst(%dma_wait3A_741 : memref<8x4096xf32, #tpu.memory_space<hbm>>)
      } else {
      }
      %add3A_676 = arith.constant 8 : i32
      %add3A_677 = vector.broadcast %add3A_676 : i32 to vector<16xi32>
      %add3A_678 = arith.addi %mul3A_8, %add3A_677 : vector<16xi32>
      %add3A_679 = arith.constant 9 : i32
      %add3A_680 = vector.broadcast %add3A_679 : i32 to vector<16xi32>
      %add3A_681 = arith.addi %mul3A_8, %add3A_680 : vector<16xi32>
      %add3A_682 = arith.constant 10 : i32
      %add3A_683 = vector.broadcast %add3A_682 : i32 to vector<16xi32>
      %add3A_684 = arith.addi %mul3A_8, %add3A_683 : vector<16xi32>
      %add3A_685 = arith.constant 11 : i32
      %add3A_686 = vector.broadcast %add3A_685 : i32 to vector<16xi32>
      %add3A_687 = arith.addi %mul3A_8, %add3A_686 : vector<16xi32>
      %add3A_688 = arith.constant 12 : i32
      %add3A_689 = vector.broadcast %add3A_688 : i32 to vector<16xi32>
      %add3A_690 = arith.addi %mul3A_8, %add3A_689 : vector<16xi32>
      %add3A_691 = arith.constant 13 : i32
      %add3A_692 = vector.broadcast %add3A_691 : i32 to vector<16xi32>
      %add3A_693 = arith.addi %mul3A_8, %add3A_692 : vector<16xi32>
      %add3A_694 = arith.constant 14 : i32
      %add3A_695 = vector.broadcast %add3A_694 : i32 to vector<16xi32>
      %add3A_696 = arith.addi %mul3A_8, %add3A_695 : vector<16xi32>
      %add3A_697 = arith.constant 15 : i32
      %add3A_698 = vector.broadcast %add3A_697 : i32 to vector<16xi32>
      %add3A_699 = arith.addi %mul3A_8, %add3A_698 : vector<16xi32>
      %scan3A_700 = arith.constant 0 : i32
      %scan3A_701 = arith.constant 0 : i32
      %scan3A_702 = arith.constant 128 : i32
      %scan3A_703 = arith.addi %scan3A_701, %scan3A_702 : i32
      %scan3A_704 = arith.constant 1 : i32
      scf.for %scan3A_728 = %scan3A_701 to %scan3A_703 step %scan3A_704  : i32 {
        %mul3A_729 = arith.constant 16 : i32
        %mul3A_730 = arith.muli %scan3A_728, %mul3A_729 : i32
        %add3A_731 = arith.constant 13952 : i32
        %add3A_732 = arith.addi %add3A_731, %mul3A_730 : i32
        %sub3A_733 = arith.constant 1 : i32
        %sub3A_734 = arith.subi %add3A_732, %sub3A_733 : i32
        %get3A = arith.index_cast %sub3A_734 : i32 to index
        %get3A_735 = tpu.vector_load %arg6[%get3A] {strides = array<i32>} : memref<27648xi32, #tpu.memory_space<vmem>>, vector<16xi32>,
        %get3A_736 = arith.index_cast %add3A_732 : i32 to index
        %get3A_737 = tpu.vector_load %arg6[%get3A_736] {strides = array<i32>} : memref<27648xi32, #tpu.memory_space<vmem>>, vector<16xi32>,
        %add3A_738 = arith.constant 1 : i32
        %add3A_739 = arith.addi %add3A_732, %add3A_738 : i32
        %get3A_740 = arith.index_cast %add3A_739 : i32 to index
        %get3A_741 = tpu.vector_load %arg6[%get3A_740] {strides = array<i32>} : memref<27648xi32, #tpu.memory_space<vmem>>, vector<16xi32>,
        %add3A_742 = arith.constant 16256 : i32
        %add3A_743 = arith.addi %add3A_742, %mul3A_730 : i32
        %sub3A_744 = arith.constant 1 : i32
        %sub3A_745 = arith.subi %add3A_743, %sub3A_744 : i32
        %get3A_746 = arith.index_cast %sub3A_745 : i32 to index
        %get3A_747 = tpu.vector_load %arg6[%get3A_746] {strides = array<i32>} : memref<27648xi32, #tpu.memory_space<vmem>>, vector<16xi32>,
        %get3A_748 = arith.index_cast %add3A_743 : i32 to index
        %get3A_749 = tpu.vector_load %arg6[%get3A_748] {strides = array<i32>} : memref<27648xi32, #tpu.memory_space<vmem>>, vector<16xi32>,
        %add3A_750 = arith.constant 1 : i32
        %add3A_751 = arith.addi %add3A_743, %add3A_750 : i32
        %get3A_752 = arith.index_cast %add3A_751 : i32 to index
        %get3A_753 = tpu.vector_load %arg6[%get3A_752] {strides = array<i32>} : memref<27648xi32, #tpu.memory_space<vmem>>, vector<16xi32>,
        %add3A_754 = arith.constant 18560 : i32
        %add3A_755 = arith.addi %add3A_754, %mul3A_730 : i32
        %sub3A_756 = arith.constant 1 : i32
        %sub3A_757 = arith.subi %add3A_755, %sub3A_756 : i32
        %get3A_758 = arith.index_cast %sub3A_757 : i32 to index
        %get3A_759 = tpu.vector_load %arg6[%get3A_758] {strides = array<i32>} : memref<27648xi32, #tpu.memory_space<vmem>>, vector<16xi32>,
        %get3A_760 = arith.index_cast %add3A_755 : i32 to index
        %get3A_761 = tpu.vector_load %arg6[%get3A_760] {strides = array<i32>} : memref<27648xi32, #tpu.memory_space<vmem>>, vector<16xi32>,
        %add3A_762 = arith.constant 1 : i32
        %add3A_763 = arith.addi %add3A_755, %add3A_762 : i32
        %get3A_764 = arith.index_cast %add3A_763 : i32 to index
        %get3A_765 = tpu.vector_load %arg6[%get3A_764] {strides = array<i32>} : memref<27648xi32, #tpu.memory_space<vmem>>, vector<16xi32>,
        %add3A_766 = arith.constant 20864 : i32
        %add3A_767 = arith.addi %add3A_766, %mul3A_730 : i32
        %sub3A_768 = arith.constant 1 : i32
        %sub3A_769 = arith.subi %add3A_767, %sub3A_768 : i32
        %get3A_770 = arith.index_cast %sub3A_769 : i32 to index
        %get3A_771 = tpu.vector_load %arg6[%get3A_770] {strides = array<i32>} : memref<27648xi32, #tpu.memory_space<vmem>>, vector<16xi32>,
        %get3A_772 = arith.index_cast %add3A_767 : i32 to index
        %get3A_773 = tpu.vector_load %arg6[%get3A_772] {strides = array<i32>} : memref<27648xi32, #tpu.memory_space<vmem>>, vector<16xi32>,
        %add3A_774 = arith.constant 1 : i32
        %add3A_775 = arith.addi %add3A_767, %add3A_774 : i32
        %get3A_776 = arith.index_cast %add3A_775 : i32 to index
        %get3A_777 = tpu.vector_load %arg6[%get3A_776] {strides = array<i32>} : memref<27648xi32, #tpu.memory_space<vmem>>, vector<16xi32>,
        %add3A_778 = arith.constant 23168 : i32
        %add3A_779 = arith.addi %add3A_778, %mul3A_730 : i32
        %sub3A_780 = arith.constant 1 : i32
        %sub3A_781 = arith.subi %add3A_779, %sub3A_780 : i32
        %get3A_782 = arith.index_cast %sub3A_781 : i32 to index
        %get3A_783 = tpu.vector_load %arg6[%get3A_782] {strides = array<i32>} : memref<27648xi32, #tpu.memory_space<vmem>>, vector<16xi32>,
        %get3A_784 = arith.index_cast %add3A_779 : i32 to index
        %get3A_785 = tpu.vector_load %arg6[%get3A_784] {strides = array<i32>} : memref<27648xi32, #tpu.memory_space<vmem>>, vector<16xi32>,
        %add3A_786 = arith.constant 1 : i32
        %add3A_787 = arith.addi %add3A_779, %add3A_786 : i32
        %get3A_788 = arith.index_cast %add3A_787 : i32 to index
        %get3A_789 = tpu.vector_load %arg6[%get3A_788] {strides = array<i32>} : memref<27648xi32, #tpu.memory_space<vmem>>, vector<16xi32>,
        %add3A_790 = arith.constant 25472 : i32
        %add3A_791 = arith.addi %add3A_790, %mul3A_730 : i32
        %sub3A_792 = arith.constant 1 : i32
        %sub3A_793 = arith.subi %add3A_791, %sub3A_792 : i32
        %get3A_794 = arith.index_cast %sub3A_793 : i32 to index
        %get3A_795 = tpu.vector_load %arg6[%get3A_794] {strides = array<i32>} : memref<27648xi32, #tpu.memory_space<vmem>>, vector<16xi32>,
        %get3A_796 = arith.index_cast %add3A_791 : i32 to index
        %get3A_797 = tpu.vector_load %arg6[%get3A_796] {strides = array<i32>} : memref<27648xi32, #tpu.memory_space<vmem>>, vector<16xi32>,
        %add3A_798 = arith.constant 1 : i32
        %add3A_799 = arith.addi %add3A_791, %add3A_798 : i32
        %get3A_800 = arith.index_cast %add3A_799 : i32 to index
        %get3A_801 = tpu.vector_load %arg6[%get3A_800] {strides = array<i32>} : memref<27648xi32, #tpu.memory_space<vmem>>, vector<16xi32>,
        %mul3A_802 = arith.constant 2 : i32
        %mul3A_803 = arith.muli %mul3A_730, %mul3A_802 : i32
        %add3A_804 = vector.broadcast %mul3A_803 : i32 to vector<16xi32>
        %add3A_805 = arith.addi %mul3A_5, %add3A_804 : vector<16xi32>
        %add3A_806 = arith.constant 1 : i32
        %add3A_807 = vector.broadcast %add3A_806 : i32 to vector<16xi32>
        %add3A_808 = arith.addi %add3A_805, %add3A_807 : vector<16xi32>
        %shift_left3A = arith.constant 9 : i32
        %shift_left3A_809 = vector.broadcast %shift_left3A : i32 to vector<16xi32>
        %shift_left3A_810 = arith.shli %get3A_753, %shift_left3A_809 : vector<16xi32>
        %add3A_811 = arith.addi %get3A_749, %shift_left3A_810 : vector<16xi32>
        %shift_left3A_812 = arith.constant 5 : i32
        %shift_left3A_813 = vector.broadcast %shift_left3A_812 : i32 to vector<16xi32>
        %shift_left3A_814 = arith.shli %get3A_761, %shift_left3A_813 : vector<16xi32>
        %add3A_815 = arith.addi %add3A_811, %shift_left3A_814 : vector<16xi32>
        %gather3A_816 = arith.constant 0 : i32
        %gather3A_817 = tpu.memref_slice %arg5[%gather3A_816] : memref<32768xi32, #tpu.memory_space<vmem>> -> memref<8192xi32, #tpu.memory_space<vmem>>
        %gather3A_818 = tpu.vector_load_idx %gather3A_817[%add3A_815] : memref<8192xi32, #tpu.memory_space<vmem>>[vector<16xi32>], vector<16xi32>,
        %gather3A_819 = arith.constant 16 : i32
        %gather3A_820 = tpu.memref_slice %arg5[%gather3A_819] : memref<32768xi32, #tpu.memory_space<vmem>> -> memref<8176xi32, #tpu.memory_space<vmem>>
        %gather3A_821 = tpu.vector_load_idx %gather3A_820[%add3A_815] : memref<8176xi32, #tpu.memory_space<vmem>>[vector<16xi32>], vector<16xi32>,
        %bitcast3A = vector.bitcast %gather3A_818 : vector<16xi32> to vector<32xbf16>
        %bitcast3A_822 = vector.bitcast %gather3A_821 : vector<16xi32> to vector<32xbf16>
        %shift_left3A_823 = arith.constant 9 : i32
        %shift_left3A_824 = vector.broadcast %shift_left3A_823 : i32 to vector<16xi32>
        %shift_left3A_825 = arith.shli %get3A_747, %shift_left3A_824 : vector<16xi32>
        %add3A_826 = arith.addi %get3A_749, %shift_left3A_825 : vector<16xi32>
        %shift_left3A_827 = arith.constant 5 : i32
        %shift_left3A_828 = vector.broadcast %shift_left3A_827 : i32 to vector<16xi32>
        %shift_left3A_829 = arith.shli %get3A_737, %shift_left3A_828 : vector<16xi32>
        %add3A_830 = arith.addi %add3A_826, %shift_left3A_829 : vector<16xi32>
        %gather3A_831 = arith.constant 8192 : i32
        %gather3A_832 = tpu.memref_slice %arg5[%gather3A_831] : memref<32768xi32, #tpu.memory_space<vmem>> -> memref<8192xi32, #tpu.memory_space<vmem>>
        %gather3A_833 = tpu.vector_load_idx %gather3A_832[%add3A_830] : memref<8192xi32, #tpu.memory_space<vmem>>[vector<16xi32>], vector<16xi32>,
        %gather3A_834 = arith.constant 8208 : i32
        %gather3A_835 = tpu.memref_slice %arg5[%gather3A_834] : memref<32768xi32, #tpu.memory_space<vmem>> -> memref<8176xi32, #tpu.memory_space<vmem>>
        %gather3A_836 = tpu.vector_load_idx %gather3A_835[%add3A_830] : memref<8176xi32, #tpu.memory_space<vmem>>[vector<16xi32>], vector<16xi32>,
        %bitcast3A_837 = vector.bitcast %gather3A_833 : vector<16xi32> to vector<32xbf16>
        %bitcast3A_838 = vector.bitcast %gather3A_836 : vector<16xi32> to vector<32xbf16>
        %shift_left3A_839 = arith.constant 9 : i32
        %shift_left3A_840 = vector.broadcast %shift_left3A_839 : i32 to vector<16xi32>
        %shift_left3A_841 = arith.shli %get3A_765, %shift_left3A_840 : vector<16xi32>
        %add3A_842 = arith.addi %get3A_749, %shift_left3A_841 : vector<16xi32>
        %shift_left3A_843 = arith.constant 5 : i32
        %shift_left3A_844 = vector.broadcast %shift_left3A_843 : i32 to vector<16xi32>
        %shift_left3A_845 = arith.shli %get3A_759, %shift_left3A_844 : vector<16xi32>
        %add3A_846 = arith.addi %add3A_842, %shift_left3A_845 : vector<16xi32>
        %gather3A_847 = arith.constant 16384 : i32
        %gather3A_848 = tpu.memref_slice %arg5[%gather3A_847] : memref<32768xi32, #tpu.memory_space<vmem>> -> memref<8192xi32, #tpu.memory_space<vmem>>
        %gather3A_849 = tpu.vector_load_idx %gather3A_848[%add3A_846] : memref<8192xi32, #tpu.memory_space<vmem>>[vector<16xi32>], vector<16xi32>,
        %gather3A_850 = arith.constant 16400 : i32
        %gather3A_851 = tpu.memref_slice %arg5[%gather3A_850] : memref<32768xi32, #tpu.memory_space<vmem>> -> memref<8176xi32, #tpu.memory_space<vmem>>
        %gather3A_852 = tpu.vector_load_idx %gather3A_851[%add3A_846] : memref<8176xi32, #tpu.memory_space<vmem>>[vector<16xi32>], vector<16xi32>,
        %bitcast3A_853 = vector.bitcast %gather3A_849 : vector<16xi32> to vector<32xbf16>
        %bitcast3A_854 = vector.bitcast %gather3A_852 : vector<16xi32> to vector<32xbf16>
        %shift_left3A_855 = arith.constant 9 : i32
        %shift_left3A_856 = vector.broadcast %shift_left3A_855 : i32 to vector<16xi32>
        %shift_left3A_857 = arith.shli %get3A_735, %shift_left3A_856 : vector<16xi32>
        %add3A_858 = arith.addi %get3A_749, %shift_left3A_857 : vector<16xi32>
        %shift_left3A_859 = arith.constant 5 : i32
        %shift_left3A_860 = vector.broadcast %shift_left3A_859 : i32 to vector<16xi32>
        %shift_left3A_861 = arith.shli %get3A_741, %shift_left3A_860 : vector<16xi32>
        %add3A_862 = arith.addi %add3A_858, %shift_left3A_861 : vector<16xi32>
        %gather3A_863 = arith.constant 24576 : i32
        %gather3A_864 = tpu.memref_slice %arg5[%gather3A_863] : memref<32768xi32, #tpu.memory_space<vmem>> -> memref<8192xi32, #tpu.memory_space<vmem>>
        %gather3A_865 = tpu.vector_load_idx %gather3A_864[%add3A_862] : memref<8192xi32, #tpu.memory_space<vmem>>[vector<16xi32>], vector<16xi32>,
        %gather3A_866 = arith.constant 24592 : i32
        %gather3A_867 = tpu.memref_slice %arg5[%gather3A_866] : memref<32768xi32, #tpu.memory_space<vmem>> -> memref<8176xi32, #tpu.memory_space<vmem>>
        %gather3A_868 = tpu.vector_load_idx %gather3A_867[%add3A_862] : memref<8176xi32, #tpu.memory_space<vmem>>[vector<16xi32>], vector<16xi32>,
        %bitcast3A_869 = vector.bitcast %gather3A_865 : vector<16xi32> to vector<32xbf16>
        %bitcast3A_870 = vector.bitcast %gather3A_868 : vector<16xi32> to vector<32xbf16>
        %add3A_871 = arith.addf %bitcast3A, %bitcast3A_837 : vector<32xbf16>
        %add3A_872 = arith.addf %add3A_871, %bitcast3A_853 : vector<32xbf16>
        %add3A_873 = arith.addf %add3A_872, %bitcast3A_869 : vector<32xbf16>
        %add3A_874 = arith.addf %bitcast3A_822, %bitcast3A_838 : vector<32xbf16>
        %add3A_875 = arith.addf %add3A_874, %bitcast3A_854 : vector<32xbf16>
        %add3A_876 = arith.addf %add3A_875, %bitcast3A_870 : vector<32xbf16>
        %unpack3A = tpu.unpack_subelements %add3A_873, 0 {pack_format = #tpu.pack_format<interleaved>} : vector<32xbf16> -> vector<16xf32>
        %unpack3A_877 = tpu.unpack_subelements %add3A_873, 1 {pack_format = #tpu.pack_format<interleaved>} : vector<32xbf16> -> vector<16xf32>
        %unpack3A_878 = tpu.unpack_subelements %add3A_876, 0 {pack_format = #tpu.pack_format<interleaved>} : vector<32xbf16> -> vector<16xf32>
        %unpack3A_879 = tpu.unpack_subelements %add3A_876, 1 {pack_format = #tpu.pack_format<interleaved>} : vector<32xbf16> -> vector<16xf32>
        tpu.vector_store_idx %arg7[%add3A_678, %add3A_805], %unpack3A : memref<16x4096xf32, #tpu.memory_space<vmem>>[vector<16xi32>, vector<16xi32>], vector<16xf32>,
        tpu.vector_store_idx %arg7[%add3A_678, %add3A_808], %unpack3A_877 : memref<16x4096xf32, #tpu.memory_space<vmem>>[vector<16xi32>, vector<16xi32>], vector<16xf32>,
        tpu.vector_store_idx %arg7[%add3A_681, %add3A_805], %unpack3A_878 : memref<16x4096xf32, #tpu.memory_space<vmem>>[vector<16xi32>, vector<16xi32>], vector<16xf32>,
        tpu.vector_store_idx %arg7[%add3A_681, %add3A_808], %unpack3A_879 : memref<16x4096xf32, #tpu.memory_space<vmem>>[vector<16xi32>, vector<16xi32>], vector<16xf32>,
        %add3A_880 = arith.addi %get3A_761, %shift_left3A_841 : vector<16xi32>
        %shift_left3A_881 = arith.constant 5 : i32
        %shift_left3A_882 = vector.broadcast %shift_left3A_881 : i32 to vector<16xi32>
        %shift_left3A_883 = arith.shli %get3A_773, %shift_left3A_882 : vector<16xi32>
        %add3A_884 = arith.addi %add3A_880, %shift_left3A_883 : vector<16xi32>
        %gather3A_885 = arith.constant 0 : i32
        %gather3A_886 = tpu.memref_slice %arg5[%gather3A_885] : memref<32768xi32, #tpu.memory_space<vmem>> -> memref<8192xi32, #tpu.memory_space<vmem>>
        %gather3A_887 = tpu.vector_load_idx %gather3A_886[%add3A_884] : memref<8192xi32, #tpu.memory_space<vmem>>[vector<16xi32>], vector<16xi32>,
        %gather3A_888 = arith.constant 16 : i32
        %gather3A_889 = tpu.memref_slice %arg5[%gather3A_888] : memref<32768xi32, #tpu.memory_space<vmem>> -> memref<8176xi32, #tpu.memory_space<vmem>>
        %gather3A_890 = tpu.vector_load_idx %gather3A_889[%add3A_884] : memref<8176xi32, #tpu.memory_space<vmem>>[vector<16xi32>], vector<16xi32>,
        %bitcast3A_891 = vector.bitcast %gather3A_887 : vector<16xi32> to vector<32xbf16>
        %bitcast3A_892 = vector.bitcast %gather3A_890 : vector<16xi32> to vector<32xbf16>
        %shift_left3A_893 = arith.constant 9 : i32
        %shift_left3A_894 = vector.broadcast %shift_left3A_893 : i32 to vector<16xi32>
        %shift_left3A_895 = arith.shli %get3A_759, %shift_left3A_894 : vector<16xi32>
        %add3A_896 = arith.addi %get3A_761, %shift_left3A_895 : vector<16xi32>
        %shift_left3A_897 = arith.constant 5 : i32
        %shift_left3A_898 = vector.broadcast %shift_left3A_897 : i32 to vector<16xi32>
        %shift_left3A_899 = arith.shli %get3A_749, %shift_left3A_898 : vector<16xi32>
        %add3A_900 = arith.addi %add3A_896, %shift_left3A_899 : vector<16xi32>
        %gather3A_901 = arith.constant 8192 : i32
        %gather3A_902 = tpu.memref_slice %arg5[%gather3A_901] : memref<32768xi32, #tpu.memory_space<vmem>> -> memref<8192xi32, #tpu.memory_space<vmem>>
        %gather3A_903 = tpu.vector_load_idx %gather3A_902[%add3A_900] : memref<8192xi32, #tpu.memory_space<vmem>>[vector<16xi32>], vector<16xi32>,
        %gather3A_904 = arith.constant 8208 : i32
        %gather3A_905 = tpu.memref_slice %arg5[%gather3A_904] : memref<32768xi32, #tpu.memory_space<vmem>> -> memref<8176xi32, #tpu.memory_space<vmem>>
        %gather3A_906 = tpu.vector_load_idx %gather3A_905[%add3A_900] : memref<8176xi32, #tpu.memory_space<vmem>>[vector<16xi32>], vector<16xi32>,
        %bitcast3A_907 = vector.bitcast %gather3A_903 : vector<16xi32> to vector<32xbf16>
        %bitcast3A_908 = vector.bitcast %gather3A_906 : vector<16xi32> to vector<32xbf16>
        %shift_left3A_909 = arith.constant 9 : i32
        %shift_left3A_910 = vector.broadcast %shift_left3A_909 : i32 to vector<16xi32>
        %shift_left3A_911 = arith.shli %get3A_777, %shift_left3A_910 : vector<16xi32>
        %add3A_912 = arith.addi %get3A_761, %shift_left3A_911 : vector<16xi32>
        %shift_left3A_913 = arith.constant 5 : i32
        %shift_left3A_914 = vector.broadcast %shift_left3A_913 : i32 to vector<16xi32>
        %shift_left3A_915 = arith.shli %get3A_771, %shift_left3A_914 : vector<16xi32>
        %add3A_916 = arith.addi %add3A_912, %shift_left3A_915 : vector<16xi32>
        %gather3A_917 = arith.constant 16384 : i32
        %gather3A_918 = tpu.memref_slice %arg5[%gather3A_917] : memref<32768xi32, #tpu.memory_space<vmem>> -> memref<8192xi32, #tpu.memory_space<vmem>>
        %gather3A_919 = tpu.vector_load_idx %gather3A_918[%add3A_916] : memref<8192xi32, #tpu.memory_space<vmem>>[vector<16xi32>], vector<16xi32>,
        %gather3A_920 = arith.constant 16400 : i32
        %gather3A_921 = tpu.memref_slice %arg5[%gather3A_920] : memref<32768xi32, #tpu.memory_space<vmem>> -> memref<8176xi32, #tpu.memory_space<vmem>>
        %gather3A_922 = tpu.vector_load_idx %gather3A_921[%add3A_916] : memref<8176xi32, #tpu.memory_space<vmem>>[vector<16xi32>], vector<16xi32>,
        %bitcast3A_923 = vector.bitcast %gather3A_919 : vector<16xi32> to vector<32xbf16>
        %bitcast3A_924 = vector.bitcast %gather3A_922 : vector<16xi32> to vector<32xbf16>
        %add3A_925 = arith.addi %get3A_761, %shift_left3A_825 : vector<16xi32>
        %shift_left3A_926 = arith.constant 5 : i32
        %shift_left3A_927 = vector.broadcast %shift_left3A_926 : i32 to vector<16xi32>
        %shift_left3A_928 = arith.shli %get3A_753, %shift_left3A_927 : vector<16xi32>
        %add3A_929 = arith.addi %add3A_925, %shift_left3A_928 : vector<16xi32>
        %gather3A_930 = arith.constant 24576 : i32
        %gather3A_931 = tpu.memref_slice %arg5[%gather3A_930] : memref<32768xi32, #tpu.memory_space<vmem>> -> memref<8192xi32, #tpu.memory_space<vmem>>
        %gather3A_932 = tpu.vector_load_idx %gather3A_931[%add3A_929] : memref<8192xi32, #tpu.memory_space<vmem>>[vector<16xi32>], vector<16xi32>,
        %gather3A_933 = arith.constant 24592 : i32
        %gather3A_934 = tpu.memref_slice %arg5[%gather3A_933] : memref<32768xi32, #tpu.memory_space<vmem>> -> memref<8176xi32, #tpu.memory_space<vmem>>
        %gather3A_935 = tpu.vector_load_idx %gather3A_934[%add3A_929] : memref<8176xi32, #tpu.memory_space<vmem>>[vector<16xi32>], vector<16xi32>,
        %bitcast3A_936 = vector.bitcast %gather3A_932 : vector<16xi32> to vector<32xbf16>
        %bitcast3A_937 = vector.bitcast %gather3A_935 : vector<16xi32> to vector<32xbf16>
        %add3A_938 = arith.addf %bitcast3A_891, %bitcast3A_907 : vector<32xbf16>
        %add3A_939 = arith.addf %add3A_938, %bitcast3A_923 : vector<32xbf16>
        %add3A_940 = arith.addf %add3A_939, %bitcast3A_936 : vector<32xbf16>
        %add3A_941 = arith.addf %bitcast3A_892, %bitcast3A_908 : vector<32xbf16>
        %add3A_942 = arith.addf %add3A_941, %bitcast3A_924 : vector<32xbf16>
        %add3A_943 = arith.addf %add3A_942, %bitcast3A_937 : vector<32xbf16>
        %unpack3A_944 = tpu.unpack_subelements %add3A_940, 0 {pack_format = #tpu.pack_format<interleaved>} : vector<32xbf16> -> vector<16xf32>
        %unpack3A_945 = tpu.unpack_subelements %add3A_940, 1 {pack_format = #tpu.pack_format<interleaved>} : vector<32xbf16> -> vector<16xf32>
        %unpack3A_946 = tpu.unpack_subelements %add3A_943, 0 {pack_format = #tpu.pack_format<interleaved>} : vector<32xbf16> -> vector<16xf32>
        %unpack3A_947 = tpu.unpack_subelements %add3A_943, 1 {pack_format = #tpu.pack_format<interleaved>} : vector<32xbf16> -> vector<16xf32>
        tpu.vector_store_idx %arg7[%add3A_684, %add3A_805], %unpack3A_944 : memref<16x4096xf32, #tpu.memory_space<vmem>>[vector<16xi32>, vector<16xi32>], vector<16xf32>,
        tpu.vector_store_idx %arg7[%add3A_684, %add3A_808], %unpack3A_945 : memref<16x4096xf32, #tpu.memory_space<vmem>>[vector<16xi32>, vector<16xi32>], vector<16xf32>,
        tpu.vector_store_idx %arg7[%add3A_687, %add3A_805], %unpack3A_946 : memref<16x4096xf32, #tpu.memory_space<vmem>>[vector<16xi32>, vector<16xi32>], vector<16xf32>,
        tpu.vector_store_idx %arg7[%add3A_687, %add3A_808], %unpack3A_947 : memref<16x4096xf32, #tpu.memory_space<vmem>>[vector<16xi32>, vector<16xi32>], vector<16xf32>,
        %add3A_948 = arith.addi %get3A_773, %shift_left3A_911 : vector<16xi32>
        %shift_left3A_949 = arith.constant 5 : i32
        %shift_left3A_950 = vector.broadcast %shift_left3A_949 : i32 to vector<16xi32>
        %shift_left3A_951 = arith.shli %get3A_785, %shift_left3A_950 : vector<16xi32>
        %add3A_952 = arith.addi %add3A_948, %shift_left3A_951 : vector<16xi32>
        %gather3A_953 = arith.constant 0 : i32
        %gather3A_954 = tpu.memref_slice %arg5[%gather3A_953] : memref<32768xi32, #tpu.memory_space<vmem>> -> memref<8192xi32, #tpu.memory_space<vmem>>
        %gather3A_955 = tpu.vector_load_idx %gather3A_954[%add3A_952] : memref<8192xi32, #tpu.memory_space<vmem>>[vector<16xi32>], vector<16xi32>,
        %gather3A_956 = arith.constant 16 : i32
        %gather3A_957 = tpu.memref_slice %arg5[%gather3A_956] : memref<32768xi32, #tpu.memory_space<vmem>> -> memref<8176xi32, #tpu.memory_space<vmem>>
        %gather3A_958 = tpu.vector_load_idx %gather3A_957[%add3A_952] : memref<8176xi32, #tpu.memory_space<vmem>>[vector<16xi32>], vector<16xi32>,
        %bitcast3A_959 = vector.bitcast %gather3A_955 : vector<16xi32> to vector<32xbf16>
        %bitcast3A_960 = vector.bitcast %gather3A_958 : vector<16xi32> to vector<32xbf16>
        %shift_left3A_961 = arith.constant 9 : i32
        %shift_left3A_962 = vector.broadcast %shift_left3A_961 : i32 to vector<16xi32>
        %shift_left3A_963 = arith.shli %get3A_771, %shift_left3A_962 : vector<16xi32>
        %add3A_964 = arith.addi %get3A_773, %shift_left3A_963 : vector<16xi32>
        %add3A_965 = arith.addi %add3A_964, %shift_left3A_814 : vector<16xi32>
        %gather3A_966 = arith.constant 8192 : i32
        %gather3A_967 = tpu.memref_slice %arg5[%gather3A_966] : memref<32768xi32, #tpu.memory_space<vmem>> -> memref<8192xi32, #tpu.memory_space<vmem>>
        %gather3A_968 = tpu.vector_load_idx %gather3A_967[%add3A_965] : memref<8192xi32, #tpu.memory_space<vmem>>[vector<16xi32>], vector<16xi32>,
        %gather3A_969 = arith.constant 8208 : i32
        %gather3A_970 = tpu.memref_slice %arg5[%gather3A_969] : memref<32768xi32, #tpu.memory_space<vmem>> -> memref<8176xi32, #tpu.memory_space<vmem>>
        %gather3A_971 = tpu.vector_load_idx %gather3A_970[%add3A_965] : memref<8176xi32, #tpu.memory_space<vmem>>[vector<16xi32>], vector<16xi32>,
        %bitcast3A_972 = vector.bitcast %gather3A_968 : vector<16xi32> to vector<32xbf16>
        %bitcast3A_973 = vector.bitcast %gather3A_971 : vector<16xi32> to vector<32xbf16>
        %shift_left3A_974 = arith.constant 9 : i32
        %shift_left3A_975 = vector.broadcast %shift_left3A_974 : i32 to vector<16xi32>
        %shift_left3A_976 = arith.shli %get3A_789, %shift_left3A_975 : vector<16xi32>
        %add3A_977 = arith.addi %get3A_773, %shift_left3A_976 : vector<16xi32>
        %shift_left3A_978 = arith.constant 5 : i32
        %shift_left3A_979 = vector.broadcast %shift_left3A_978 : i32 to vector<16xi32>
        %shift_left3A_980 = arith.shli %get3A_783, %shift_left3A_979 : vector<16xi32>
        %add3A_981 = arith.addi %add3A_977, %shift_left3A_980 : vector<16xi32>
        %gather3A_982 = arith.constant 16384 : i32
        %gather3A_983 = tpu.memref_slice %arg5[%gather3A_982] : memref<32768xi32, #tpu.memory_space<vmem>> -> memref<8192xi32, #tpu.memory_space<vmem>>
        %gather3A_984 = tpu.vector_load_idx %gather3A_983[%add3A_981] : memref<8192xi32, #tpu.memory_space<vmem>>[vector<16xi32>], vector<16xi32>,
        %gather3A_985 = arith.constant 16400 : i32
        %gather3A_986 = tpu.memref_slice %arg5[%gather3A_985] : memref<32768xi32, #tpu.memory_space<vmem>> -> memref<8176xi32, #tpu.memory_space<vmem>>
        %gather3A_987 = tpu.vector_load_idx %gather3A_986[%add3A_981] : memref<8176xi32, #tpu.memory_space<vmem>>[vector<16xi32>], vector<16xi32>,
        %bitcast3A_988 = vector.bitcast %gather3A_984 : vector<16xi32> to vector<32xbf16>
        %bitcast3A_989 = vector.bitcast %gather3A_987 : vector<16xi32> to vector<32xbf16>
        %add3A_990 = arith.addi %get3A_773, %shift_left3A_895 : vector<16xi32>
        %shift_left3A_991 = arith.constant 5 : i32
        %shift_left3A_992 = vector.broadcast %shift_left3A_991 : i32 to vector<16xi32>
        %shift_left3A_993 = arith.shli %get3A_765, %shift_left3A_992 : vector<16xi32>
        %add3A_994 = arith.addi %add3A_990, %shift_left3A_993 : vector<16xi32>
        %gather3A_995 = arith.constant 24576 : i32
        %gather3A_996 = tpu.memref_slice %arg5[%gather3A_995] : memref<32768xi32, #tpu.memory_space<vmem>> -> memref<8192xi32, #tpu.memory_space<vmem>>
        %gather3A_997 = tpu.vector_load_idx %gather3A_996[%add3A_994] : memref<8192xi32, #tpu.memory_space<vmem>>[vector<16xi32>], vector<16xi32>,
        %gather3A_998 = arith.constant 24592 : i32
        %gather3A_999 = tpu.memref_slice %arg5[%gather3A_998] : memref<32768xi32, #tpu.memory_space<vmem>> -> memref<8176xi32, #tpu.memory_space<vmem>>
        %gather3A_1000 = tpu.vector_load_idx %gather3A_999[%add3A_994] : memref<8176xi32, #tpu.memory_space<vmem>>[vector<16xi32>], vector<16xi32>,
        %bitcast3A_1001 = vector.bitcast %gather3A_997 : vector<16xi32> to vector<32xbf16>
        %bitcast3A_1002 = vector.bitcast %gather3A_1000 : vector<16xi32> to vector<32xbf16>
        %add3A_1003 = arith.addf %bitcast3A_959, %bitcast3A_972 : vector<32xbf16>
        %add3A_1004 = arith.addf %add3A_1003, %bitcast3A_988 : vector<32xbf16>
        %add3A_1005 = arith.addf %add3A_1004, %bitcast3A_1001 : vector<32xbf16>
        %add3A_1006 = arith.addf %bitcast3A_960, %bitcast3A_973 : vector<32xbf16>
        %add3A_1007 = arith.addf %add3A_1006, %bitcast3A_989 : vector<32xbf16>
        %add3A_1008 = arith.addf %add3A_1007, %bitcast3A_1002 : vector<32xbf16>
        %unpack3A_1009 = tpu.unpack_subelements %add3A_1005, 0 {pack_format = #tpu.pack_format<interleaved>} : vector<32xbf16> -> vector<16xf32>
        %unpack3A_1010 = tpu.unpack_subelements %add3A_1005, 1 {pack_format = #tpu.pack_format<interleaved>} : vector<32xbf16> -> vector<16xf32>
        %unpack3A_1011 = tpu.unpack_subelements %add3A_1008, 0 {pack_format = #tpu.pack_format<interleaved>} : vector<32xbf16> -> vector<16xf32>
        %unpack3A_1012 = tpu.unpack_subelements %add3A_1008, 1 {pack_format = #tpu.pack_format<interleaved>} : vector<32xbf16> -> vector<16xf32>
        tpu.vector_store_idx %arg7[%add3A_690, %add3A_805], %unpack3A_1009 : memref<16x4096xf32, #tpu.memory_space<vmem>>[vector<16xi32>, vector<16xi32>], vector<16xf32>,
        tpu.vector_store_idx %arg7[%add3A_690, %add3A_808], %unpack3A_1010 : memref<16x4096xf32, #tpu.memory_space<vmem>>[vector<16xi32>, vector<16xi32>], vector<16xf32>,
        tpu.vector_store_idx %arg7[%add3A_693, %add3A_805], %unpack3A_1011 : memref<16x4096xf32, #tpu.memory_space<vmem>>[vector<16xi32>, vector<16xi32>], vector<16xf32>,
        tpu.vector_store_idx %arg7[%add3A_693, %add3A_808], %unpack3A_1012 : memref<16x4096xf32, #tpu.memory_space<vmem>>[vector<16xi32>, vector<16xi32>], vector<16xf32>,
        %add3A_1013 = arith.addi %get3A_785, %shift_left3A_976 : vector<16xi32>
        %shift_left3A_1014 = arith.constant 5 : i32
        %shift_left3A_1015 = vector.broadcast %shift_left3A_1014 : i32 to vector<16xi32>
        %shift_left3A_1016 = arith.shli %get3A_797, %shift_left3A_1015 : vector<16xi32>
        %add3A_1017 = arith.addi %add3A_1013, %shift_left3A_1016 : vector<16xi32>
        %gather3A_1018 = arith.constant 0 : i32
        %gather3A_1019 = tpu.memref_slice %arg5[%gather3A_1018] : memref<32768xi32, #tpu.memory_space<vmem>> -> memref<8192xi32, #tpu.memory_space<vmem>>
        %gather3A_1020 = tpu.vector_load_idx %gather3A_1019[%add3A_1017] : memref<8192xi32, #tpu.memory_space<vmem>>[vector<16xi32>], vector<16xi32>,
        %gather3A_1021 = arith.constant 16 : i32
        %gather3A_1022 = tpu.memref_slice %arg5[%gather3A_1021] : memref<32768xi32, #tpu.memory_space<vmem>> -> memref<8176xi32, #tpu.memory_space<vmem>>
        %gather3A_1023 = tpu.vector_load_idx %gather3A_1022[%add3A_1017] : memref<8176xi32, #tpu.memory_space<vmem>>[vector<16xi32>], vector<16xi32>,
        %bitcast3A_1024 = vector.bitcast %gather3A_1020 : vector<16xi32> to vector<32xbf16>
        %bitcast3A_1025 = vector.bitcast %gather3A_1023 : vector<16xi32> to vector<32xbf16>
        %shift_left3A_1026 = arith.constant 9 : i32
        %shift_left3A_1027 = vector.broadcast %shift_left3A_1026 : i32 to vector<16xi32>
        %shift_left3A_1028 = arith.shli %get3A_783, %shift_left3A_1027 : vector<16xi32>
        %add3A_1029 = arith.addi %get3A_785, %shift_left3A_1028 : vector<16xi32>
        %add3A_1030 = arith.addi %add3A_1029, %shift_left3A_883 : vector<16xi32>
        %gather3A_1031 = arith.constant 8192 : i32
        %gather3A_1032 = tpu.memref_slice %arg5[%gather3A_1031] : memref<32768xi32, #tpu.memory_space<vmem>> -> memref<8192xi32, #tpu.memory_space<vmem>>
        %gather3A_1033 = tpu.vector_load_idx %gather3A_1032[%add3A_1030] : memref<8192xi32, #tpu.memory_space<vmem>>[vector<16xi32>], vector<16xi32>,
        %gather3A_1034 = arith.constant 8208 : i32
        %gather3A_1035 = tpu.memref_slice %arg5[%gather3A_1034] : memref<32768xi32, #tpu.memory_space<vmem>> -> memref<8176xi32, #tpu.memory_space<vmem>>
        %gather3A_1036 = tpu.vector_load_idx %gather3A_1035[%add3A_1030] : memref<8176xi32, #tpu.memory_space<vmem>>[vector<16xi32>], vector<16xi32>,
        %bitcast3A_1037 = vector.bitcast %gather3A_1033 : vector<16xi32> to vector<32xbf16>
        %bitcast3A_1038 = vector.bitcast %gather3A_1036 : vector<16xi32> to vector<32xbf16>
        %shift_left3A_1039 = arith.constant 9 : i32
        %shift_left3A_1040 = vector.broadcast %shift_left3A_1039 : i32 to vector<16xi32>
        %shift_left3A_1041 = arith.shli %get3A_801, %shift_left3A_1040 : vector<16xi32>
        %add3A_1042 = arith.addi %get3A_785, %shift_left3A_1041 : vector<16xi32>
        %shift_left3A_1043 = arith.constant 5 : i32
        %shift_left3A_1044 = vector.broadcast %shift_left3A_1043 : i32 to vector<16xi32>
        %shift_left3A_1045 = arith.shli %get3A_795, %shift_left3A_1044 : vector<16xi32>
        %add3A_1046 = arith.addi %add3A_1042, %shift_left3A_1045 : vector<16xi32>
        %gather3A_1047 = arith.constant 16384 : i32
        %gather3A_1048 = tpu.memref_slice %arg5[%gather3A_1047] : memref<32768xi32, #tpu.memory_space<vmem>> -> memref<8192xi32, #tpu.memory_space<vmem>>
        %gather3A_1049 = tpu.vector_load_idx %gather3A_1048[%add3A_1046] : memref<8192xi32, #tpu.memory_space<vmem>>[vector<16xi32>], vector<16xi32>,
        %gather3A_1050 = arith.constant 16400 : i32
        %gather3A_1051 = tpu.memref_slice %arg5[%gather3A_1050] : memref<32768xi32, #tpu.memory_space<vmem>> -> memref<8176xi32, #tpu.memory_space<vmem>>
        %gather3A_1052 = tpu.vector_load_idx %gather3A_1051[%add3A_1046] : memref<8176xi32, #tpu.memory_space<vmem>>[vector<16xi32>], vector<16xi32>,
        %bitcast3A_1053 = vector.bitcast %gather3A_1049 : vector<16xi32> to vector<32xbf16>
        %bitcast3A_1054 = vector.bitcast %gather3A_1052 : vector<16xi32> to vector<32xbf16>
        %add3A_1055 = arith.addi %get3A_785, %shift_left3A_963 : vector<16xi32>
        %shift_left3A_1056 = arith.constant 5 : i32
        %shift_left3A_1057 = vector.broadcast %shift_left3A_1056 : i32 to vector<16xi32>
        %shift_left3A_1058 = arith.shli %get3A_777, %shift_left3A_1057 : vector<16xi32>
        %add3A_1059 = arith.addi %add3A_1055, %shift_left3A_1058 : vector<16xi32>
        %gather3A_1060 = arith.constant 24576 : i32
        %gather3A_1061 = tpu.memref_slice %arg5[%gather3A_1060] : memref<32768xi32, #tpu.memory_space<vmem>> -> memref<8192xi32, #tpu.memory_space<vmem>>
        %gather3A_1062 = tpu.vector_load_idx %gather3A_1061[%add3A_1059] : memref<8192xi32, #tpu.memory_space<vmem>>[vector<16xi32>], vector<16xi32>,
        %gather3A_1063 = arith.constant 24592 : i32
        %gather3A_1064 = tpu.memref_slice %arg5[%gather3A_1063] : memref<32768xi32, #tpu.memory_space<vmem>> -> memref<8176xi32, #tpu.memory_space<vmem>>
        %gather3A_1065 = tpu.vector_load_idx %gather3A_1064[%add3A_1059] : memref<8176xi32, #tpu.memory_space<vmem>>[vector<16xi32>], vector<16xi32>,
        %bitcast3A_1066 = vector.bitcast %gather3A_1062 : vector<16xi32> to vector<32xbf16>
        %bitcast3A_1067 = vector.bitcast %gather3A_1065 : vector<16xi32> to vector<32xbf16>
        %add3A_1068 = arith.addf %bitcast3A_1024, %bitcast3A_1037 : vector<32xbf16>
        %add3A_1069 = arith.addf %add3A_1068, %bitcast3A_1053 : vector<32xbf16>
        %add3A_1070 = arith.addf %add3A_1069, %bitcast3A_1066 : vector<32xbf16>
        %add3A_1071 = arith.addf %bitcast3A_1025, %bitcast3A_1038 : vector<32xbf16>
        %add3A_1072 = arith.addf %add3A_1071, %bitcast3A_1054 : vector<32xbf16>
        %add3A_1073 = arith.addf %add3A_1072, %bitcast3A_1067 : vector<32xbf16>
        %unpack3A_1074 = tpu.unpack_subelements %add3A_1070, 0 {pack_format = #tpu.pack_format<interleaved>} : vector<32xbf16> -> vector<16xf32>
        %unpack3A_1075 = tpu.unpack_subelements %add3A_1070, 1 {pack_format = #tpu.pack_format<interleaved>} : vector<32xbf16> -> vector<16xf32>
        %unpack3A_1076 = tpu.unpack_subelements %add3A_1073, 0 {pack_format = #tpu.pack_format<interleaved>} : vector<32xbf16> -> vector<16xf32>
        %unpack3A_1077 = tpu.unpack_subelements %add3A_1073, 1 {pack_format = #tpu.pack_format<interleaved>} : vector<32xbf16> -> vector<16xf32>
        tpu.vector_store_idx %arg7[%add3A_696, %add3A_805], %unpack3A_1074 : memref<16x4096xf32, #tpu.memory_space<vmem>>[vector<16xi32>, vector<16xi32>], vector<16xf32>,
        tpu.vector_store_idx %arg7[%add3A_696, %add3A_808], %unpack3A_1075 : memref<16x4096xf32, #tpu.memory_space<vmem>>[vector<16xi32>, vector<16xi32>], vector<16xf32>,
        tpu.vector_store_idx %arg7[%add3A_699, %add3A_805], %unpack3A_1076 : memref<16x4096xf32, #tpu.memory_space<vmem>>[vector<16xi32>, vector<16xi32>], vector<16xf32>,
        tpu.vector_store_idx %arg7[%add3A_699, %add3A_808], %unpack3A_1077 : memref<16x4096xf32, #tpu.memory_space<vmem>>[vector<16xi32>, vector<16xi32>], vector<16xf32>,
      }
      %scan3A_705 = arith.constant 128 : i32
      %add3A_706 = arith.constant 1 : i32
      %add3A_707 = arith.addi %mul3A_324, %add3A_706 : i32
      %mul3A_708 = arith.constant 4 : i32
      %mul3A_709 = arith.muli %add3A_707, %mul3A_708 : i32
      %add3A_710 = arith.addi %mul3A_2, %mul3A_709 : i32
      %mul3A_711 = arith.constant 2 : i32
      %mul3A_712 = arith.muli %add3A_710, %mul3A_711 : i32
      %dma_start3A_713 = arith.constant 8 : i32
      %dma_start3A_714 = arith.constant 0 : i32
      %dma_start3A_715 = tpu.memref_slice %arg7[%dma_start3A_713, %dma_start3A_714] : memref<16x4096xf32, #tpu.memory_space<vmem>> -> memref<8x4096xf32, #tpu.memory_space<vmem>>
      %dma_start3A_716 = arith.constant 0 : i32
      %dma_start3A_717 = tpu.memref_slice %arg4[%mul3A_712, %dma_start3A_716] : memref<4096x4096xf32, #tpu.memory_space<hbm>> -> memref<8x4096xf32, #tpu.memory_space<hbm>>
      %dma_start3A_718 = arith.constant 0 : i32
      %dma_start3A_719 = tpu.memref_slice %arg4[%mul3A_712, %dma_start3A_718] : memref<4096x4096xf32, #tpu.memory_space<hbm>> -> memref<8x4096xf32, #tpu.memory_space<hbm>>
      %dma_start3A_720 = arith.constant 8 : i32
      %dma_start3A_721 = arith.constant 0 : i32
      %dma_start3A_722 = tpu.memref_slice %arg7[%dma_start3A_720, %dma_start3A_721] : memref<16x4096xf32, #tpu.memory_space<vmem>> -> memref<8x4096xf32, #tpu.memory_space<vmem>>
      tpu.enqueue_dma source(%dma_start3A_722 : memref<8x4096xf32, #tpu.memory_space<vmem>>) target(%dma_start3A_719 : memref<8x4096xf32, #tpu.memory_space<hbm>>) target_semaphore(%arg11 : memref<!tpu.dma_semaphore, #tpu.memory_space<semaphore_mem>>)
      %lt3A_723 = arith.constant 7 : i32
      %lt3A_724 = arith.cmpi slt, %scan3A_322, %lt3A_723 : i32
      %convert_element_type3A_725 = arith.extui %lt3A_724 : i1 to i32
      %cond3A_726 = arith.constant 0 : i32
      %cond3A_727 = arith.cmpi ne, %convert_element_type3A_725, %cond3A_726 : i32
      scf.if %cond3A_727 {
        %add3A_728 = arith.constant 3 : i32
        %add3A_729 = arith.addi %mul3A_324, %add3A_728 : i32
        %mul3A_730 = arith.constant 4 : i32
        %mul3A_731 = arith.muli %add3A_729, %mul3A_730 : i32
        %add3A_732 = arith.addi %mul3A_2, %mul3A_731 : i32
        %add3A_733 = arith.constant 0 : i32
        %add3A_734 = arith.addi %add3A_732, %add3A_733 : i32
        %sub3A_735 = arith.constant 1 : i32
        %sub3A_736 = arith.subi %add3A_734, %sub3A_735 : i32
        %lt3A_737 = arith.constant 0 : i32
        %lt3A_738 = arith.cmpi slt, %sub3A_736, %lt3A_737 : i32
        %gt3A_739 = arith.constant 2047 : i32
        %gt3A_740 = arith.cmpi sgt, %sub3A_736, %gt3A_739 : i32
        %jit3A_741 = arith.constant 2046 : i32
        %select_n3A_742 = arith.select %gt3A_740, %jit3A_741, %sub3A_736 : i32
        %jit3A_743 = arith.constant 1 : i32
        %select_n3A_744 = arith.select %lt3A_738, %jit3A_743, %select_n3A_742 : i32
        %dma_start3A_745 = arith.constant 13952 : i32
        %dma_start3A_746 = tpu.memref_slice %arg6[%dma_start3A_745] : memref<27648xi32, #tpu.memory_space<vmem>> -> memref<2048xi32, #tpu.memory_space<vmem>>
        %dma_start3A_747 = arith.constant 0 : i32
        %dma_start3A_748 = tpu.memref_slice %arg2[%select_n3A_744, %dma_start3A_747] : memref<2048x2048xi32, #tpu.memory_space<hbm>> -> memref<1x2048xi32, #tpu.memory_space<hbm>>
        %dma_start3A_749 = tpu.memref_squeeze %dma_start3A_748 : memref<1x2048xi32, #tpu.memory_space<hbm>> -> memref<2048xi32, #tpu.memory_space<hbm>>
        %dma_start3A_750 = arith.constant 13952 : i32
        %dma_start3A_751 = tpu.memref_slice %arg6[%dma_start3A_750] : memref<27648xi32, #tpu.memory_space<vmem>> -> memref<2048xi32, #tpu.memory_space<vmem>>
        %dma_start3A_752 = arith.constant 0 : i32
        %dma_start3A_753 = tpu.memref_slice %arg2[%select_n3A_744, %dma_start3A_752] : memref<2048x2048xi32, #tpu.memory_space<hbm>> -> memref<1x2048xi32, #tpu.memory_space<hbm>>
        %dma_start3A_754 = tpu.memref_squeeze %dma_start3A_753 : memref<1x2048xi32, #tpu.memory_space<hbm>> -> memref<2048xi32, #tpu.memory_space<hbm>>
        tpu.enqueue_dma source(%dma_start3A_754 : memref<2048xi32, #tpu.memory_space<hbm>>) target(%dma_start3A_751 : memref<2048xi32, #tpu.memory_space<vmem>>) target_semaphore(%arg9 : memref<!tpu.dma_semaphore, #tpu.memory_space<semaphore_mem>>)
        %add3A_755 = arith.constant 1 : i32
        %add3A_756 = arith.addi %add3A_732, %add3A_755 : i32
        %sub3A_757 = arith.constant 1 : i32
        %sub3A_758 = arith.subi %add3A_756, %sub3A_757 : i32
        %lt3A_759 = arith.constant 0 : i32
        %lt3A_760 = arith.cmpi slt, %sub3A_758, %lt3A_759 : i32
        %gt3A_761 = arith.constant 2047 : i32
        %gt3A_762 = arith.cmpi sgt, %sub3A_758, %gt3A_761 : i32
        %jit3A_763 = arith.constant 2046 : i32
        %select_n3A_764 = arith.select %gt3A_762, %jit3A_763, %sub3A_758 : i32
        %jit3A_765 = arith.constant 1 : i32
        %select_n3A_766 = arith.select %lt3A_760, %jit3A_765, %select_n3A_764 : i32
        %dma_start3A_767 = arith.constant 16256 : i32
        %dma_start3A_768 = tpu.memref_slice %arg6[%dma_start3A_767] : memref<27648xi32, #tpu.memory_space<vmem>> -> memref<2048xi32, #tpu.memory_space<vmem>>
        %dma_start3A_769 = arith.constant 0 : i32
        %dma_start3A_770 = tpu.memref_slice %arg2[%select_n3A_766, %dma_start3A_769] : memref<2048x2048xi32, #tpu.memory_space<hbm>> -> memref<1x2048xi32, #tpu.memory_space<hbm>>
        %dma_start3A_771 = tpu.memref_squeeze %dma_start3A_770 : memref<1x2048xi32, #tpu.memory_space<hbm>> -> memref<2048xi32, #tpu.memory_space<hbm>>
        %dma_start3A_772 = arith.constant 16256 : i32
        %dma_start3A_773 = tpu.memref_slice %arg6[%dma_start3A_772] : memref<27648xi32, #tpu.memory_space<vmem>> -> memref<2048xi32, #tpu.memory_space<vmem>>
        %dma_start3A_774 = arith.constant 0 : i32
        %dma_start3A_775 = tpu.memref_slice %arg2[%select_n3A_766, %dma_start3A_774] : memref<2048x2048xi32, #tpu.memory_space<hbm>> -> memref<1x2048xi32, #tpu.memory_space<hbm>>
        %dma_start3A_776 = tpu.memref_squeeze %dma_start3A_775 : memref<1x2048xi32, #tpu.memory_space<hbm>> -> memref<2048xi32, #tpu.memory_space<hbm>>
        tpu.enqueue_dma source(%dma_start3A_776 : memref<2048xi32, #tpu.memory_space<hbm>>) target(%dma_start3A_773 : memref<2048xi32, #tpu.memory_space<vmem>>) target_semaphore(%arg9 : memref<!tpu.dma_semaphore, #tpu.memory_space<semaphore_mem>>)
        %add3A_777 = arith.constant 2 : i32
        %add3A_778 = arith.addi %add3A_732, %add3A_777 : i32
        %sub3A_779 = arith.constant 1 : i32
        %sub3A_780 = arith.subi %add3A_778, %sub3A_779 : i32
        %lt3A_781 = arith.constant 0 : i32
        %lt3A_782 = arith.cmpi slt, %sub3A_780, %lt3A_781 : i32
        %gt3A_783 = arith.constant 2047 : i32
        %gt3A_784 = arith.cmpi sgt, %sub3A_780, %gt3A_783 : i32
        %jit3A_785 = arith.constant 2046 : i32
        %select_n3A_786 = arith.select %gt3A_784, %jit3A_785, %sub3A_780 : i32
        %jit3A_787 = arith.constant 1 : i32
        %select_n3A_788 = arith.select %lt3A_782, %jit3A_787, %select_n3A_786 : i32
        %dma_start3A_789 = arith.constant 18560 : i32
        %dma_start3A_790 = tpu.memref_slice %arg6[%dma_start3A_789] : memref<27648xi32, #tpu.memory_space<vmem>> -> memref<2048xi32, #tpu.memory_space<vmem>>
        %dma_start3A_791 = arith.constant 0 : i32
        %dma_start3A_792 = tpu.memref_slice %arg2[%select_n3A_788, %dma_start3A_791] : memref<2048x2048xi32, #tpu.memory_space<hbm>> -> memref<1x2048xi32, #tpu.memory_space<hbm>>
        %dma_start3A_793 = tpu.memref_squeeze %dma_start3A_792 : memref<1x2048xi32, #tpu.memory_space<hbm>> -> memref<2048xi32, #tpu.memory_space<hbm>>
        %dma_start3A_794 = arith.constant 18560 : i32
        %dma_start3A_795 = tpu.memref_slice %arg6[%dma_start3A_794] : memref<27648xi32, #tpu.memory_space<vmem>> -> memref<2048xi32, #tpu.memory_space<vmem>>
        %dma_start3A_796 = arith.constant 0 : i32
        %dma_start3A_797 = tpu.memref_slice %arg2[%select_n3A_788, %dma_start3A_796] : memref<2048x2048xi32, #tpu.memory_space<hbm>> -> memref<1x2048xi32, #tpu.memory_space<hbm>>
        %dma_start3A_798 = tpu.memref_squeeze %dma_start3A_797 : memref<1x2048xi32, #tpu.memory_space<hbm>> -> memref<2048xi32, #tpu.memory_space<hbm>>
        tpu.enqueue_dma source(%dma_start3A_798 : memref<2048xi32, #tpu.memory_space<hbm>>) target(%dma_start3A_795 : memref<2048xi32, #tpu.memory_space<vmem>>) target_semaphore(%arg9 : memref<!tpu.dma_semaphore, #tpu.memory_space<semaphore_mem>>)
        %add3A_799 = arith.constant 3 : i32
        %add3A_800 = arith.addi %add3A_732, %add3A_799 : i32
        %sub3A_801 = arith.constant 1 : i32
        %sub3A_802 = arith.subi %add3A_800, %sub3A_801 : i32
        %lt3A_803 = arith.constant 0 : i32
        %lt3A_804 = arith.cmpi slt, %sub3A_802, %lt3A_803 : i32
        %gt3A_805 = arith.constant 2047 : i32
        %gt3A_806 = arith.cmpi sgt, %sub3A_802, %gt3A_805 : i32
        %jit3A_807 = arith.constant 2046 : i32
        %select_n3A_808 = arith.select %gt3A_806, %jit3A_807, %sub3A_802 : i32
        %jit3A_809 = arith.constant 1 : i32
        %select_n3A_810 = arith.select %lt3A_804, %jit3A_809, %select_n3A_808 : i32
        %dma_start3A_811 = arith.constant 20864 : i32
        %dma_start3A_812 = tpu.memref_slice %arg6[%dma_start3A_811] : memref<27648xi32, #tpu.memory_space<vmem>> -> memref<2048xi32, #tpu.memory_space<vmem>>
        %dma_start3A_813 = arith.constant 0 : i32
        %dma_start3A_814 = tpu.memref_slice %arg2[%select_n3A_810, %dma_start3A_813] : memref<2048x2048xi32, #tpu.memory_space<hbm>> -> memref<1x2048xi32, #tpu.memory_space<hbm>>
        %dma_start3A_815 = tpu.memref_squeeze %dma_start3A_814 : memref<1x2048xi32, #tpu.memory_space<hbm>> -> memref<2048xi32, #tpu.memory_space<hbm>>
        %dma_start3A_816 = arith.constant 20864 : i32
        %dma_start3A_817 = tpu.memref_slice %arg6[%dma_start3A_816] : memref<27648xi32, #tpu.memory_space<vmem>> -> memref<2048xi32, #tpu.memory_space<vmem>>
        %dma_start3A_818 = arith.constant 0 : i32
        %dma_start3A_819 = tpu.memref_slice %arg2[%select_n3A_810, %dma_start3A_818] : memref<2048x2048xi32, #tpu.memory_space<hbm>> -> memref<1x2048xi32, #tpu.memory_space<hbm>>
        %dma_start3A_820 = tpu.memref_squeeze %dma_start3A_819 : memref<1x2048xi32, #tpu.memory_space<hbm>> -> memref<2048xi32, #tpu.memory_space<hbm>>
        tpu.enqueue_dma source(%dma_start3A_820 : memref<2048xi32, #tpu.memory_space<hbm>>) target(%dma_start3A_817 : memref<2048xi32, #tpu.memory_space<vmem>>) target_semaphore(%arg9 : memref<!tpu.dma_semaphore, #tpu.memory_space<semaphore_mem>>)
        %add3A_821 = arith.constant 4 : i32
        %add3A_822 = arith.addi %add3A_732, %add3A_821 : i32
        %sub3A_823 = arith.constant 1 : i32
        %sub3A_824 = arith.subi %add3A_822, %sub3A_823 : i32
        %lt3A_825 = arith.constant 0 : i32
        %lt3A_826 = arith.cmpi slt, %sub3A_824, %lt3A_825 : i32
        %gt3A_827 = arith.constant 2047 : i32
        %gt3A_828 = arith.cmpi sgt, %sub3A_824, %gt3A_827 : i32
        %jit3A_829 = arith.constant 2046 : i32
        %select_n3A_830 = arith.select %gt3A_828, %jit3A_829, %sub3A_824 : i32
        %jit3A_831 = arith.constant 1 : i32
        %select_n3A_832 = arith.select %lt3A_826, %jit3A_831, %select_n3A_830 : i32
        %dma_start3A_833 = arith.constant 23168 : i32
        %dma_start3A_834 = tpu.memref_slice %arg6[%dma_start3A_833] : memref<27648xi32, #tpu.memory_space<vmem>> -> memref<2048xi32, #tpu.memory_space<vmem>>
        %dma_start3A_835 = arith.constant 0 : i32
        %dma_start3A_836 = tpu.memref_slice %arg2[%select_n3A_832, %dma_start3A_835] : memref<2048x2048xi32, #tpu.memory_space<hbm>> -> memref<1x2048xi32, #tpu.memory_space<hbm>>
        %dma_start3A_837 = tpu.memref_squeeze %dma_start3A_836 : memref<1x2048xi32, #tpu.memory_space<hbm>> -> memref<2048xi32, #tpu.memory_space<hbm>>
        %dma_start3A_838 = arith.constant 23168 : i32
        %dma_start3A_839 = tpu.memref_slice %arg6[%dma_start3A_838] : memref<27648xi32, #tpu.memory_space<vmem>> -> memref<2048xi32, #tpu.memory_space<vmem>>
        %dma_start3A_840 = arith.constant 0 : i32
        %dma_start3A_841 = tpu.memref_slice %arg2[%select_n3A_832, %dma_start3A_840] : memref<2048x2048xi32, #tpu.memory_space<hbm>> -> memref<1x2048xi32, #tpu.memory_space<hbm>>
        %dma_start3A_842 = tpu.memref_squeeze %dma_start3A_841 : memref<1x2048xi32, #tpu.memory_space<hbm>> -> memref<2048xi32, #tpu.memory_space<hbm>>
        tpu.enqueue_dma source(%dma_start3A_842 : memref<2048xi32, #tpu.memory_space<hbm>>) target(%dma_start3A_839 : memref<2048xi32, #tpu.memory_space<vmem>>) target_semaphore(%arg9 : memref<!tpu.dma_semaphore, #tpu.memory_space<semaphore_mem>>)
        %add3A_843 = arith.constant 5 : i32
        %add3A_844 = arith.addi %add3A_732, %add3A_843 : i32
        %sub3A_845 = arith.constant 1 : i32
        %sub3A_846 = arith.subi %add3A_844, %sub3A_845 : i32
        %lt3A_847 = arith.constant 0 : i32
        %lt3A_848 = arith.cmpi slt, %sub3A_846, %lt3A_847 : i32
        %gt3A_849 = arith.constant 2047 : i32
        %gt3A_850 = arith.cmpi sgt, %sub3A_846, %gt3A_849 : i32
        %jit3A_851 = arith.constant 2046 : i32
        %select_n3A_852 = arith.select %gt3A_850, %jit3A_851, %sub3A_846 : i32
        %jit3A_853 = arith.constant 1 : i32
        %select_n3A_854 = arith.select %lt3A_848, %jit3A_853, %select_n3A_852 : i32
        %dma_start3A_855 = arith.constant 25472 : i32
        %dma_start3A_856 = tpu.memref_slice %arg6[%dma_start3A_855] : memref<27648xi32, #tpu.memory_space<vmem>> -> memref<2048xi32, #tpu.memory_space<vmem>>
        %dma_start3A_857 = arith.constant 0 : i32
        %dma_start3A_858 = tpu.memref_slice %arg2[%select_n3A_854, %dma_start3A_857] : memref<2048x2048xi32, #tpu.memory_space<hbm>> -> memref<1x2048xi32, #tpu.memory_space<hbm>>
        %dma_start3A_859 = tpu.memref_squeeze %dma_start3A_858 : memref<1x2048xi32, #tpu.memory_space<hbm>> -> memref<2048xi32, #tpu.memory_space<hbm>>
        %dma_start3A_860 = arith.constant 25472 : i32
        %dma_start3A_861 = tpu.memref_slice %arg6[%dma_start3A_860] : memref<27648xi32, #tpu.memory_space<vmem>> -> memref<2048xi32, #tpu.memory_space<vmem>>
        %dma_start3A_862 = arith.constant 0 : i32
        %dma_start3A_863 = tpu.memref_slice %arg2[%select_n3A_854, %dma_start3A_862] : memref<2048x2048xi32, #tpu.memory_space<hbm>> -> memref<1x2048xi32, #tpu.memory_space<hbm>>
        %dma_start3A_864 = tpu.memref_squeeze %dma_start3A_863 : memref<1x2048xi32, #tpu.memory_space<hbm>> -> memref<2048xi32, #tpu.memory_space<hbm>>
        tpu.enqueue_dma source(%dma_start3A_864 : memref<2048xi32, #tpu.memory_space<hbm>>) target(%dma_start3A_861 : memref<2048xi32, #tpu.memory_space<vmem>>) target_semaphore(%arg9 : memref<!tpu.dma_semaphore, #tpu.memory_space<semaphore_mem>>)
      } else {
      }
    }
    %scan3A_294 = arith.constant 8 : i32
    %add3A_295 = arith.constant 56 : i32
    %add3A_296 = arith.addi %mul3A_2, %add3A_295 : i32
    %mul3A_297 = arith.constant 2 : i32
    %mul3A_298 = arith.muli %add3A_296, %mul3A_297 : i32
    %dma_wait3A = arith.constant 0 : i32
    %dma_wait3A_299 = arith.constant 0 : i32
    %dma_wait3A_300 = tpu.memref_slice %arg7[%dma_wait3A, %dma_wait3A_299] : memref<16x4096xf32, #tpu.memory_space<vmem>> -> memref<8x4096xf32, #tpu.memory_space<vmem>>
    %dma_wait3A_301 = arith.constant 0 : i32
    %dma_wait3A_302 = tpu.memref_slice %arg4[%mul3A_298, %dma_wait3A_301] : memref<4096x4096xf32, #tpu.memory_space<hbm>> -> memref<8x4096xf32, #tpu.memory_space<hbm>>
    %dma_wait3A_303 = arith.constant 0 : i32
    %dma_wait3A_304 = tpu.memref_slice %arg4[%mul3A_298, %dma_wait3A_303] : memref<4096x4096xf32, #tpu.memory_space<hbm>> -> memref<8x4096xf32, #tpu.memory_space<hbm>>
    %dma_wait3A_305 = arith.constant 0 : i32
    %dma_wait3A_306 = arith.constant 0 : i32
    %dma_wait3A_307 = tpu.memref_slice %arg7[%dma_wait3A_305, %dma_wait3A_306] : memref<16x4096xf32, #tpu.memory_space<vmem>> -> memref<8x4096xf32, #tpu.memory_space<vmem>>
    tpu.wait_dma2 semaphore(%arg10 : memref<!tpu.dma_semaphore, #tpu.memory_space<semaphore_mem>>) src(%dma_wait3A_307 : memref<8x4096xf32, #tpu.memory_space<vmem>>) dst(%dma_wait3A_304 : memref<8x4096xf32, #tpu.memory_space<hbm>>)
    %add3A_308 = arith.constant 60 : i32
    %add3A_309 = arith.addi %mul3A_2, %add3A_308 : i32
    %mul3A_310 = arith.constant 2 : i32
    %mul3A_311 = arith.muli %add3A_309, %mul3A_310 : i32
    %dma_wait3A_312 = arith.constant 8 : i32
    %dma_wait3A_313 = arith.constant 0 : i32
    %dma_wait3A_314 = tpu.memref_slice %arg7[%dma_wait3A_312, %dma_wait3A_313] : memref<16x4096xf32, #tpu.memory_space<vmem>> -> memref<8x4096xf32, #tpu.memory_space<vmem>>
    %dma_wait3A_315 = arith.constant 0 : i32
    %dma_wait3A_316 = tpu.memref_slice %arg4[%mul3A_311, %dma_wait3A_315] : memref<4096x4096xf32, #tpu.memory_space<hbm>> -> memref<8x4096xf32, #tpu.memory_space<hbm>>
    %dma_wait3A_317 = arith.constant 0 : i32
    %dma_wait3A_318 = tpu.memref_slice %arg4[%mul3A_311, %dma_wait3A_317] : memref<4096x4096xf32, #tpu.memory_space<hbm>> -> memref<8x4096xf32, #tpu.memory_space<hbm>>
    %dma_wait3A_319 = arith.constant 8 : i32
    %dma_wait3A_320 = arith.constant 0 : i32
    %dma_wait3A_321 = tpu.memref_slice %arg7[%dma_wait3A_319, %dma_wait3A_320] : memref<16x4096xf32, #tpu.memory_space<vmem>> -> memref<8x4096xf32, #tpu.memory_space<vmem>>
    tpu.wait_dma2 semaphore(%arg11 : memref<!tpu.dma_semaphore, #tpu.memory_space<semaphore_mem>>) src(%dma_wait3A_321 : memref<8x4096xf32, #tpu.memory_space<vmem>>) dst(%dma_wait3A_318 : memref<8x4096xf32, #tpu.memory_space<hbm>>)
    return
  }
}

</mosaic_0001>

<sc_bundles>
// kernel: kernel.3.cloned.1.call-start
scs
__scs_entry_jumppad:
0x0: {  	(pc) =	sbr.rel $0x88, $3  }
0x1: {  	(tag) =	ssettag $0x0;
	lr =	simm.s32 $0x1  }
0x2: {  	[smem:$0x3F9F] =	sst lr;
	_ =	strace $0xD0000000  }
0x3: {  	_ = 	snop  }
0x4: {  	_ = 	snop  }
0x5: {  	_ = 	snop  }
0x6: {  	_ = 	snop  }
0x7: {  	_ = 	snop  }
__scs_overlays_trampoline_lowered:
0x8: {  	[smem:$0x3FAE] =	sst s0  }
0x9: {  	[smem:$0x3FAF] =	sst s1  }
0xa: {  	[smem:$0x3FB0] =	sst s2  }
0xb: {  	[smem:$0x3FB1] =	sst s3  }
0xc: {  	[smem:$0x3FB2] =	sst s4  }
0xd: {  	[smem:$0x3FB3] =	sst s5  }
0xe: {  	[smem:$0x3FB4] =	sst s6  }
0xf: {  	[smem:$0x3FB5] =	sst s7  }
0x10: {  	[smem:$0x3FB6] =	sst s8  }
0x11: {  	[smem:$0x3FB7] =	sst s9;
	s0 =	simm.s32 @!p0 $0x0  }
0x12: {  	s1 =	sld [smem:$0x3F9D];
	s0 =	simm.s32 @p0 $0x1  }
0x13: {  	[smem:$0x3FB8] =	sst s0;
	s0 =	simm.s32 @!p1 $0x0  }
0x14: {  	s2 =	sld [smem:$0x3F9C];
	s0 =	simm.s32 @p1 $0x1  }
0x15: {  	[smem:$0x3FB9] =	sst s0;
	s0 =	simm.s32 @!p2 $0x0  }
0x16: {  	s3 =	sld [smem:$0x3FDB];
	s0 =	simm.s32 @p2 $0x1  }
0x17: {  	s4 =	simm.s32 $0x1BF5;
	[smem:$0x3FBB] =	sst s0  }
0x18: {  	s0 =	sld [smem:$0x3F9E];
	_ =	swait.ge [sflag:s4], $0x0  }
0x19: {  	s7 =	sld [smem:$0x3F9F]  }
0x1a: {  	s8 =	sadd.s32 $0xFFFFE003, lr  }
0x1b: {  	s9 =	sadd.s32 $0xFFFFFEF7, lr;
	s5 =	simm.s32 $0xFFFFFFFF;
	p2 =	slt.u32 s8, $0xFFFFF086  }
0x1c: {  	p1 =	slt.u32 s9, $0xF7A;
	s5 =	simm.s32 @!p2 $0x0  }
0x1d: {  	s5 =	simm.s32 @p1 $0x1;
	p0 =	seq.s32 s7, s2  }
0x1e: {  	s7 =	smul.u32 @!p0 $0xF7A, s2;
	p2 =	seq.s32 @!p0 s5, $0x0  }
0x1f: {  	s9 =	smul.u32 $0xF7A, s1;
	s8 =	simm.s32 @!p0 $0x1BF5;
	p2 =	por !p2, p0  }
0x20: {  	[sflag:s8] =	ssyncset.s32 @!p0 $0xFFFFF086;
	s6 =	sadd.s32 @!p0 s3, s7;
	s7 =	simm.s32 @!p0 $0x108  }
0x21: {  	s3 =	sadd.s32 s3, s9;
	s6 =	sadd.s32 @!p0 $0x88, s6;
	s7 =	simm.s32 @p2 $0x1082  }
0x22: {  	[simem:s7], [sflag:s8] =	dma.local @!p0 [hbm:s6], $0xF7A  }
0x23: {  	s9 =	sor.u32 $0xD0000000, s2;
	s6 =	simm.s32 $0x108;
	_ =	swait.ge @!p0 [sflag:s8], $0x0  }
0x24: {  	s3 =	sadd.s32 $0x88, s3;
	s6 =	simm.s32 @!p1 $0x1082;
	[sflag:s4] =	ssyncset.s32 $0xFFFFF086  }
0x25: {  	[simem:s6], [sflag:s4] =	dma.local [hbm:s3], $0xF7A  }
0x26: {  	[smem:$0x3F9F] =	sst s1;
	(tag) =	ssettag s2;
	_ =	strace s9  }
0x27: {  	s1 =	sld [smem:$0x3FAF]  }
0x28: {  	s2 =	sld [smem:$0x3FB0]  }
0x29: {  	s4 =	sld [smem:$0x3FB2]  }
0x2a: {  	p0 =	seq.s32 s5, $0x0;
	s5 =	sld [smem:$0x3FB3]  }
0x2b: {  	s6 =	sld [smem:$0x3FB4]  }
0x2c: {  	s7 =	sld [smem:$0x3FB5]  }
0x2d: {  	s3 =	simm.s32 $0x108;
	s8 =	sld [smem:$0x3FB6]  }
0x2e: {  	s3 =	simm.s32 @!p0 $0x1082;
	s9 =	sld [smem:$0x3FB7]  }
0x2f: {  	lr =	sadd.s32 s0, s3;
	s0 =	sld [smem:$0x3FAE]  }
0x30: {  	s3 =	sld [smem:$0x3FB1]  }
0x31: {  	[smem:$0x3FBA] =	sst s10  }
0x32: {  	s10 =	sld [smem:$0x3FB8];
	_ =	sdelay $0x3  }
0x33: {  	p0 =	seq.s32 s10, $0x1;
	s10 =	sld [smem:$0x3FBA];
	_ =	sdelay $0x3  }
0x34: {  	[smem:$0x3FBA] =	sst s10  }
0x35: {  	s10 =	sld [smem:$0x3FB9];
	_ =	sdelay $0x3  }
0x36: {  	p1 =	seq.s32 s10, $0x1;
	s10 =	sld [smem:$0x3FBA];
	_ =	sdelay $0x3  }
0x37: {  	[smem:$0x3FBA] =	sst s10  }
0x38: {  	s10 =	sld [smem:$0x3FBB]  }
0x39: {  	_ = 	snop;
	(pc) =	sbr.ind lr, $3  }
0x3a: {  	_ = 	snop  }
0x3b: {  	_ = 	snop  }
0x3c: {  	p2 =	seq.s32 s10, $0x1;
	s10 =	sld [smem:$0x3FBA]  }
0x3d: {  	_ =	shalt  }
0x3e: {  	_ =	shalt  }
0x3f: {  	_ =	shalt  }
0x40: {  	_ =	shalt  }
0x41: {  	_ =	shalt  }
0x42: {  	_ =	shalt  }
0x43: {  	_ =	shalt  }
0x44: {  	_ =	shalt  }
0x45: {  	_ =	shalt  }
0x46: {  	_ =	shalt  }
0x47: {  	_ =	shalt  }
0x48: {  	_ =	shalt  }
0x49: {  	_ =	shalt  }
0x4a: {  	_ =	shalt  }
0x4b: {  	_ =	shalt  }
0x4c: {  	_ =	shalt  }
0x4d: {  	_ =	shalt  }
0x4e: {  	_ =	shalt  }
0x4f: {  	_ =	shalt  }
0x50: {  	_ =	shalt  }
0x51: {  	_ =	shalt  }
0x52: {  	_ =	shalt  }
0x53: {  	_ =	shalt  }
0x54: {  	_ =	shalt  }
0x55: {  	_ =	shalt  }
0x56: {  	_ =	shalt  }
0x57: {  	_ =	shalt  }
0x58: {  	_ =	shalt  }
0x59: {  	_ =	shalt  }
0x5a: {  	_ =	shalt  }
0x5b: {  	_ =	shalt  }
0x5c: {  	_ =	shalt  }
0x5d: {  	_ =	shalt  }
0x5e: {  	_ =	shalt  }
0x5f: {  	_ =	shalt  }
0x60: {  	_ =	shalt  }
0x61: {  	_ =	shalt  }
0x62: {  	_ =	shalt  }
0x63: {  	_ =	shalt  }
0x64: {  	_ =	shalt  }
0x65: {  	_ =	shalt  }
0x66: {  	_ =	shalt  }
0x67: {  	_ =	shalt  }
0x68: {  	_ =	shalt  }
0x69: {  	_ =	shalt  }
0x6a: {  	_ =	shalt  }
0x6b: {  	_ =	shalt  }
0x6c: {  	_ =	shalt  }
0x6d: {  	_ =	shalt  }
0x6e: {  	_ =	shalt  }
0x6f: {  	_ =	shalt  }
0x70: {  	_ =	shalt  }
0x71: {  	_ =	shalt  }
0x72: {  	_ =	shalt  }
0x73: {  	_ =	shalt  }
0x74: {  	_ =	shalt  }
0x75: {  	_ =	shalt  }
0x76: {  	_ =	shalt  }
0x77: {  	_ =	shalt  }
0x78: {  	_ =	shalt  }
0x79: {  	_ =	shalt  }
0x7a: {  	_ =	shalt  }
0x7b: {  	_ =	shalt  }
0x7c: {  	_ =	shalt  }
0x7d: {  	_ =	shalt  }
0x7e: {  	_ =	shalt  }
0x7f: {  	_ =	shalt  }
0x80: {  	_ =	shalt  }
0x81: {  	_ =	shalt  }
0x82: {  	_ =	shalt  }
0x83: {  	_ =	shalt  }
0x84: {  	_ =	shalt  }
0x85: {  	_ =	shalt  }
0x86: {  	_ =	shalt  }
0x87: {  	_ =	shalt  }
.Lfunc_end0:
.L_simem_size_0:
called_computation_lowered:
.L_overlay_start_0:
0x88: {  	s2 =	sld [smem:$0x3FD9]  }
0x89: {  	s3 =	sld [smem:$0x3FFE];
	_ =	sdelay $0x1  }
0x8a: {  	s1 =	srdreg.scid  }
0x8b: {  	s0 =	sand.u32 $0x1, s1  }
0x8c: {  	s17 =	sshll.u32 s0, $0xA;
	s2 =	sadd.s32 s3, s2  }
0x8d: {  	s2 =	sadd.s32 s2, s17  }
0x8e: {  	[smem:$0x3FC6] =	sst s2  }
0x8f: {  	_ = 	snop  }
0x90: {  	s2 =	sld [smem:$0x3FC9]  }
0x91: {  	s18 =	sld [smem:$0x3FD0];
	(tm) =	ssettm $0x1  }
0x92: {  	s4 =	sld [smem:$0x3FFB];
	_ =	sdelay $0x3  }
0x93: {  	_ =	strace s4  }
0x94: {  	s4 =	sld [smem:$0x3FFC];
	_ =	sdelay $0x3  }
0x95: {  	_ =	strace s4  }
0x96: {  	s4 =	sld [smem:$0x3FFD];
	_ =	sdelay $0x3  }
0x97: {  	_ =	strace s4  }
0x98: {  	_ =	strace $0x8FFFFFFF  }
0x99: {  	s19 =	sld [smem:$0x3FDB];
	_ =	sdelay $0x1  }
0x9a: {  	s5 =	simm.s32 $_scs_section_size  }
0x9b: {  	s6 =	simm.s32 $_size__tile_overlayer_lowered;
	s7 =	simm.s32 $_tile_overlayer_lowered  }
0x9c: {  	s22 =	simm.s32 $0x1BFF;
	s21 =	sshll.u32 s7, $0x1;
	s4 =	sadd.s32 s5, s19  }
0x9d: {  	s8 =	simm.s32 $0x0;
	s20 =	sshll.u32 s6, $0x1;
	s6 =	sadd.s32 s21, s4  }
0x9e: {  	[timem:s8], [sflag:s22] =	dma.local [hbm:s6], s20  }
0x9f: {  	_ =	swait.ge [sflag:s22], s20  }
0xa0: {  	s5 =	ssub.s32 $0x0, s20;
	[sflag:s22] =	ssyncset.done $0x0  }
0xa1: {  	[sflag:s22] =	ssyncadd.s32 s5;
	_ =	sdelay $0x1  }
0xa2: {  	s23 =	simm.s32 $0x1B8B  }
0xa3: {  	_ =	swait.ge [sflag:s23], $0x1  }
0xa4: {  	[sflag:s23] =	ssyncset.done $0x0  }
0xa5: {  	s25 =	simm.s32 $0x1B8E;
	s24 =	sld [smem:$0x3FFE];
	[sflag:s23] =	ssyncadd.s32 $0xFFFFFFFF  }
0xa6: {  	s26 =	simm.s32 $execute0_lowered;
	[smem:$0x3FD2] =	sst s25  }
0xa7: {  	s6 =	sshll.u32 s26, $0x1;
	_ =	strace $0x80000046;
	[dreg:$0x1] =	wrdreg $0xFFFFFFFF  }
0xa8: {  	s28 =	simm.s32 $_size_execute0_lowered;
	s4 =	sadd.s32 s4, s6;
	[dreg:$0x0] =	wrdreg $0x0  }
0xa9: {  	s6 =	sshll.u32 s28, $0x1;
	[dreg:$0x2] =	wrdreg s4  }
0xaa: {  	[dreg:$0x3] =	wrdreg s6  }
0xab: {  	[dreg:$0x4] =	wrdreg $0xC0  }
0xac: {  	_ =	task [dreg:s8], $0x5FFFF  }
0xad: {  	[dreg:$0x1] =	wrdreg $0xFFFFFFFF  }
0xae: {  	[dreg:$0x0] =	wrdreg $0x60  }
0xaf: {  	[dreg:$0x2] =	wrdreg s2  }
0xb0: {  	[dreg:$0x3] =	wrdreg s24  }
0xb1: {  	[dreg:$0x4] =	wrdreg s18  }
0xb2: {  	[dreg:$0x5] =	wrdreg $0x9  }
0xb3: {  	_ =	task.clear_ibuf [dreg:s8], $0x6FFFF;
	_ =	strace $0x90000046  }
0xb4: {  	s29 =	simm.s32 $0x9;
	_ =	strace $0x80000048  }
0xb5: {  	_ =	swait.ge [sflag:s29], $0x1  }
0xb6: {  	[sflag:s29] =	ssyncadd.s32 $0xFFFFFFFF  }
0xb7: {  	_ =	strace $0x90000048  }
0xb8: {  	_ =	sfence  }
0xb9: {  	s30 =	sld [smem:$0x0];
	_ =	sdelay $0x2  }
0xba: {  	s31 =	sshll.u32 s1, $0xD;
	s1 =	sshrl.u32 s1, $0x2  }
0xbb: {  	s3 =	sand.u32 $0x4000, s31;
	s1 =	sadd.s32 s1, s30  }
0xbc: {  	s0 =	sor.u32 s3, s0;
	s1 =	sshll.u32 s1, $0x11  }
0xbd: {  	s0 =	sor.u32 s1, s0  }
0xbe: {  	s0 =	sadd.s32 $0x8F2B, s0  }
0xbf: {  	[sflag:s0] =	ssyncadd.remote.s32 $0x1  }
0xc0: {  	_ =	sfence.sel $0xFFFF  }
0xc1: {  	[dreg:$0x0] =	wrdreg $0xFFFFFFFF;
	(pc) =	sbr.abs _section_cstart, $3  }
0xc2: {  	[dreg:$0x1] =	wrdreg $0xFFFFFFFF  }
0xc3: {  	_ =	task.clear_ibuf [dreg:s8], $0x2FFFF;
	_ =	strace $0x9FFFFFFF  }
0xc4: {  	(tm) =	ssettm $0x7FFFFFFF  }
0xc5: {  	_ =	shalt  }
tec
execute0_lowered:
.L_overlay_start_1:
0x0: {  	(tag) =	ssettag $0x1  }
0x1: {  	s0 =	rddreg [dreg:$0x0]  }
0x2: {  	v0 =	vimm.s32 $0x357E;
	vm12 =	vcmask $0x300;
	vm11 =	vcmask $0x704;
	s1 =	srdreg.scid;
	s2 =	rddreg [dreg:$0x1]  }
0x3: {  	vm10 =	vcmask $0xB08;
	vm7 =	vcmask $0xF0C;
	s3 =	stileid.u32;
	vm8 =	vcmask $0x1310;
	s7 =	rddreg [dreg:$0x2];
	s5 =	simm.s32 $0x0  }
0x4: {  	vm9 =	vcmask $0x1714;
	vm6 =	vcmask $0x1B18;
	vm5 =	vcmask $0x1F1C;
	s28 =	simm.s32 $0x1;
	s29 =	simm.s32 $0x8000;
	s30 =	simm.s32 $0x10  }
0x5: {  	vm4 =	vcmask $0x2320;
	vm3 =	vcmask $0x2724;
	vm2 =	vcmask $0x2B28;
	s8 =	simm.s32 $0x2010;
	s9 =	simm.s32 $0x4000;
	s10 =	simm.s32 $0x4010  }
0x6: {  	vm0 =	vcmask $0x3330;
	v1 =	vimm.s32 $0x3580;
	vm1 =	vcmask $0x3B38;
	s13 =	simm.s32 $0x6000;
	s14 =	simm.s32 $0x6010;
	s15 =	simm.s32 $0xEC00  }
0x7: {  	v2 =	vimm.s32 $0x6B7E;
	v3 =	vimm.s32 $0x6B80;
	s16 =	simm.s32 $0x2;
	v0 =	vsel vm12, $0x81, v0;
	s1 =	sand.u32 $0x1, s1;
	s3 =	sshll.u32 s3, $0x7  }
0x8: {  	[smem:$0x7FF] =	sst s5;
	s2 =	sadd.s32 $0x1200, s2;
	v1 =	vsel vm12, $0x7F, v1;
	v2 =	vsel vm12, $0x3681, v2;
	v3 =	vsel vm12, $0x367F, v3;
	s4 =	sshll.u32 s1, $0x6  }
0x9: {  	v0 =	vsel vm11, $0x87E, v0;
	_ =	strace $0x80000047;
	[dreg:$0x4] =	wrdreg s2;
	v1 =	vsel vm11, $0x880, v1;
	v2 =	vsel vm11, $0x3E7E, v2;
	s4 =	sor.u32 s4, s3  }
0xa: {  	s1 =	ssub.s32 $0x2, s1;
	v3 =	vsel vm11, $0x3E80, v3;
	v0 =	vsel vm10, $0x981, v0;
	v1 =	vsel vm10, $0x97F, v1;
	p0 =	seq.s32 s4, $0x0;
	s3 =	sadd.s32 $0xFFFFFFFF, s4  }
0xb: {  	s19 =	sshrl.u32 s1, $0x1;
	v2 =	vsel vm10, $0x3F81, v2;
	v3 =	vsel vm10, $0x3F7F, v3;
	v0 =	vsel vm7, $0x117E, v0;
	s18 =	sshll.u32 s4, $0x8;
	s3 =	simm.s32 @p0 $0x1  }
0xc: {  	s1 =	ssub.s32 s1, s19;
	v1 =	vsel vm7, $0x1180, v1;
	v2 =	vsel vm7, $0x477E, v2;
	v3 =	vsel vm7, $0x4780, v3;
	s6 =	sshll.u32 s3, $0xB;
	s3 =	sshll.u32 s3, $0x7  }
0xd: {  	v0 =	vsel vm8, $0x1281, v0;
	v1 =	vsel vm8, $0x127F, v1;
	s1 =	smax.u32 s1, $0x1;
	v2 =	vsel vm8, $0x4881, v2;
	s17 =	sand.u32 $0xFFFFC000, s6;
	s3 =	sand.u32 $0x380, s3  }
0xe: {  	v3 =	vsel vm8, $0x487F, v3;
	v0 =	vsel vm9, $0x1A7E, v0;
	[dreg:$0xf] =	wrdreg s1;
	v1 =	vsel vm9, $0x1A80, v1;
	s2 =	sor.u32 s3, s17;
	s3 =	sadd.s32 s0, s18  }
0xf: {  	s26 =	sshll.u32 s4, $0xA;
	v2 =	vsel vm9, $0x507E, v2;
	v0 =	vsel vm6, $0x1B81, v0;
	v1 =	vsel vm6, $0x1B7F, v1;
	s20 =	sadd.s32 $0x10, s3;
	[dreg:$0x5] =	wrdreg s3  }
0x10: {  	s19 =	sor.u32 $0xC, s4;
	v3 =	vsel vm9, $0x5080, v3;
	v0 =	vsel vm5, $0x237E, v0;
	v1 =	vsel vm5, $0x2380, v1;
	s21 =	sadd.s32 $0x20, s3;
	[dreg:$0x7] =	wrdreg s20  }
0x11: {  	v2 =	vsel vm6, $0x5181, v2;
	s6 =	simm.s32 $0x2000;
	v0 =	vsel vm4, $0x2481, v0;
	s22 =	sadd.s32 $0x30, s3;
	v1 =	vsel vm4, $0x247F, v1;
	[dreg:$0x8] =	wrdreg s21  }
0x12: {  	v3 =	vsel vm6, $0x517F, v3;
	s17 =	sadd.s32 s7, s26;
	s23 =	sadd.s32 $0x40, s3;
	v0 =	vsel vm3, $0x2C7E, v0;
	[dreg:$0x9] =	wrdreg s22;
	v1 =	vsel vm3, $0x2C80, v1  }
0x13: {  	s18 =	sor.u32 $0x8, s4;
	v2 =	vsel vm5, $0x597E, v2;
	s24 =	sadd.s32 $0x50, s3;
	[dreg:$0xa] =	wrdreg s23;
	v0 =	vsel vm2, $0x2D81, v0;
	v1 =	vsel vm2, $0x2D7F, v1  }
0x14: {  	v3 =	vsel vm5, $0x5980, v3;
	s26 =	simm.s32 $0xE380;
	s25 =	sadd.s32 $0x60, s3;
	[dreg:$0xb] =	wrdreg s24;
	v0 =	vsel vm0, $0x2D81, v0;
	v4 =	vsel vm0, $0x2D7F, v1  }
.Ltmp0:
0x15: {  	s31 =	sadd.s32 $0x70, s3;
	[dreg:$0xc] =	wrdreg s25;
	v1 =	vsel vm4, $0x5A81, v2;
	v2 =	vsel vm4, $0x5A7F, v3;
	v3 =	vlaneseq.u32;
	(pc) =	sbr.rel .LBB2_1-.Ltmp0, $4  }
0x16: {  	s2 =	sshrl.u32 s2, $0x3;
	s3 =	sadd.s32 $0x800, s3;
	[dreg:$0xd] =	wrdreg s31;
	v0 =	vsel vm1, $0x2D81, v0;
	v5 =	vsel vm3, $0x627E, v1;
	v2 =	vsel vm3, $0x6280, v2  }
0x17: {  	s2 =	sadd.s32 s0, s2;
	[dreg:$0xe] =	wrdreg s3;
	s22 =	simm.s32 $0x80;
	v1 =	vmul.u32 $0x2, v3;
	v3 =	vsel vm2, $0x6381, v5;
	v5 =	vsel vm2, $0x637F, v2  }
0x18: {  	s23 =	simm.s32 $0x400;
	s24 =	simm.s32 $0xD180;
	s25 =	simm.s32 $0xDA80;
	v2 =	vsel vm1, $0x2D7F, v4;
	v4 =	vsel vm0, $0x6381, v3;
	v5 =	vsel vm0, $0x637F, v5  }
0x19: {  	s20 =	simm.s32 $0x16C00;
	s3 =	simm.s32 $0x0;
	[dreg:$0x6] =	wrdreg s2;
	v3 =	vor.u32 $0x1, v1;
	v4 =	vsel vm1, $0x6381, v4;
	v5 =	vsel vm1, $0x637F, v5  }
.LBB2_8:
0x1a: {  	s1 =	simm.s32 $0x3  }
0x1b: {  	_ =	swait.ge [sflag:s1], $0x8000  }
0x1c: {  	[sflag:s1] =	ssyncset.done $0x0  }
0x1d: {  	s2 =	simm.s32 $0x4;
	[sflag:s1] =	ssyncadd.s32 $0xFFFF8000  }
0x1e: {  	_ =	swait.ge [sflag:s2], $0x8000  }
0x1f: {  	s3 =	rddreg [dreg:$0x10]  }
0x20: {  	s31 =	rddreg [dreg:$0xf];
	s3 =	sadd.s32 $0x1, s3  }
0x21: {  	p0 =	sne.s32 s3, s31  }
.Ltmp1:
0x22: {  	_ = 	snop;
	(pc) =	sbr.rel @!p0 .LBB2_9-.Ltmp1, $3  }
0x23: {  	_ =	sdelay $0x1  }
0x24: {  	[sflag:s2] =	ssyncset.done $0x0  }
0x25: {  	[sflag:s2] =	ssyncadd.s32 $0xFFFF8000  }
.LBB2_1:
0x26: {  	[dreg:$0x10] =	wrdreg s3  }
0x27: {  	s1 =	rddreg [dreg:$0x4];
	s3 =	simm.s32 $0x5  }
0x28: {  	[tilespmem:s5], [sflag:$0x5] =	stream.linear.gather [hbm4b:s1+s5], $0x8000, $0x38;
	[tilespmem:$0x1EC00] =	vst v63  }
0x29: {  	_ =	swait.ge [sflag:s3], $0x8000  }
0x2a: {  	[sflag:s3] =	ssyncset.done $0x0  }
0x2b: {  	s2 =	simm.s32 $0x8080;
	s7 =	rddreg [dreg:$0x6];
	[sflag:s3] =	ssyncadd.s32 $0xFFFF8000  }
0x2c: {  	[tilespmem:s2], [sflag:$0x1] =	stream.strided.gather [hbm4b:s7+s22], $0x800, s23, s22, $0x38;
	[tilespmem:$0x1EC00] =	vst v63  }
0x2d: {  	s12 =	simm.s32 $0x8980;
	s11 =	rddreg [dreg:$0x5]  }
0x2e: {  	[tilespmem:s12], [sflag:$0x1] =	stream.strided.gather [hbm4b:s11+s22], $0x800, s23, s22, $0x38;
	[tilespmem:$0x1EC00] =	vst v63  }
0x2f: {  	s31 =	simm.s32 $0x9280;
	s21 =	rddreg [dreg:$0x7]  }
0x30: {  	[tilespmem:s31], [sflag:$0x1] =	stream.strided.gather [hbm4b:s21+s22], $0x800, s23, s22, $0x38;
	[tilespmem:$0x1EC00] =	vst v63  }
0x31: {  	s3 =	simm.s32 $0x9B80;
	s2 =	rddreg [dreg:$0x8]  }
0x32: {  	[tilespmem:s3], [sflag:$0x1] =	stream.strided.gather [hbm4b:s2+s22], $0x800, s23, s22, $0x38;
	[tilespmem:$0x1EC00] =	vst v63  }
0x33: {  	s7 =	rddreg [dreg:$0x9];
	s11 =	simm.s32 $0xA480  }
0x34: {  	[tilespmem:s11], [sflag:$0x1] =	stream.strided.gather [hbm4b:s7+s22], $0x800, s23, s22, $0x38;
	[tilespmem:$0x1EC00] =	vst v63  }
0x35: {  	s12 =	rddreg [dreg:$0xa];
	s21 =	simm.s32 $0xAD80  }
0x36: {  	[tilespmem:s21], [sflag:$0x1] =	stream.strided.gather [hbm4b:s12+s22], $0x800, s23, s22, $0x38;
	[tilespmem:$0x1EC00] =	vst v63  }
0x37: {  	s31 =	simm.s32 $0xB680  }
0x38: {  	[tilespmem:s31], [sflag:$0x2] =	stream.strided.gather [hbm4b:s7+s22], $0x800, s23, s22, $0x38;
	[tilespmem:$0x1EC00] =	vst v63  }
0x39: {  	s3 =	simm.s32 $0xBF80  }
0x3a: {  	[tilespmem:s3], [sflag:$0x2] =	stream.strided.gather [hbm4b:s12+s22], $0x800, s23, s22, $0x38;
	[tilespmem:$0x1EC00] =	vst v63  }
0x3b: {  	s11 =	simm.s32 $0xC880;
	s7 =	rddreg [dreg:$0xb]  }
0x3c: {  	[tilespmem:s11], [sflag:$0x2] =	stream.strided.gather [hbm4b:s7+s22], $0x800, s23, s22, $0x38;
	[tilespmem:$0x1EC00] =	vst v63  }
0x3d: {  	s12 =	rddreg [dreg:$0xc]  }
0x3e: {  	[tilespmem:s24], [sflag:$0x2] =	stream.strided.gather [hbm4b:s12+s22], $0x800, s23, s22, $0x38;
	[tilespmem:$0x1EC00] =	vst v63  }
0x3f: {  	s21 =	rddreg [dreg:$0xd]  }
0x40: {  	[tilespmem:s25], [sflag:$0x2] =	stream.strided.gather [hbm4b:s21+s22], $0x800, s23, s22, $0x38;
	[tilespmem:$0x1EC00] =	vst v63  }
0x41: {  	s31 =	rddreg [dreg:$0xe];
	s21 =	simm.s32 $0x0  }
0x42: {  	[tilespmem:s26], [sflag:$0x2] =	stream.strided.gather [hbm4b:s31+s22], $0x800, s23, s22, $0x38;
	[tilespmem:$0x1EC00] =	vst v63  }
.LBB2_2:
0x43: {  	_ =	swait.ge [sflag:s28], $0x800  }
0x44: {  	[sflag:s28] =	ssyncset.done $0x0  }
0x45: {  	[sflag:s28] =	ssyncadd.s32 $0xFFFFF800  }
0x46: {  	_ =	swait.ge [sflag:s28], $0x800  }
0x47: {  	[sflag:s28] =	ssyncset.done $0x0  }
0x48: {  	[sflag:s28] =	ssyncadd.s32 $0xFFFFF800  }
0x49: {  	_ =	swait.ge [sflag:s28], $0x800  }
0x4a: {  	[sflag:s28] =	ssyncset.done $0x0  }
0x4b: {  	[sflag:s28] =	ssyncadd.s32 $0xFFFFF800  }
0x4c: {  	_ =	swait.ge [sflag:s28], $0x800  }
0x4d: {  	[sflag:s28] =	ssyncset.done $0x0  }
0x4e: {  	[sflag:s28] =	ssyncadd.s32 $0xFFFFF800  }
0x4f: {  	_ =	swait.ge [sflag:s28], $0x800  }
0x50: {  	[sflag:s28] =	ssyncset.done $0x0  }
0x51: {  	[sflag:s28] =	ssyncadd.s32 $0xFFFFF800  }
0x52: {  	_ =	swait.ge [sflag:s28], $0x800  }
0x53: {  	[sflag:s28] =	ssyncset.done $0x0  }
0x54: {  	[sflag:s28] =	ssyncadd.s32 $0xFFFFF800  }
0x55: {  	v6 =	vld.idx.msk [tilespmem:v0+s29+$0x0], $0xfff;
	_ =	sdelay $0x3  }
0x56: {  	p0 =	seq.s32 s21, $0x0  }
0x57: {  	s2 =	simm.s32 @!p0 $0x3;
	[tilespmem:v2+s29+$0x0] =	vst.idx.msk $0xfff, v6  }
0x58: {  	_ =	swait.ge @!p0 [sflag:s2], $0x8000  }
0x59: {  	s11 =	sshll.u32 s21, $0x3;
	s3 =	simm.s32 $0x0;
	[sflag:s2] =	ssyncset.done @!p0 $0x0  }
0x5a: {  	s7 =	simm.s32 $0x9B7F;
	s12 =	simm.s32 $0x0;
	[sflag:s2] =	ssyncadd.s32 @!p0 $0xFFFF8000  }
.LBB2_3:
0x5b: {  	v7 =	vld [tilespmem:s7+$0xFFFFEE00]  }
0x5c: {  	s2 =	sand.u32 $0x7F0, s12;
	v9 =	vld [tilespmem:s7+$0xFFFFEE02]  }
0x5d: {  	v10 =	vld [tilespmem:s2+$0x8980]  }
0x5e: {  	v11 =	vld [tilespmem:s2+$0x9280]  }
0x5f: {  	v6 =	vld [tilespmem:s2+$0x8080]  }
0x60: {  	v8 =	vld [tilespmem:s7+$0xFFFFE500]  }
0x61: {  	v12 =	vld [tilespmem:s7+$0xFFFFF700]  }
0x62: {  	v13 =	vld [tilespmem:s7+$0xFFFFF702];
	v14 =	vshll.u32 v9, $0x9  }
0x63: {  	v15 =	vld [tilespmem:s7+$0xFFFFE502];
	v14 =	vadd.s32 v10, v14;
	v16 =	vshll.u32 v11, $0x5  }
0x64: {  	v17 =	vshll.u32 v7, $0x9;
	v6 =	vshll.u32 v6, $0x5;
	v7 =	vadd.s32 v16, v14  }
0x65: {  	v6 =	vadd.s32 v6, v17  }
0x66: {  	v6 =	vadd.s32 v10, v6  }
0x67: {  	v44 =	vshll.u32 v12, $0x5;
	v18 =	vshll.u32 v13, $0x9  }
0x68: {  	v19 =	vld [tilespmem:s7+$0x0];
	v8 =	vshll.u32 v8, $0x9;
	v15 =	vshll.u32 v15, $0x5;
	v14 =	vadd.s32 v10, v44  }
0x69: {  	v8 =	vadd.s32 v8, v15;
	v14 =	vadd.s32 v18, v14;
	v45 =	vld.idx.msk [tilespmem:v7+s5+$0x0], $0xffff  }
0x6a: {  	v8 =	vadd.s32 v10, v8;
	v7 =	vld.idx.msk [tilespmem:v7+s30+$0x0], $0xffff  }
0x6b: {  	v20 =	vld.idx.msk [tilespmem:v6+s6+$0x0], $0xffff  }
0x6c: {  	v6 =	vld.idx.msk [tilespmem:v6+s8+$0x0], $0xffff  }
0x6d: {  	v46 =	vld [tilespmem:s2+$0x9B80]  }
0x6e: {  	v21 =	vld.idx.msk [tilespmem:v14+s9+$0x0], $0xffff  }
0x6f: {  	v22 =	vld.idx.msk [tilespmem:v8+s13+$0x0], $0xffff  }
0x70: {  	v23 =	vmov s3;
	v24 =	vor.u32 s3, v1;
	v48 =	vor.u32 s3, v3;
	v14 =	vld.idx.msk [tilespmem:v14+s10+$0x0], $0xffff  }
0x71: {  	v49 =	vld [tilespmem:s7+$0x900];
	v15 =	vadd.bf16 v20, v45;
	v26 =	vadd.bf16 v6, v7;
	v7 =	vshll.u32 v23, $0x3  }
0x72: {  	v12 =	vshll.u32 v12, $0x9;
	v25 =	vld.idx.msk [tilespmem:v8+s14+$0x0], $0xffff;
	v6 =	vand.u32 $0x7E, v24;
	v50 =	vand.u32 $0x7C00, v7  }
0x73: {  	v52 =	vld [tilespmem:s7+$0x902];
	v8 =	vand.u32 $0x7F, v48;
	v47 =	vadd.bf16 v21, v15;
	v51 =	vor.u32 v6, v50  }
0x74: {  	v30 =	vld [tilespmem:s7+$0x1200];
	v33 =	vshll.u32 v46, $0x5;
	v28 =	vor.u32 v8, v50;
	v29 =	vor.u32 $0x80, v50  }
0x75: {  	v15 =	vld [tilespmem:s7+$0x2];
	v14 =	vadd.bf16 v14, v26;
	v31 =	vor.u32 v6, v29;
	v22 =	vadd.bf16 v22, v47  }
0x76: {  	v34 =	vld [tilespmem:s7+$0x1202];
	v18 =	vadd.s32 v11, v18;
	v10 =	vshll.u32 v10, $0x5;
	v29 =	vor.u32 v8, v29  }
0x77: {  	v27 =	vld [tilespmem:s2+$0xA480];
	v18 =	vadd.s32 v33, v18;
	v14 =	vadd.bf16 v25, v14;
	v53 =	vunpack.i.l.bf16.f32 v22  }
0x78: {  	v32 =	vld [tilespmem:s2+$0xAD80];
	v55 =	vshll.u32 v19, $0x5;
	v10 =	vadd.s32 v10, v12;
	v22 =	vunpack.i.u.bf16.f32 v22;
	[tilespmem:v51+s15+$0x0] =	vst.idx.msk $0xffff, v53  }
0x79: {  	v9 =	vshll.u32 v9, $0x5;
	v10 =	vadd.s32 v11, v10;
	v54 =	vunpack.i.l.bf16.f32 v14;
	[tilespmem:v28+s15+$0x0] =	vst.idx.msk $0xffff, v22  }
0x7a: {  	v14 =	vunpack.i.u.bf16.f32 v14;
	v56 =	vshll.u32 v15, $0x9;
	v22 =	vadd.s32 v11, v55;
	[tilespmem:v31+s15+$0x0] =	vst.idx.msk $0xffff, v54  }
0x7b: {  	v9 =	vadd.s32 v17, v9;
	v57 =	vadd.s32 v56, v22;
	[tilespmem:v29+s15+$0x0] =	vst.idx.msk $0xffff, v14  }
0x7c: {  	v9 =	vadd.s32 v11, v9;
	v58 =	vld.idx.msk [tilespmem:v18+s5+$0x0], $0xffff  }
0x7d: {  	v59 =	vld.idx.msk [tilespmem:v18+s30+$0x0], $0xffff  }
0x7e: {  	v60 =	vld.idx.msk [tilespmem:v10+s6+$0x0], $0xffff  }
0x7f: {  	v10 =	vld.idx.msk [tilespmem:v10+s8+$0x0], $0xffff  }
0x80: {  	v61 =	vld.idx.msk [tilespmem:v57+s9+$0x0], $0xffff  }
0x81: {  	v26 =	vld.idx.msk [tilespmem:v9+s13+$0x0], $0xffff  }
0x82: {  	v14 =	vld.idx.msk [tilespmem:v57+s10+$0x0], $0xffff  }
0x83: {  	v11 =	vadd.bf16 v60, v58  }
0x84: {  	v62 =	vor.u32 $0x100, v50;
	v9 =	vld.idx.msk [tilespmem:v9+s14+$0x0], $0xffff  }
0x85: {  	v63 =	vor.u32 v6, v62;
	v10 =	vadd.bf16 v10, v59;
	v11 =	vadd.bf16 v61, v11  }
0x86: {  	v19 =	vshll.u32 v19, $0x9;
	v17 =	vor.u32 v8, v62;
	v28 =	vor.u32 $0x180, v50  }
0x87: {  	v29 =	vor.u32 v6, v28;
	v10 =	vadd.bf16 v14, v10;
	v11 =	vadd.bf16 v26, v11  }
0x88: {  	v35 =	vshll.u32 v27, $0x5;
	v31 =	vadd.s32 v46, v56;
	v18 =	vor.u32 v8, v28  }
0x89: {  	v22 =	vadd.s32 v35, v31;
	v9 =	vadd.bf16 v9, v10;
	v26 =	vunpack.i.l.bf16.f32 v11  }
0x8a: {  	v36 =	vadd.s32 v16, v19;
	v11 =	vunpack.i.u.bf16.f32 v11;
	[tilespmem:v63+s15+$0x0] =	vst.idx.msk $0xffff, v26  }
0x8b: {  	v39 =	vshll.u32 v49, $0x5;
	v38 =	vadd.s32 v46, v36;
	v37 =	vunpack.i.l.bf16.f32 v9;
	[tilespmem:v17+s15+$0x0] =	vst.idx.msk $0xffff, v11  }
0x8c: {  	v40 =	vshll.u32 v52, $0x9;
	v14 =	vadd.s32 v46, v39;
	v9 =	vunpack.i.u.bf16.f32 v9;
	[tilespmem:v29+s15+$0x0] =	vst.idx.msk $0xffff, v37  }
0x8d: {  	v13 =	vshll.u32 v13, $0x5;
	v41 =	vadd.s32 v40, v14;
	[tilespmem:v18+s15+$0x0] =	vst.idx.msk $0xffff, v9  }
0x8e: {  	v12 =	vadd.s32 v12, v13;
	v42 =	vld.idx.msk [tilespmem:v22+s5+$0x0], $0xffff  }
0x8f: {  	v12 =	vadd.s32 v46, v12;
	v43 =	vld.idx.msk [tilespmem:v22+s30+$0x0], $0xffff  }
0x90: {  	v16 =	vld.idx.msk [tilespmem:v38+s6+$0x0], $0xffff  }
0x91: {  	v11 =	vld.idx.msk [tilespmem:v38+s8+$0x0], $0xffff  }
0x92: {  	v17 =	vld.idx.msk [tilespmem:v41+s9+$0x0], $0xffff  }
0x93: {  	v9 =	vld.idx.msk [tilespmem:v41+s10+$0x0], $0xffff  }
0x94: {  	v18 =	vld.idx.msk [tilespmem:v12+s13+$0x0], $0xffff  }
0x95: {  	v14 =	vadd.bf16 v16, v42  }
0x96: {  	v44 =	vor.u32 $0x200, v50;
	v12 =	vld.idx.msk [tilespmem:v12+s14+$0x0], $0xffff  }
0x97: {  	v45 =	vor.u32 v6, v44;
	v11 =	vadd.bf16 v11, v43;
	v14 =	vadd.bf16 v17, v14  }
0x98: {  	v49 =	vshll.u32 v49, $0x9;
	v13 =	vor.u32 v8, v44;
	v46 =	vor.u32 $0x280, v50  }
0x99: {  	v47 =	vor.u32 v6, v46;
	v9 =	vadd.bf16 v9, v11;
	v14 =	vadd.bf16 v18, v14  }
0x9a: {  	v48 =	vshll.u32 v32, $0x5;
	v10 =	vadd.s32 v27, v40;
	v16 =	vor.u32 v8, v46  }
0x9b: {  	v10 =	vadd.s32 v48, v10;
	v9 =	vadd.bf16 v12, v9;
	v18 =	vunpack.i.l.bf16.f32 v14  }
0x9c: {  	v52 =	vshll.u32 v30, $0x5;
	v50 =	vadd.s32 v33, v49;
	v14 =	vunpack.i.u.bf16.f32 v14;
	[tilespmem:v45+s15+$0x0] =	vst.idx.msk $0xffff, v18  }
0x9d: {  	v53 =	vshll.u32 v34, $0x9;
	v11 =	vadd.s32 v27, v50;
	v51 =	vunpack.i.l.bf16.f32 v9;
	[tilespmem:v13+s15+$0x0] =	vst.idx.msk $0xffff, v14  }
0x9e: {  	v55 =	vshll.u32 v15, $0x5;
	v9 =	vunpack.i.u.bf16.f32 v9;
	v13 =	vadd.s32 v27, v52;
	[tilespmem:v47+s15+$0x0] =	vst.idx.msk $0xffff, v51  }
0x9f: {  	v12 =	vadd.s32 v19, v55;
	v54 =	vadd.s32 v53, v13;
	[tilespmem:v16+s15+$0x0] =	vst.idx.msk $0xffff, v9  }
0xa0: {  	v12 =	vadd.s32 v27, v12;
	v56 =	vld.idx.msk [tilespmem:v10+s5+$0x0], $0xffff  }
0xa1: {  	v10 =	vld.idx.msk [tilespmem:v10+s30+$0x0], $0xffff  }
0xa2: {  	v14 =	vld.idx.msk [tilespmem:v11+s6+$0x0], $0xffff  }
0xa3: {  	v11 =	vld.idx.msk [tilespmem:v11+s8+$0x0], $0xffff  }
0xa4: {  	v57 =	vld.idx.msk [tilespmem:v54+s9+$0x0], $0xffff  }
0xa5: {  	v16 =	vld.idx.msk [tilespmem:v12+s13+$0x0], $0xffff  }
0xa6: {  	v9 =	vld.idx.msk [tilespmem:v54+s10+$0x0], $0xffff  }
0xa7: {  	v13 =	vadd.bf16 v14, v56  }
0xa8: {  	v58 =	vor.u32 $0x300, v7;
	v12 =	vld.idx.msk [tilespmem:v12+s14+$0x0], $0xffff  }
0xa9: {  	v59 =	vor.u32 v6, v58;
	v10 =	vadd.bf16 v11, v10;
	v13 =	vadd.bf16 v57, v13  }
0xaa: {  	v7 =	vor.u32 $0x380, v7;
	v14 =	vor.u32 v8, v58  }
0xab: {  	v6 =	vor.u32 v6, v7;
	v9 =	vadd.bf16 v9, v10;
	v13 =	vadd.bf16 v16, v13  }
0xac: {  	p1 =	sne.s32 s12, $0x7F0;
	v7 =	vor.u32 v8, v7  }
.Ltmp2:
0xad: {  	v60 =	vadd.bf16 v12, v9;
	v61 =	vunpack.i.l.bf16.f32 v13;
	(pc) =	sbr.rel @p1 .LBB2_3-.Ltmp2, $4  }
0xae: {  	v62 =	vunpack.i.u.bf16.f32 v13;
	[tilespmem:v59+s15+$0x0] =	vst.idx.msk $0xffff, v61  }
0xaf: {  	v63 =	vunpack.i.l.bf16.f32 v60;
	[tilespmem:v14+s15+$0x0] =	vst.idx.msk $0xffff, v62  }
0xb0: {  	v8 =	vunpack.i.u.bf16.f32 v60;
	[tilespmem:v6+s15+$0x0] =	vst.idx.msk $0xffff, v63  }
0xb1: {  	s3 =	sadd.s32 $0x20, s3;
	s12 =	sadd.s32 $0x10, s12;
	s7 =	sadd.s32 $0x10, s7;
	[tilespmem:v7+s15+$0x0] =	vst.idx.msk $0xffff, v8  }
0xb2: {  	s2 =	sshll.u32 s21, $0xD  }
0xb3: {  	p1 =	seq.s32 s21, $0x7;
	s2 =	sadd.s32 s2, s17  }
0xb4: {  	[hbm4b:s2+s5] =	stream.linear.scatter [tilespmem:s15], [sflag:$0x3], $0x8000, $0x38;
	[tilespmem:$0x1EC00] =	vst v63  }
0xb5: {  	s2 =	sadd.s32 @!p1 s11, s18  }
0xb6: {  	s3 =	sadd.s32 @!p1 $0xFFFFFFFF, s2  }
0xb7: {  	s7 =	sshll.u32 @!p1 s3, $0xB;
	s3 =	sshll.u32 @!p1 s3, $0x7  }
0xb8: {  	s7 =	sand.u32 @!p1 $0xFFFFC000, s7;
	s3 =	sand.u32 @!p1 $0x380, s3  }
0xb9: {  	s3 =	sor.u32 @!p1 s3, s7  }
0xba: {  	s12 =	simm.s32 @!p1 $0x400;
	s31 =	simm.s32 @!p1 $0x8080;
	s3 =	sshrl.u32 @!p1 s3, $0x3  }
0xbb: {  	p2 =	sgt.u32 @!p1 s2, $0x7FF;
	s7 =	simm.s32 @!p1 $0x80;
	s3 =	sadd.s32 @!p1 s0, s3  }
0xbc: {  	[tilespmem:s31], [sflag:$0x1] =	stream.strided.gather @!p1 [hbm4b:s3+s7], $0x800, s12, s7, $0x38;
	[tilespmem:$0x1EC00] =	vst v63  }
0xbd: {  	p2 =	por !p2, p1;
	s3 =	smov.u32 s2  }
0xbe: {  	s3 =	simm.s32 @!p2 $0x7FE  }
0xbf: {  	s31 =	sshll.u32 @!p1 s3, $0x4  }
0xc0: {  	s3 =	sshll.u32 @!p1 s3, $0x8;
	s31 =	sand.u32 @!p1 $0x60, s31  }
0xc1: {  	s3 =	sand.u32 @!p1 $0xFFFF800, s3;
	s31 =	sadd.s32 @!p1 s0, s31  }
0xc2: {  	p3 =	sgt.u32 @!p1 s2, $0x7FE;
	s3 =	sadd.s32 @!p1 s3, s31;
	s31 =	simm.s32 @!p1 $0x8980  }
0xc3: {  	[tilespmem:s31], [sflag:$0x1] =	stream.strided.gather @!p1 [hbm4b:s3+s7], $0x800, s12, s7, $0x38;
	[tilespmem:$0x1EC00] =	vst v63  }
0xc4: {  	p3 =	por !p3, p1;
	s3 =	sor.u32 @!p1 $0x1, s2  }
0xc5: {  	s3 =	simm.s32 @!p3 $0x7FE  }
0xc6: {  	s31 =	sshll.u32 @!p1 s3, $0x4  }
0xc7: {  	s3 =	sshll.u32 @!p1 s3, $0x8;
	s31 =	sand.u32 @!p1 $0x70, s31  }
0xc8: {  	s3 =	sand.u32 @!p1 $0xFFFF800, s3;
	s31 =	sadd.s32 @!p1 s0, s31  }
0xc9: {  	s3 =	sadd.s32 @!p1 s3, s31;
	s31 =	simm.s32 @!p1 $0x9280  }
0xca: {  	[tilespmem:s31], [sflag:$0x1] =	stream.strided.gather @!p1 [hbm4b:s3+s7], $0x800, s12, s7, $0x38;
	[tilespmem:$0x1EC00] =	vst v63  }
0xcb: {  	s3 =	sor.u32 @!p1 $0x2, s2  }
0xcc: {  	s3 =	simm.s32 @!p2 $0x7FE  }
0xcd: {  	s31 =	sshll.u32 @!p1 s3, $0x4  }
0xce: {  	s3 =	sshll.u32 @!p1 s3, $0x8;
	s31 =	sand.u32 @!p1 $0x70, s31  }
0xcf: {  	s3 =	sand.u32 @!p1 $0xFFFF800, s3;
	s31 =	sadd.s32 @!p1 s0, s31  }
0xd0: {  	s3 =	sadd.s32 @!p1 s3, s31;
	s31 =	simm.s32 @!p1 $0x9B80  }
0xd1: {  	[tilespmem:s31], [sflag:$0x1] =	stream.strided.gather @!p1 [hbm4b:s3+s7], $0x800, s12, s7, $0x38;
	[tilespmem:$0x1EC00] =	vst v63  }
0xd2: {  	s3 =	sor.u32 @!p1 $0x3, s2  }
0xd3: {  	s3 =	simm.s32 @!p2 $0x7FE  }
0xd4: {  	s31 =	sshll.u32 @!p1 s3, $0x4  }
0xd5: {  	s3 =	sshll.u32 @!p1 s3, $0x8;
	s31 =	sand.u32 @!p1 $0x70, s31  }
0xd6: {  	s2 =	sor.u32 @!p1 $0x4, s2;
	s3 =	sand.u32 @!p1 $0xFFFF800, s3;
	s31 =	sadd.s32 @!p1 s0, s31  }
0xd7: {  	s2 =	simm.s32 @!p2 $0x7FE;
	s3 =	sadd.s32 @!p1 s3, s31;
	s31 =	simm.s32 @!p1 $0xA480  }
0xd8: {  	[tilespmem:s31], [sflag:$0x1] =	stream.strided.gather @!p1 [hbm4b:s3+s7], $0x800, s12, s7, $0x38;
	[tilespmem:$0x1EC00] =	vst v63  }
0xd9: {  	s3 =	sshll.u32 @!p1 s2, $0x4  }
0xda: {  	s2 =	sshll.u32 @!p1 s2, $0x8;
	s3 =	sand.u32 @!p1 $0x70, s3  }
0xdb: {  	s2 =	sand.u32 @!p1 $0xFFFF800, s2;
	s3 =	sadd.s32 @!p1 s0, s3  }
0xdc: {  	s2 =	sadd.s32 @!p1 s2, s3;
	s3 =	simm.s32 @!p1 $0xAD80  }
0xdd: {  	[tilespmem:s3], [sflag:$0x1] =	stream.strided.gather @!p1 [hbm4b:s2+s7], $0x800, s12, s7, $0x38;
	[tilespmem:$0x1EC00] =	vst v63  }
0xde: {  	_ =	swait.ge [sflag:s16], $0x800  }
0xdf: {  	[sflag:s16] =	ssyncset.done $0x0  }
0xe0: {  	[sflag:s16] =	ssyncadd.s32 $0xFFFFF800  }
0xe1: {  	_ =	swait.ge [sflag:s16], $0x800  }
0xe2: {  	[sflag:s16] =	ssyncset.done $0x0  }
0xe3: {  	[sflag:s16] =	ssyncadd.s32 $0xFFFFF800  }
0xe4: {  	_ =	swait.ge [sflag:s16], $0x800  }
0xe5: {  	[sflag:s16] =	ssyncset.done $0x0  }
0xe6: {  	[sflag:s16] =	ssyncadd.s32 $0xFFFFF800  }
0xe7: {  	_ =	swait.ge [sflag:s16], $0x800  }
0xe8: {  	[sflag:s16] =	ssyncset.done $0x0  }
0xe9: {  	[sflag:s16] =	ssyncadd.s32 $0xFFFFF800  }
0xea: {  	_ =	swait.ge [sflag:s16], $0x800  }
0xeb: {  	[sflag:s16] =	ssyncset.done $0x0  }
0xec: {  	[sflag:s16] =	ssyncadd.s32 $0xFFFFF800  }
0xed: {  	_ =	swait.ge [sflag:s16], $0x800  }
0xee: {  	[sflag:s16] =	ssyncset.done $0x0  }
0xef: {  	[sflag:s16] =	ssyncadd.s32 $0xFFFFF800  }
0xf0: {  	v6 =	vld.idx.msk [tilespmem:v4+s29+$0x0], $0xfff;
	_ =	sdelay $0x4  }
0xf1: {  	s2 =	simm.s32 @!p0 $0x4;
	[tilespmem:v5+s29+$0x0] =	vst.idx.msk $0xfff, v6  }
0xf2: {  	s31 =	simm.s32 $0x0;
	_ =	swait.ge @!p0 [sflag:s2], $0x8000  }
0xf3: {  	s12 =	sadd.s32 s11, s4;
	s7 =	simm.s32 $0x0;
	[sflag:s2] =	ssyncset.done @!p0 $0x0  }
0xf4: {  	s3 =	simm.s32 $0x0;
	s12 =	sadd.s32 $0x4, s12;
	[sflag:s2] =	ssyncadd.s32 @!p0 $0xFFFF8000  }
.LBB2_5:
0xf5: {  	s1 =	sand.u32 $0x7F0, s7  }
0xf6: {  	s2 =	sshra.s32 s31, $0x2;
	v6 =	vld [tilespmem:s1+$0xB680]  }
0xf7: {  	v7 =	vld [tilespmem:s2+$0xBF7F]  }
0xf8: {  	v9 =	vld [tilespmem:s2+$0xBF81]  }
0xf9: {  	v11 =	vld [tilespmem:s1+$0xC880]  }
0xfa: {  	v10 =	vld [tilespmem:s1+$0xBF80];
	_ =	sdelay $0x1  }
0xfb: {  	v12 =	vld [tilespmem:s2+$0xC87F]  }
0xfc: {  	v13 =	vld [tilespmem:s2+$0xC881]  }
0xfd: {  	v14 =	vshll.u32 v9, $0x9;
	v16 =	vshll.u32 v11, $0x5  }
0xfe: {  	v8 =	vld [tilespmem:s2+$0xB67F];
	v17 =	vshll.u32 v7, $0x9;
	v6 =	vshll.u32 v6, $0x5;
	v14 =	vadd.s32 v10, v14  }
0xff: {  	v15 =	vld [tilespmem:s2+$0xB681];
	v6 =	vadd.s32 v6, v17;
	v7 =	vadd.s32 v16, v14  }
0x100: {  	v43 =	vshll.u32 v12, $0x5;
	v6 =	vadd.s32 v10, v6  }
0x101: {  	v18 =	vshll.u32 v13, $0x9;
	v14 =	vadd.s32 v10, v43  }
0x102: {  	v14 =	vadd.s32 v18, v14;
	_ =	sdelay $0x1  }
0x103: {  	v8 =	vshll.u32 v8, $0x9;
	v15 =	vshll.u32 v15, $0x5;
	v44 =	vld.idx.msk [tilespmem:v7+s5+$0x0], $0xffff  }
0x104: {  	v8 =	vadd.s32 v8, v15;
	v20 =	vld.idx.msk [tilespmem:v6+s6+$0x0], $0xffff  }
0x105: {  	v19 =	vld [tilespmem:s2+$0xD17F];
	v8 =	vadd.s32 v10, v8  }
0x106: {  	v21 =	vld.idx.msk [tilespmem:v14+s9+$0x0], $0xffff  }
0x107: {  	v7 =	vld.idx.msk [tilespmem:v7+s30+$0x0], $0xffff  }
0x108: {  	v22 =	vld.idx.msk [tilespmem:v6+s8+$0x0], $0xffff  }
0x109: {  	v45 =	vld [tilespmem:s1+$0xD180];
	v6 =	vadd.bf16 v20, v44  }
0x10a: {  	v46 =	vmov s3;
	v23 =	vld.idx.msk [tilespmem:v8+s13+$0x0], $0xffff  }
0x10b: {  	v14 =	vld.idx.msk [tilespmem:v14+s10+$0x0], $0xffff;
	v47 =	vadd.bf16 v21, v6;
	v6 =	vshll.u32 v46, $0x3  }
0x10c: {  	v24 =	vor.u32 s3, v1;
	v48 =	vor.u32 s3, v3;
	v27 =	vld [tilespmem:s2+$0xDA7F];
	v26 =	vand.u32 $0x7C00, v6  }
0x10d: {  	v25 =	vld.idx.msk [tilespmem:v8+s14+$0x0], $0xffff;
	v22 =	vadd.bf16 v22, v7;
	v7 =	vand.u32 $0x7E, v24;
	v49 =	vor.u32 $0x8000, v26  }
0x10e: {  	v28 =	vld [tilespmem:s1+$0xDA80];
	v33 =	vshll.u32 v45, $0x5;
	v8 =	vand.u32 $0x7F, v48;
	v50 =	vor.u32 v7, v49  }
0x10f: {  	v51 =	vld [tilespmem:s2+$0xDA81];
	v12 =	vshll.u32 v12, $0x9;
	v29 =	vor.u32 $0x8080, v26;
	v24 =	vor.u32 v8, v49  }
0x110: {  	v20 =	vld [tilespmem:s2+$0xD181];
	v14 =	vadd.bf16 v14, v22;
	v23 =	vadd.bf16 v23, v47;
	v31 =	vor.u32 v7, v29  }
0x111: {  	v30 =	vld [tilespmem:s2+$0xE37F];
	v10 =	vshll.u32 v10, $0x5;
	v18 =	vadd.s32 v11, v18;
	v29 =	vor.u32 v8, v29  }
0x112: {  	v32 =	vld [tilespmem:s1+$0xE380];
	v18 =	vadd.s32 v33, v18;
	v14 =	vadd.bf16 v25, v14;
	v52 =	vunpack.i.l.bf16.f32 v23  }
0x113: {  	v34 =	vld [tilespmem:s2+$0xE381];
	v10 =	vadd.s32 v10, v12;
	v53 =	vunpack.i.u.bf16.f32 v23;
	[tilespmem:v50+s15+$0x0] =	vst.idx.msk $0xffff, v52  }
0x114: {  	v55 =	vshll.u32 v19, $0x5;
	v10 =	vadd.s32 v11, v10;
	v54 =	vunpack.i.l.bf16.f32 v14;
	[tilespmem:v24+s15+$0x0] =	vst.idx.msk $0xffff, v53  }
0x115: {  	v22 =	vadd.s32 v11, v55;
	v56 =	vshll.u32 v20, $0x9;
	v14 =	vunpack.i.u.bf16.f32 v14;
	[tilespmem:v31+s15+$0x0] =	vst.idx.msk $0xffff, v54  }
0x116: {  	v9 =	vshll.u32 v9, $0x5;
	v57 =	vadd.s32 v56, v22;
	[tilespmem:v29+s15+$0x0] =	vst.idx.msk $0xffff, v14  }
0x117: {  	v9 =	vadd.s32 v17, v9;
	v58 =	vld.idx.msk [tilespmem:v18+s5+$0x0], $0xffff  }
0x118: {  	v9 =	vadd.s32 v11, v9;
	v59 =	vld.idx.msk [tilespmem:v18+s30+$0x0], $0xffff  }
0x119: {  	v60 =	vld.idx.msk [tilespmem:v10+s6+$0x0], $0xffff  }
0x11a: {  	v10 =	vld.idx.msk [tilespmem:v10+s8+$0x0], $0xffff  }
0x11b: {  	v61 =	vld.idx.msk [tilespmem:v57+s9+$0x0], $0xffff  }
0x11c: {  	v14 =	vld.idx.msk [tilespmem:v57+s10+$0x0], $0xffff  }
0x11d: {  	v24 =	vld.idx.msk [tilespmem:v9+s13+$0x0], $0xffff  }
0x11e: {  	v11 =	vadd.bf16 v60, v58  }
0x11f: {  	v62 =	vor.u32 $0x8100, v26;
	v9 =	vld.idx.msk [tilespmem:v9+s14+$0x0], $0xffff  }
0x120: {  	v63 =	vor.u32 v7, v62;
	v10 =	vadd.bf16 v10, v59;
	v11 =	vadd.bf16 v61, v11  }
0x121: {  	v35 =	vshll.u32 v28, $0x5;
	v25 =	vor.u32 $0x8180, v26;
	v17 =	vor.u32 v8, v62  }
0x122: {  	v29 =	vor.u32 v7, v25;
	v10 =	vadd.bf16 v14, v10;
	v11 =	vadd.bf16 v24, v11  }
0x123: {  	v19 =	vshll.u32 v19, $0x9;
	v31 =	vadd.s32 v45, v56;
	v18 =	vor.u32 v8, v25  }
0x124: {  	v22 =	vadd.s32 v35, v31;
	v9 =	vadd.bf16 v9, v10;
	v24 =	vunpack.i.l.bf16.f32 v11  }
0x125: {  	v36 =	vadd.s32 v16, v19;
	v11 =	vunpack.i.u.bf16.f32 v11;
	[tilespmem:v63+s15+$0x0] =	vst.idx.msk $0xffff, v24  }
0x126: {  	v39 =	vshll.u32 v27, $0x5;
	v38 =	vadd.s32 v45, v36;
	v37 =	vunpack.i.l.bf16.f32 v9;
	[tilespmem:v17+s15+$0x0] =	vst.idx.msk $0xffff, v11  }
0x127: {  	v40 =	vshll.u32 v51, $0x9;
	v14 =	vadd.s32 v45, v39;
	v9 =	vunpack.i.u.bf16.f32 v9;
	[tilespmem:v29+s15+$0x0] =	vst.idx.msk $0xffff, v37  }
0x128: {  	v13 =	vshll.u32 v13, $0x5;
	v41 =	vadd.s32 v40, v14;
	[tilespmem:v18+s15+$0x0] =	vst.idx.msk $0xffff, v9  }
0x129: {  	v12 =	vadd.s32 v12, v13;
	v42 =	vld.idx.msk [tilespmem:v22+s5+$0x0], $0xffff  }
0x12a: {  	v12 =	vadd.s32 v45, v12;
	v43 =	vld.idx.msk [tilespmem:v22+s30+$0x0], $0xffff  }
0x12b: {  	v44 =	vld.idx.msk [tilespmem:v38+s6+$0x0], $0xffff  }
0x12c: {  	v11 =	vld.idx.msk [tilespmem:v38+s8+$0x0], $0xffff  }
0x12d: {  	v16 =	vld.idx.msk [tilespmem:v41+s9+$0x0], $0xffff  }
0x12e: {  	v9 =	vld.idx.msk [tilespmem:v41+s10+$0x0], $0xffff  }
0x12f: {  	v17 =	vld.idx.msk [tilespmem:v12+s13+$0x0], $0xffff  }
0x130: {  	v14 =	vadd.bf16 v44, v42  }
0x131: {  	v47 =	vor.u32 $0x8280, v26;
	v45 =	vor.u32 $0x8200, v26;
	v12 =	vld.idx.msk [tilespmem:v12+s14+$0x0], $0xffff  }
0x132: {  	v46 =	vor.u32 v7, v45;
	v11 =	vadd.bf16 v11, v43;
	v14 =	vadd.bf16 v16, v14  }
0x133: {  	v48 =	vor.u32 v7, v47;
	v13 =	vor.u32 v8, v45  }
0x134: {  	v15 =	vor.u32 v8, v47;
	v9 =	vadd.bf16 v9, v11;
	v14 =	vadd.bf16 v17, v14  }
0x135: {  	v49 =	vshll.u32 v32, $0x5;
	v50 =	vshll.u32 v27, $0x9;
	v10 =	vadd.s32 v28, v40  }
0x136: {  	v10 =	vadd.s32 v49, v10;
	v9 =	vadd.bf16 v12, v9;
	v17 =	vunpack.i.l.bf16.f32 v14  }
0x137: {  	v51 =	vadd.s32 v33, v50;
	v53 =	vshll.u32 v30, $0x5;
	v14 =	vunpack.i.u.bf16.f32 v14;
	[tilespmem:v46+s15+$0x0] =	vst.idx.msk $0xffff, v17  }
0x138: {  	v54 =	vshll.u32 v34, $0x9;
	v11 =	vadd.s32 v28, v51;
	v52 =	vunpack.i.l.bf16.f32 v9;
	[tilespmem:v13+s15+$0x0] =	vst.idx.msk $0xffff, v14  }
0x139: {  	v56 =	vshll.u32 v20, $0x5;
	v9 =	vunpack.i.u.bf16.f32 v9;
	v13 =	vadd.s32 v28, v53;
	[tilespmem:v48+s15+$0x0] =	vst.idx.msk $0xffff, v52  }
0x13a: {  	v12 =	vadd.s32 v19, v56;
	v55 =	vadd.s32 v54, v13;
	[tilespmem:v15+s15+$0x0] =	vst.idx.msk $0xffff, v9  }
0x13b: {  	v12 =	vadd.s32 v28, v12;
	v57 =	vld.idx.msk [tilespmem:v10+s5+$0x0], $0xffff  }
0x13c: {  	v10 =	vld.idx.msk [tilespmem:v10+s30+$0x0], $0xffff  }
0x13d: {  	v14 =	vld.idx.msk [tilespmem:v11+s6+$0x0], $0xffff  }
0x13e: {  	v11 =	vld.idx.msk [tilespmem:v11+s8+$0x0], $0xffff  }
0x13f: {  	v15 =	vld.idx.msk [tilespmem:v55+s9+$0x0], $0xffff  }
0x140: {  	v16 =	vld.idx.msk [tilespmem:v12+s13+$0x0], $0xffff  }
0x141: {  	v9 =	vld.idx.msk [tilespmem:v55+s10+$0x0], $0xffff  }
0x142: {  	v13 =	vadd.bf16 v14, v57  }
0x143: {  	v58 =	vor.u32 $0x8300, v6;
	v12 =	vld.idx.msk [tilespmem:v12+s14+$0x0], $0xffff  }
0x144: {  	v59 =	vor.u32 v7, v58;
	v10 =	vadd.bf16 v11, v10;
	v13 =	vadd.bf16 v15, v13  }
0x145: {  	v6 =	vor.u32 $0x8380, v6;
	v14 =	vor.u32 v8, v58  }
0x146: {  	v7 =	vor.u32 v7, v6;
	v9 =	vadd.bf16 v9, v10;
	v13 =	vadd.bf16 v16, v13  }
0x147: {  	p0 =	sne.s32 s31, $0x1FC0;
	v6 =	vor.u32 v8, v6  }
.Ltmp3:
0x148: {  	v60 =	vadd.bf16 v12, v9;
	v61 =	vunpack.i.l.bf16.f32 v13;
	(pc) =	sbr.rel @p0 .LBB2_5-.Ltmp3, $4  }
0x149: {  	v62 =	vunpack.i.u.bf16.f32 v13;
	[tilespmem:v59+s15+$0x0] =	vst.idx.msk $0xffff, v61  }
0x14a: {  	v63 =	vunpack.i.l.bf16.f32 v60;
	[tilespmem:v14+s15+$0x0] =	vst.idx.msk $0xffff, v62  }
0x14b: {  	v8 =	vunpack.i.u.bf16.f32 v60;
	[tilespmem:v7+s15+$0x0] =	vst.idx.msk $0xffff, v63  }
0x14c: {  	s3 =	sadd.s32 $0x20, s3;
	s7 =	sadd.s32 $0x10, s7;
	s31 =	sadd.s32 $0x40, s31;
	[tilespmem:v6+s15+$0x0] =	vst.idx.msk $0xffff, v8  }
.Ltmp4:
0x14d: {  	(pc) =	sbr.rel @p1 .LBB2_8-.Ltmp4, $4  }
0x14e: {  	_ = 	snop  }
0x14f: {  	s1 =	sshll.u32 s12, $0xA;
	s2 =	rddreg [dreg:$0x2]  }
0x150: {  	s1 =	sadd.s32 s2, s1  }
0x151: {  	[hbm4b:s1+s5] =	stream.linear.scatter [tilespmem:s20], [sflag:$0x4], $0x8000, $0x38;
	[tilespmem:$0x1EC00] =	vst v63  }
0x152: {  	s1 =	sadd.s32 s11, s19  }
0x153: {  	p0 =	sgt.u32 s1, $0x800;
	s2 =	sadd.s32 $0xFFFFFFFF, s1  }
0x154: {  	s2 =	simm.s32 @p0 $0x7FE  }
0x155: {  	s3 =	sshll.u32 s2, $0x4  }
0x156: {  	s2 =	sshll.u32 s2, $0x8;
	s3 =	sand.u32 $0x70, s3  }
0x157: {  	s2 =	sand.u32 $0xFFFF800, s2;
	s3 =	sadd.s32 s0, s3  }
0x158: {  	s7 =	simm.s32 $0xB680;
	s2 =	sadd.s32 s2, s3  }
0x159: {  	[tilespmem:s7], [sflag:$0x2] =	stream.strided.gather [hbm4b:s2+s22], $0x800, s23, s22, $0x38;
	[tilespmem:$0x1EC00] =	vst v63  }
0x15a: {  	p0 =	sgt.u32 s1, $0x7FF;
	s2 =	smov.u32 s1  }
0x15b: {  	s2 =	simm.s32 @p0 $0x7FE  }
0x15c: {  	s11 =	sshll.u32 s2, $0x4  }
0x15d: {  	s2 =	sshll.u32 s2, $0x8;
	s3 =	sand.u32 $0x60, s11  }
0x15e: {  	s2 =	sand.u32 $0xFFFF800, s2;
	s3 =	sadd.s32 s0, s3  }
0x15f: {  	s12 =	simm.s32 $0xBF80;
	s2 =	sadd.s32 s2, s3  }
0x160: {  	[tilespmem:s12], [sflag:$0x2] =	stream.strided.gather [hbm4b:s2+s22], $0x800, s23, s22, $0x38;
	[tilespmem:$0x1EC00] =	vst v63  }
0x161: {  	p1 =	sgt.u32 s1, $0x7FE;
	s2 =	sor.u32 $0x1, s1  }
0x162: {  	s2 =	simm.s32 @p1 $0x7FE  }
0x163: {  	s31 =	sshll.u32 s2, $0x4  }
0x164: {  	s2 =	sshll.u32 s2, $0x8;
	s3 =	sand.u32 $0x70, s31  }
0x165: {  	s2 =	sand.u32 $0xFFFF800, s2;
	s3 =	sadd.s32 s0, s3  }
0x166: {  	s7 =	simm.s32 $0xC880;
	s2 =	sadd.s32 s2, s3  }
0x167: {  	[tilespmem:s7], [sflag:$0x2] =	stream.strided.gather [hbm4b:s2+s22], $0x800, s23, s22, $0x38;
	[tilespmem:$0x1EC00] =	vst v63  }
0x168: {  	s2 =	sor.u32 $0x2, s1  }
0x169: {  	s2 =	simm.s32 @p0 $0x7FE  }
0x16a: {  	s11 =	sshll.u32 s2, $0x4  }
0x16b: {  	s2 =	sshll.u32 s2, $0x8;
	s3 =	sand.u32 $0x70, s11  }
0x16c: {  	s2 =	sand.u32 $0xFFFF800, s2;
	s3 =	sadd.s32 s0, s3  }
0x16d: {  	s2 =	sadd.s32 s2, s3  }
0x16e: {  	[tilespmem:s24], [sflag:$0x2] =	stream.strided.gather [hbm4b:s2+s22], $0x800, s23, s22, $0x38;
	[tilespmem:$0x1EC00] =	vst v63  }
0x16f: {  	s2 =	sor.u32 $0x3, s1  }
0x170: {  	s2 =	simm.s32 @p0 $0x7FE  }
0x171: {  	s12 =	sshll.u32 s2, $0x4  }
0x172: {  	p0 =	sgt.u32 s1, $0x7FB;
	s2 =	sshll.u32 s2, $0x8;
	s3 =	sand.u32 $0x70, s12  }
0x173: {  	s1 =	sadd.s32 $0x4, s1;
	s2 =	sand.u32 $0xFFFF800, s2;
	s3 =	sadd.s32 s0, s3  }
0x174: {  	s1 =	simm.s32 @p0 $0x7FE;
	s2 =	sadd.s32 s2, s3  }
0x175: {  	[tilespmem:s25], [sflag:$0x2] =	stream.strided.gather [hbm4b:s2+s22], $0x800, s23, s22, $0x38;
	[tilespmem:$0x1EC00] =	vst v63  }
.Ltmp5:
0x176: {  	s31 =	sshll.u32 s1, $0x4;
	(pc) =	sbr.rel .LBB2_2-.Ltmp5, $4  }
0x177: {  	s1 =	sshll.u32 s1, $0x8;
	s2 =	sand.u32 $0x70, s31  }
0x178: {  	s1 =	sand.u32 $0xFFFF800, s1;
	s2 =	sadd.s32 s0, s2  }
0x179: {  	s21 =	sadd.s32 $0x1, s21;
	s1 =	sadd.s32 s1, s2  }
0x17a: {  	[tilespmem:s26], [sflag:$0x2] =	stream.strided.gather [hbm4b:s1+s22], $0x800, s23, s22, $0x38;
	[tilespmem:$0x1EC00] =	vst v63  }
.LBB2_9:
0x17b: {  	_ =	sfence.sel $0x180000  }
0x17c: {  	[bflag:$0x0] =	sbarrier.arrive $0xFFFF  }
0x17d: {  	_ =	strace $0x90000047  }
0x17e: {  	s0 =	stileid.u32;
	[bflag:$0x2] =	sbarrier.arrive $0xFFFF  }
0x17f: {  	p0 =	sne.s32 s0, $0x0;
	s0 =	rddreg [dreg:$0x3]  }
0x180: {  	s0 =	sadd.s32 @!p0 $0x100000, s0  }
0x181: {  	[sflag:s0] =	ssyncadd.tile.s32 @!p0 $0x1;
	_ =	shalt  }
.Lfunc_end2:
_tile_overlayer_lowered:
.L_overlay_start_2:
0x182: {  	(tag) =	ssettag $0x2  }
0x183: {  	s0 =	rddreg [dreg:$0x0];
	s2 =	stileid.u32  }
0x184: {  	s1 =	rddreg [dreg:$0x1];
	p0 =	sne.s32 s2, $0x0  }
0x185: {  	s3 =	rddreg [dreg:$0x2];
	[bflag:$0x3] =	sbarrier.arrive $0xFFFF;
	s2 =	simm.s32 @!p0 $0x1C05  }
0x186: {  	[timem:s3], [sflag:s2] =	dma.local @!p0 [hbm:s0], s1  }
0x187: {  	s0 =	simm.s32 @!p0 $0x5  }
0x188: {  	_ =	swait.ge @!p0 [sflag:s0], s1  }
0x189: {  	s1 =	ssub.s32 @!p0 $0x0, s1;
	[sflag:s0] =	ssyncset.done @!p0 $0x0  }
0x18a: {  	[sflag:s0] =	ssyncadd.s32 @!p0 s1  }
0x18b: {  	[bflag:$0x3] =	sbarrier.arrive $0xFFFF  }
0x18c: {  	_ =	shalt  }

</sc_bundles>
